<compile_context>
chip_gen: v7x
topology: tpu7x:2x2x1
jax: 0.10.2.dev20260603
libtpu: 0.0.44.dev20260713+nightly
codegen_flags: <defaults>
</compile_context>

<pallas_src>
import jax
import jax.numpy as jnp
from jax import lax
from jax.experimental import pallas as pl
from jax.experimental.pallas import tpu as pltpu
from jax.experimental.pallas import tpu_sc as plsc

_B = 16384
_D = 32
_NC = 2
_NS = 16
_NW = _NC * _NS
_BPW = _B // _NW
_CH = 128
_NCH = _BPW // _CH
_L = 16


def _rsqrt16(v):
    i = plsc.bitcast(v, jnp.int32)
    i = jnp.int32(0x5F3759DF) - lax.shift_right_arithmetic(i, 1)
    y = plsc.bitcast(i, jnp.float32)
    for _ in range(3):
        y = y * (1.5 - 0.5 * v * y * y)
    return y


def _body(x0_hbm, x1_hbm, m_hbm, g_hbm, wv_hbm, bv_hbm, out_hbm,
          idxm, idxg, mrows, grows, obuf, wbuf, bbuf,
          sm0, sm1, sm2, sm3, sg0, sg1, sg2, sg3):
    wid = lax.axis_index("s") * _NC + lax.axis_index("c")

    pltpu.sync_copy(x0_hbm.at[wid], idxm)
    pltpu.sync_copy(x1_hbm.at[wid], idxg)
    pltpu.sync_copy(wv_hbm, wbuf)
    pltpu.sync_copy(bv_hbm, bbuf)

    sems_m = (sm0, sm1, sm2, sm3)
    sems_g = (sg0, sg1, sg2, sg3)
    cps = []
    for j in range(_NCH):
        cps.append((
            pltpu.async_copy(
                m_hbm.at[idxm.at[j]], mrows.at[pl.ds(j * _CH, _CH)],
                sems_m[j]),
            pltpu.async_copy(
                g_hbm.at[idxg.at[j]], grows.at[pl.ds(j * _CH, _CH)],
                sems_g[j]),
        ))

    w16 = wbuf[...]
    b16 = bbuf[...]
    lanes = lax.iota(jnp.int32, _L)

    for j in range(_NCH):
        cpm, cpg = cps[j]
        cpm.wait()
        cpg.wait()

        def group(gi, carry, j=j):
            row0 = j * _CH + gi * _L
            ridx = row0 + lanes
            amg0 = jnp.zeros((_L,), jnp.float32)
            amm0 = jnp.zeros((_L,), jnp.float32)
            agg0 = jnp.zeros((_L,), jnp.float32)
            amg1 = jnp.zeros((_L,), jnp.float32)
            amm1 = jnp.zeros((_L,), jnp.float32)
            agg1 = jnp.zeros((_L,), jnp.float32)
            for d in range(0, _D, 2):
                c0 = jnp.full((_L,), d, jnp.int32)
                c1 = jnp.full((_L,), d + 1, jnp.int32)
                mc0 = plsc.load_gather(mrows, [ridx, c0])
                gc0 = plsc.load_gather(grows, [ridx, c0])
                mc1 = plsc.load_gather(mrows, [ridx, c1])
                gc1 = plsc.load_gather(grows, [ridx, c1])
                amg0 = amg0 + mc0 * gc0
                amm0 = amm0 + mc0 * mc0
                agg0 = agg0 + gc0 * gc0
                amg1 = amg1 + mc1 * gc1
                amm1 = amm1 + mc1 * mc1
                agg1 = agg1 + gc1 * gc1
            amg = amg0 + amg1
            amm = amm0 + amm1
            agg = agg0 + agg1
            cos = amg * _rsqrt16(jnp.maximum(amm, 1e-12)) \
                      * _rsqrt16(jnp.maximum(agg, 1e-12))
            z = cos * w16 + b16
            obuf[pl.ds(row0, _L)] = 1.0 / (1.0 + jnp.exp(-z))
            return carry

        lax.fori_loop(0, _CH // _L, group, jnp.int32(0))

    base = pl.multiple_of(wid * _BPW, 8)
    pltpu.sync_copy(obuf, out_hbm.at[pl.ds(base, _BPW)])


@jax.jit
def _run(x0, x1, m_table, g_table, wv, bv):
    mesh = plsc.VectorSubcoreMesh(core_axis_name="c", subcore_axis_name="s")
    return pl.kernel(
        _body,
        mesh=mesh,
        compiler_params=pltpu.CompilerParams(
            needs_layout_passes=False, use_tc_tiling_on_sc=False),
        out_type=jax.ShapeDtypeStruct((_B,), jnp.float32),
        scratch_types=[
            pltpu.VMEM((_NCH, _CH), jnp.int32),
            pltpu.VMEM((_NCH, _CH), jnp.int32),
            pltpu.VMEM((_BPW, _D), jnp.float32),
            pltpu.VMEM((_BPW, _D), jnp.float32),
            pltpu.VMEM((_BPW,), jnp.float32),
            pltpu.VMEM((_L,), jnp.float32),
            pltpu.VMEM((_L,), jnp.float32),
            pltpu.SemaphoreType.DMA,
            pltpu.SemaphoreType.DMA,
            pltpu.SemaphoreType.DMA,
            pltpu.SemaphoreType.DMA,
            pltpu.SemaphoreType.DMA,
            pltpu.SemaphoreType.DMA,
            pltpu.SemaphoreType.DMA,
            pltpu.SemaphoreType.DMA,
        ],
    )(x0, x1, m_table, g_table, wv, bv)


def kernel(x, m_table, g_table, W, b):
    xi = x.astype(jnp.int32)
    x0 = xi[0].reshape(_NW, _NCH, _CH)
    x1 = xi[1].reshape(_NW, _NCH, _CH)
    m0 = m_table[:100000]
    wv = jnp.full((_L,), W[0, 0], jnp.float32)
    bv = jnp.full((_L,), b[0], jnp.float32)
    out = _run(x0, x1, m0, g_table, wv, bv)
    return out.reshape(_B, 1)

# --- scband reference (transcript-rebuilt; emitter-appended) ---
"""Pipeline reference for scband-floral-genre-embedding-65747359367545 (READ-ONLY COPY).

The authoritative reference and input builder live on the scoring server;
editing this copy changes nothing except your own understanding.
"""

import jax, jax.numpy as jnp
import numpy as np

LEN_FLORALS = 1000000
LEN_GENRES = 100000
EMBED_DIM = 32
BATCH = 16384


def setup_inputs(seed: int = 0) -> dict:
    key = jax.random.key(seed)
    k1, k2, k3, k4, k5 = jax.random.split(key, 5)
    x = jax.random.randint(k1, (2, BATCH), 0, LEN_GENRES, dtype=jnp.int64 if jax.config.jax_enable_x64 else jnp.int32)
    m_table = jax.random.normal(k2, (LEN_FLORALS, EMBED_DIM), dtype=jnp.float32) * 0.05
    g_table = jax.random.normal(k3, (LEN_GENRES, EMBED_DIM), dtype=jnp.float32) * 0.05
    W = jax.random.normal(k4, (1, 1), dtype=jnp.float32) * 0.05
    b = jnp.zeros((1,), dtype=jnp.float32)
    return {"x": x, "m_table": m_table, "g_table": g_table, "W": W, "b": b}


def _l2_normalize(v, axis=1, eps=1e-12):
    sq = jnp.sum(v * v, axis=axis, keepdims=True)
    return v * jax.lax.rsqrt(jnp.maximum(sq, eps))


def reference(x, m_table, g_table, W, b):
    # embedding lookups (gather)
    memb = jnp.take(m_table, x[0], axis=0)  # [B, D]
    gemb = jnp.take(g_table, x[1], axis=0)  # [B, D]
    # Dot(normalize=True, axes=1) == cosine similarity along feature axis
    mn = _l2_normalize(memb, axis=1)
    gn = _l2_normalize(gemb, axis=1)
    m_g = jnp.sum(mn * gn, axis=1, keepdims=True)  # [B, 1]
    # Dense(1, sigmoid)
    out = jax.nn.sigmoid(m_g @ W + b)  # [B, 1]
    return out

if __name__ == "__main__":
    import jax
    _d = setup_inputs()
    print(jax.jit(kernel)(*tuple(_d.values())))

</pallas_src>

<mosaic_0001>
#map = affine_map<(d0, d1) -> (0, 0, 0)>
#map1 = affine_map<(d0, d1) -> (0, 0)>
#map2 = affine_map<(d0, d1) -> (0)>
module attributes {stable_mosaic.version = 14 : i64} {
  func.func @_body(%arg0: i32, %arg1: i32, %arg2: memref<32x4x128xi32, #tpu.memory_space<hbm>>, %arg3: memref<32x4x128xi32, #tpu.memory_space<hbm>>, %arg4: memref<100000x32xf32, #tpu.memory_space<hbm>>, %arg5: memref<100000x32xf32, #tpu.memory_space<hbm>>, %arg6: memref<16xf32, #tpu.memory_space<hbm>>, %arg7: memref<16xf32, #tpu.memory_space<hbm>>, %arg8: memref<16384xf32, #tpu.memory_space<hbm>>, %arg9: memref<4x128xi32, #tpu.memory_space<vmem>>, %arg10: memref<4x128xi32, #tpu.memory_space<vmem>>, %arg11: memref<512x32xf32, #tpu.memory_space<vmem>>, %arg12: memref<512x32xf32, #tpu.memory_space<vmem>>, %arg13: memref<512xf32, #tpu.memory_space<vmem>>, %arg14: memref<16xf32, #tpu.memory_space<vmem>>, %arg15: memref<16xf32, #tpu.memory_space<vmem>>, %arg16: memref<!tpu.dma_semaphore, #tpu.memory_space<semaphore_mem>>, %arg17: memref<!tpu.dma_semaphore, #tpu.memory_space<semaphore_mem>>, %arg18: memref<!tpu.dma_semaphore, #tpu.memory_space<semaphore_mem>>, %arg19: memref<!tpu.dma_semaphore, #tpu.memory_space<semaphore_mem>>, %arg20: memref<!tpu.dma_semaphore, #tpu.memory_space<semaphore_mem>>, %arg21: memref<!tpu.dma_semaphore, #tpu.memory_space<semaphore_mem>>, %arg22: memref<!tpu.dma_semaphore, #tpu.memory_space<semaphore_mem>>, %arg23: memref<!tpu.dma_semaphore, #tpu.memory_space<semaphore_mem>>) attributes {dimension_semantics = [#tpu.dimension_semantics<core_parallel>, #tpu.dimension_semantics<subcore_parallel>], iteration_bounds = array<i64: 2, 16>, scalar_prefetch = 0 : i64, scratch_operands = 15 : i64, tpu.core_type = #tpu.core_type<sc_vector_subcore>, window_params = [{transform_indices = #map}, {transform_indices = #map}, {transform_indices = #map1}, {transform_indices = #map1}, {transform_indices = #map2}, {transform_indices = #map2}, {transform_indices = #map2}]} {
    %mul3A = arith.constant 2 : i32
    %mul3A_0 = arith.muli %arg1, %mul3A : i32
    %add3A = arith.addi %mul3A_0, %arg0 : i32
    "tpu.region"() ({
      %run_scoped3A = tpu.sem_alloc : memref<!tpu.dma_semaphore, #tpu.memory_space<semaphore_mem>>
      %dma_start3A_187 = arith.constant 0 : i32
      %dma_start3A_188 = arith.constant 0 : i32
      %dma_start3A_189 = tpu.memref_slice %arg2[%add3A, %dma_start3A_187, %dma_start3A_188] : memref<32x4x128xi32, #tpu.memory_space<hbm>> -> memref<1x4x128xi32, #tpu.memory_space<hbm>>
      %dma_start3A_190 = tpu.memref_squeeze %dma_start3A_189 : memref<1x4x128xi32, #tpu.memory_space<hbm>> -> memref<4x128xi32, #tpu.memory_space<hbm>>
      %dma_start3A_191 = arith.constant 0 : i32
      %dma_start3A_192 = arith.constant 0 : i32
      %dma_start3A_193 = tpu.memref_slice %arg2[%add3A, %dma_start3A_191, %dma_start3A_192] : memref<32x4x128xi32, #tpu.memory_space<hbm>> -> memref<1x4x128xi32, #tpu.memory_space<hbm>>
      %dma_start3A_194 = tpu.memref_squeeze %dma_start3A_193 : memref<1x4x128xi32, #tpu.memory_space<hbm>> -> memref<4x128xi32, #tpu.memory_space<hbm>>
      tpu.enqueue_dma source(%dma_start3A_194 : memref<4x128xi32, #tpu.memory_space<hbm>>) target(%arg9 : memref<4x128xi32, #tpu.memory_space<vmem>>) target_semaphore(%run_scoped3A : memref<!tpu.dma_semaphore, #tpu.memory_space<semaphore_mem>>)
      %dma_wait3A_195 = arith.constant 0 : i32
      %dma_wait3A_196 = arith.constant 0 : i32
      %dma_wait3A_197 = tpu.memref_slice %arg2[%add3A, %dma_wait3A_195, %dma_wait3A_196] : memref<32x4x128xi32, #tpu.memory_space<hbm>> -> memref<1x4x128xi32, #tpu.memory_space<hbm>>
      %dma_wait3A_198 = tpu.memref_squeeze %dma_wait3A_197 : memref<1x4x128xi32, #tpu.memory_space<hbm>> -> memref<4x128xi32, #tpu.memory_space<hbm>>
      %dma_wait3A_199 = arith.constant 0 : i32
      %dma_wait3A_200 = arith.constant 0 : i32
      %dma_wait3A_201 = tpu.memref_slice %arg2[%add3A, %dma_wait3A_199, %dma_wait3A_200] : memref<32x4x128xi32, #tpu.memory_space<hbm>> -> memref<1x4x128xi32, #tpu.memory_space<hbm>>
      %dma_wait3A_202 = tpu.memref_squeeze %dma_wait3A_201 : memref<1x4x128xi32, #tpu.memory_space<hbm>> -> memref<4x128xi32, #tpu.memory_space<hbm>>
      tpu.wait_dma2 semaphore(%run_scoped3A : memref<!tpu.dma_semaphore, #tpu.memory_space<semaphore_mem>>) src(%dma_wait3A_202 : memref<4x128xi32, #tpu.memory_space<hbm>>) dst(%arg9 : memref<4x128xi32, #tpu.memory_space<vmem>>)
      tpu.yield
    }) : () -> ()
    "tpu.region"() ({
      %run_scoped3A = tpu.sem_alloc : memref<!tpu.dma_semaphore, #tpu.memory_space<semaphore_mem>>
      %dma_start3A_187 = arith.constant 0 : i32
      %dma_start3A_188 = arith.constant 0 : i32
      %dma_start3A_189 = tpu.memref_slice %arg3[%add3A, %dma_start3A_187, %dma_start3A_188] : memref<32x4x128xi32, #tpu.memory_space<hbm>> -> memref<1x4x128xi32, #tpu.memory_space<hbm>>
      %dma_start3A_190 = tpu.memref_squeeze %dma_start3A_189 : memref<1x4x128xi32, #tpu.memory_space<hbm>> -> memref<4x128xi32, #tpu.memory_space<hbm>>
      %dma_start3A_191 = arith.constant 0 : i32
      %dma_start3A_192 = arith.constant 0 : i32
      %dma_start3A_193 = tpu.memref_slice %arg3[%add3A, %dma_start3A_191, %dma_start3A_192] : memref<32x4x128xi32, #tpu.memory_space<hbm>> -> memref<1x4x128xi32, #tpu.memory_space<hbm>>
      %dma_start3A_194 = tpu.memref_squeeze %dma_start3A_193 : memref<1x4x128xi32, #tpu.memory_space<hbm>> -> memref<4x128xi32, #tpu.memory_space<hbm>>
      tpu.enqueue_dma source(%dma_start3A_194 : memref<4x128xi32, #tpu.memory_space<hbm>>) target(%arg10 : memref<4x128xi32, #tpu.memory_space<vmem>>) target_semaphore(%run_scoped3A : memref<!tpu.dma_semaphore, #tpu.memory_space<semaphore_mem>>)
      %dma_wait3A_195 = arith.constant 0 : i32
      %dma_wait3A_196 = arith.constant 0 : i32
      %dma_wait3A_197 = tpu.memref_slice %arg3[%add3A, %dma_wait3A_195, %dma_wait3A_196] : memref<32x4x128xi32, #tpu.memory_space<hbm>> -> memref<1x4x128xi32, #tpu.memory_space<hbm>>
      %dma_wait3A_198 = tpu.memref_squeeze %dma_wait3A_197 : memref<1x4x128xi32, #tpu.memory_space<hbm>> -> memref<4x128xi32, #tpu.memory_space<hbm>>
      %dma_wait3A_199 = arith.constant 0 : i32
      %dma_wait3A_200 = arith.constant 0 : i32
      %dma_wait3A_201 = tpu.memref_slice %arg3[%add3A, %dma_wait3A_199, %dma_wait3A_200] : memref<32x4x128xi32, #tpu.memory_space<hbm>> -> memref<1x4x128xi32, #tpu.memory_space<hbm>>
      %dma_wait3A_202 = tpu.memref_squeeze %dma_wait3A_201 : memref<1x4x128xi32, #tpu.memory_space<hbm>> -> memref<4x128xi32, #tpu.memory_space<hbm>>
      tpu.wait_dma2 semaphore(%run_scoped3A : memref<!tpu.dma_semaphore, #tpu.memory_space<semaphore_mem>>) src(%dma_wait3A_202 : memref<4x128xi32, #tpu.memory_space<hbm>>) dst(%arg10 : memref<4x128xi32, #tpu.memory_space<vmem>>)
      tpu.yield
    }) : () -> ()
    "tpu.region"() ({
      %run_scoped3A = tpu.sem_alloc : memref<!tpu.dma_semaphore, #tpu.memory_space<semaphore_mem>>
      tpu.enqueue_dma source(%arg6 : memref<16xf32, #tpu.memory_space<hbm>>) target(%arg14 : memref<16xf32, #tpu.memory_space<vmem>>) target_semaphore(%run_scoped3A : memref<!tpu.dma_semaphore, #tpu.memory_space<semaphore_mem>>)
      tpu.wait_dma2 semaphore(%run_scoped3A : memref<!tpu.dma_semaphore, #tpu.memory_space<semaphore_mem>>) src(%arg6 : memref<16xf32, #tpu.memory_space<hbm>>) dst(%arg14 : memref<16xf32, #tpu.memory_space<vmem>>)
      tpu.yield
    }) : () -> ()
    "tpu.region"() ({
      %run_scoped3A = tpu.sem_alloc : memref<!tpu.dma_semaphore, #tpu.memory_space<semaphore_mem>>
      tpu.enqueue_dma source(%arg7 : memref<16xf32, #tpu.memory_space<hbm>>) target(%arg15 : memref<16xf32, #tpu.memory_space<vmem>>) target_semaphore(%run_scoped3A : memref<!tpu.dma_semaphore, #tpu.memory_space<semaphore_mem>>)
      tpu.wait_dma2 semaphore(%run_scoped3A : memref<!tpu.dma_semaphore, #tpu.memory_space<semaphore_mem>>) src(%arg7 : memref<16xf32, #tpu.memory_space<hbm>>) dst(%arg15 : memref<16xf32, #tpu.memory_space<vmem>>)
      tpu.yield
    }) : () -> ()
    %dma_start3A = arith.constant 0 : i32
    %dma_start3A_1 = arith.constant 0 : i32
    %dma_start3A_2 = arith.constant 0 : i32
    %dma_start3A_3 = tpu.memref_slice %arg11[%dma_start3A_1, %dma_start3A_2] : memref<512x32xf32, #tpu.memory_space<vmem>> -> memref<128x32xf32, #tpu.memory_space<vmem>>
    %dma_start3A_4 = arith.constant 0 : i32
    %dma_start3A_5 = tpu.memref_slice %arg9[%dma_start3A, %dma_start3A_4] : memref<4x128xi32, #tpu.memory_space<vmem>> -> memref<1x128xi32, #tpu.memory_space<vmem>>
    %dma_start3A_6 = tpu.memref_squeeze %dma_start3A_5 : memref<1x128xi32, #tpu.memory_space<vmem>> -> memref<128xi32, #tpu.memory_space<vmem>>
    %dma_start3A_7 = arith.constant 0 : i32
    %dma_start3A_8 = arith.constant 0 : i32
    %dma_start3A_9 = tpu.memref_slice %arg4[%dma_start3A_7, %dma_start3A_8] : memref<100000x32xf32, #tpu.memory_space<hbm>> -> memref<100000x32xf32, #tpu.memory_space<hbm>>
    tpu.enqueue_indirect_dma source(%dma_start3A_9 : memref<100000x32xf32, #tpu.memory_space<hbm>>) target(%dma_start3A_3 : memref<128x32xf32, #tpu.memory_space<vmem>>) offsets(%dma_start3A_6 : memref<128xi32, #tpu.memory_space<vmem>>) semaphore(%arg16 : memref<!tpu.dma_semaphore, #tpu.memory_space<semaphore_mem>>)
    %dma_start3A_10 = arith.constant 0 : i32
    %dma_start3A_11 = arith.constant 0 : i32
    %dma_start3A_12 = arith.constant 0 : i32
    %dma_start3A_13 = tpu.memref_slice %arg12[%dma_start3A_11, %dma_start3A_12] : memref<512x32xf32, #tpu.memory_space<vmem>> -> memref<128x32xf32, #tpu.memory_space<vmem>>
    %dma_start3A_14 = arith.constant 0 : i32
    %dma_start3A_15 = tpu.memref_slice %arg10[%dma_start3A_10, %dma_start3A_14] : memref<4x128xi32, #tpu.memory_space<vmem>> -> memref<1x128xi32, #tpu.memory_space<vmem>>
    %dma_start3A_16 = tpu.memref_squeeze %dma_start3A_15 : memref<1x128xi32, #tpu.memory_space<vmem>> -> memref<128xi32, #tpu.memory_space<vmem>>
    %dma_start3A_17 = arith.constant 0 : i32
    %dma_start3A_18 = arith.constant 0 : i32
    %dma_start3A_19 = tpu.memref_slice %arg5[%dma_start3A_17, %dma_start3A_18] : memref<100000x32xf32, #tpu.memory_space<hbm>> -> memref<100000x32xf32, #tpu.memory_space<hbm>>
    tpu.enqueue_indirect_dma source(%dma_start3A_19 : memref<100000x32xf32, #tpu.memory_space<hbm>>) target(%dma_start3A_13 : memref<128x32xf32, #tpu.memory_space<vmem>>) offsets(%dma_start3A_16 : memref<128xi32, #tpu.memory_space<vmem>>) semaphore(%arg20 : memref<!tpu.dma_semaphore, #tpu.memory_space<semaphore_mem>>)
    %dma_start3A_20 = arith.constant 1 : i32
    %dma_start3A_21 = arith.constant 128 : i32
    %dma_start3A_22 = arith.constant 0 : i32
    %dma_start3A_23 = tpu.memref_slice %arg11[%dma_start3A_21, %dma_start3A_22] : memref<512x32xf32, #tpu.memory_space<vmem>> -> memref<128x32xf32, #tpu.memory_space<vmem>>
    %dma_start3A_24 = arith.constant 0 : i32
    %dma_start3A_25 = tpu.memref_slice %arg9[%dma_start3A_20, %dma_start3A_24] : memref<4x128xi32, #tpu.memory_space<vmem>> -> memref<1x128xi32, #tpu.memory_space<vmem>>
    %dma_start3A_26 = tpu.memref_squeeze %dma_start3A_25 : memref<1x128xi32, #tpu.memory_space<vmem>> -> memref<128xi32, #tpu.memory_space<vmem>>
    %dma_start3A_27 = arith.constant 0 : i32
    %dma_start3A_28 = arith.constant 0 : i32
    %dma_start3A_29 = tpu.memref_slice %arg4[%dma_start3A_27, %dma_start3A_28] : memref<100000x32xf32, #tpu.memory_space<hbm>> -> memref<100000x32xf32, #tpu.memory_space<hbm>>
    tpu.enqueue_indirect_dma source(%dma_start3A_29 : memref<100000x32xf32, #tpu.memory_space<hbm>>) target(%dma_start3A_23 : memref<128x32xf32, #tpu.memory_space<vmem>>) offsets(%dma_start3A_26 : memref<128xi32, #tpu.memory_space<vmem>>) semaphore(%arg17 : memref<!tpu.dma_semaphore, #tpu.memory_space<semaphore_mem>>)
    %dma_start3A_30 = arith.constant 1 : i32
    %dma_start3A_31 = arith.constant 128 : i32
    %dma_start3A_32 = arith.constant 0 : i32
    %dma_start3A_33 = tpu.memref_slice %arg12[%dma_start3A_31, %dma_start3A_32] : memref<512x32xf32, #tpu.memory_space<vmem>> -> memref<128x32xf32, #tpu.memory_space<vmem>>
    %dma_start3A_34 = arith.constant 0 : i32
    %dma_start3A_35 = tpu.memref_slice %arg10[%dma_start3A_30, %dma_start3A_34] : memref<4x128xi32, #tpu.memory_space<vmem>> -> memref<1x128xi32, #tpu.memory_space<vmem>>
    %dma_start3A_36 = tpu.memref_squeeze %dma_start3A_35 : memref<1x128xi32, #tpu.memory_space<vmem>> -> memref<128xi32, #tpu.memory_space<vmem>>
    %dma_start3A_37 = arith.constant 0 : i32
    %dma_start3A_38 = arith.constant 0 : i32
    %dma_start3A_39 = tpu.memref_slice %arg5[%dma_start3A_37, %dma_start3A_38] : memref<100000x32xf32, #tpu.memory_space<hbm>> -> memref<100000x32xf32, #tpu.memory_space<hbm>>
    tpu.enqueue_indirect_dma source(%dma_start3A_39 : memref<100000x32xf32, #tpu.memory_space<hbm>>) target(%dma_start3A_33 : memref<128x32xf32, #tpu.memory_space<vmem>>) offsets(%dma_start3A_36 : memref<128xi32, #tpu.memory_space<vmem>>) semaphore(%arg21 : memref<!tpu.dma_semaphore, #tpu.memory_space<semaphore_mem>>)
    %dma_start3A_40 = arith.constant 2 : i32
    %dma_start3A_41 = arith.constant 256 : i32
    %dma_start3A_42 = arith.constant 0 : i32
    %dma_start3A_43 = tpu.memref_slice %arg11[%dma_start3A_41, %dma_start3A_42] : memref<512x32xf32, #tpu.memory_space<vmem>> -> memref<128x32xf32, #tpu.memory_space<vmem>>
    %dma_start3A_44 = arith.constant 0 : i32
    %dma_start3A_45 = tpu.memref_slice %arg9[%dma_start3A_40, %dma_start3A_44] : memref<4x128xi32, #tpu.memory_space<vmem>> -> memref<1x128xi32, #tpu.memory_space<vmem>>
    %dma_start3A_46 = tpu.memref_squeeze %dma_start3A_45 : memref<1x128xi32, #tpu.memory_space<vmem>> -> memref<128xi32, #tpu.memory_space<vmem>>
    %dma_start3A_47 = arith.constant 0 : i32
    %dma_start3A_48 = arith.constant 0 : i32
    %dma_start3A_49 = tpu.memref_slice %arg4[%dma_start3A_47, %dma_start3A_48] : memref<100000x32xf32, #tpu.memory_space<hbm>> -> memref<100000x32xf32, #tpu.memory_space<hbm>>
    tpu.enqueue_indirect_dma source(%dma_start3A_49 : memref<100000x32xf32, #tpu.memory_space<hbm>>) target(%dma_start3A_43 : memref<128x32xf32, #tpu.memory_space<vmem>>) offsets(%dma_start3A_46 : memref<128xi32, #tpu.memory_space<vmem>>) semaphore(%arg18 : memref<!tpu.dma_semaphore, #tpu.memory_space<semaphore_mem>>)
    %dma_start3A_50 = arith.constant 2 : i32
    %dma_start3A_51 = arith.constant 256 : i32
    %dma_start3A_52 = arith.constant 0 : i32
    %dma_start3A_53 = tpu.memref_slice %arg12[%dma_start3A_51, %dma_start3A_52] : memref<512x32xf32, #tpu.memory_space<vmem>> -> memref<128x32xf32, #tpu.memory_space<vmem>>
    %dma_start3A_54 = arith.constant 0 : i32
    %dma_start3A_55 = tpu.memref_slice %arg10[%dma_start3A_50, %dma_start3A_54] : memref<4x128xi32, #tpu.memory_space<vmem>> -> memref<1x128xi32, #tpu.memory_space<vmem>>
    %dma_start3A_56 = tpu.memref_squeeze %dma_start3A_55 : memref<1x128xi32, #tpu.memory_space<vmem>> -> memref<128xi32, #tpu.memory_space<vmem>>
    %dma_start3A_57 = arith.constant 0 : i32
    %dma_start3A_58 = arith.constant 0 : i32
    %dma_start3A_59 = tpu.memref_slice %arg5[%dma_start3A_57, %dma_start3A_58] : memref<100000x32xf32, #tpu.memory_space<hbm>> -> memref<100000x32xf32, #tpu.memory_space<hbm>>
    tpu.enqueue_indirect_dma source(%dma_start3A_59 : memref<100000x32xf32, #tpu.memory_space<hbm>>) target(%dma_start3A_53 : memref<128x32xf32, #tpu.memory_space<vmem>>) offsets(%dma_start3A_56 : memref<128xi32, #tpu.memory_space<vmem>>) semaphore(%arg22 : memref<!tpu.dma_semaphore, #tpu.memory_space<semaphore_mem>>)
    %dma_start3A_60 = arith.constant 3 : i32
    %dma_start3A_61 = arith.constant 384 : i32
    %dma_start3A_62 = arith.constant 0 : i32
    %dma_start3A_63 = tpu.memref_slice %arg11[%dma_start3A_61, %dma_start3A_62] : memref<512x32xf32, #tpu.memory_space<vmem>> -> memref<128x32xf32, #tpu.memory_space<vmem>>
    %dma_start3A_64 = arith.constant 0 : i32
    %dma_start3A_65 = tpu.memref_slice %arg9[%dma_start3A_60, %dma_start3A_64] : memref<4x128xi32, #tpu.memory_space<vmem>> -> memref<1x128xi32, #tpu.memory_space<vmem>>
    %dma_start3A_66 = tpu.memref_squeeze %dma_start3A_65 : memref<1x128xi32, #tpu.memory_space<vmem>> -> memref<128xi32, #tpu.memory_space<vmem>>
    %dma_start3A_67 = arith.constant 0 : i32
    %dma_start3A_68 = arith.constant 0 : i32
    %dma_start3A_69 = tpu.memref_slice %arg4[%dma_start3A_67, %dma_start3A_68] : memref<100000x32xf32, #tpu.memory_space<hbm>> -> memref<100000x32xf32, #tpu.memory_space<hbm>>
    tpu.enqueue_indirect_dma source(%dma_start3A_69 : memref<100000x32xf32, #tpu.memory_space<hbm>>) target(%dma_start3A_63 : memref<128x32xf32, #tpu.memory_space<vmem>>) offsets(%dma_start3A_66 : memref<128xi32, #tpu.memory_space<vmem>>) semaphore(%arg19 : memref<!tpu.dma_semaphore, #tpu.memory_space<semaphore_mem>>)
    %dma_start3A_70 = arith.constant 3 : i32
    %dma_start3A_71 = arith.constant 384 : i32
    %dma_start3A_72 = arith.constant 0 : i32
    %dma_start3A_73 = tpu.memref_slice %arg12[%dma_start3A_71, %dma_start3A_72] : memref<512x32xf32, #tpu.memory_space<vmem>> -> memref<128x32xf32, #tpu.memory_space<vmem>>
    %dma_start3A_74 = arith.constant 0 : i32
    %dma_start3A_75 = tpu.memref_slice %arg10[%dma_start3A_70, %dma_start3A_74] : memref<4x128xi32, #tpu.memory_space<vmem>> -> memref<1x128xi32, #tpu.memory_space<vmem>>
    %dma_start3A_76 = tpu.memref_squeeze %dma_start3A_75 : memref<1x128xi32, #tpu.memory_space<vmem>> -> memref<128xi32, #tpu.memory_space<vmem>>
    %dma_start3A_77 = arith.constant 0 : i32
    %dma_start3A_78 = arith.constant 0 : i32
    %dma_start3A_79 = tpu.memref_slice %arg5[%dma_start3A_77, %dma_start3A_78] : memref<100000x32xf32, #tpu.memory_space<hbm>> -> memref<100000x32xf32, #tpu.memory_space<hbm>>
    tpu.enqueue_indirect_dma source(%dma_start3A_79 : memref<100000x32xf32, #tpu.memory_space<hbm>>) target(%dma_start3A_73 : memref<128x32xf32, #tpu.memory_space<vmem>>) offsets(%dma_start3A_76 : memref<128xi32, #tpu.memory_space<vmem>>) semaphore(%arg23 : memref<!tpu.dma_semaphore, #tpu.memory_space<semaphore_mem>>)
    %get3A = arith.constant 0 : index
    %get3A_80 = tpu.vector_load %arg14[%get3A] {strides = array<i32>} : memref<16xf32, #tpu.memory_space<vmem>>, vector<16xf32>,
    %get3A_81 = arith.constant 0 : index
    %get3A_82 = tpu.vector_load %arg15[%get3A_81] {strides = array<i32>} : memref<16xf32, #tpu.memory_space<vmem>>, vector<16xf32>,
    %iota3A = tpu.iota {dimensions = array<i32: 0>} : vector<16xi32>
    %dma_wait3A = arith.constant 0 : i32
    %dma_wait3A_83 = arith.constant 0 : i32
    %dma_wait3A_84 = arith.constant 0 : i32
    %dma_wait3A_85 = tpu.memref_slice %arg11[%dma_wait3A_83, %dma_wait3A_84] : memref<512x32xf32, #tpu.memory_space<vmem>> -> memref<128x32xf32, #tpu.memory_space<vmem>>
    %dma_wait3A_86 = arith.constant 0 : i32
    %dma_wait3A_87 = tpu.memref_slice %arg9[%dma_wait3A, %dma_wait3A_86] : memref<4x128xi32, #tpu.memory_space<vmem>> -> memref<1x128xi32, #tpu.memory_space<vmem>>
    %dma_wait3A_88 = tpu.memref_squeeze %dma_wait3A_87 : memref<1x128xi32, #tpu.memory_space<vmem>> -> memref<128xi32, #tpu.memory_space<vmem>>
    %dma_wait3A_89 = arith.constant 0 : i32
    %dma_wait3A_90 = arith.constant 0 : i32
    %dma_wait3A_91 = tpu.memref_slice %arg4[%dma_wait3A_89, %dma_wait3A_90] : memref<100000x32xf32, #tpu.memory_space<hbm>> -> memref<100000x32xf32, #tpu.memory_space<hbm>>
    tpu.wait_indirect_dma semaphore(%arg16 : memref<!tpu.dma_semaphore, #tpu.memory_space<semaphore_mem>>) src(%dma_wait3A_91 : memref<100000x32xf32, #tpu.memory_space<hbm>>) dst(%dma_wait3A_85 : memref<128x32xf32, #tpu.memory_space<vmem>>)
    %dma_wait3A_92 = arith.constant 0 : i32
    %dma_wait3A_93 = arith.constant 0 : i32
    %dma_wait3A_94 = arith.constant 0 : i32
    %dma_wait3A_95 = tpu.memref_slice %arg12[%dma_wait3A_93, %dma_wait3A_94] : memref<512x32xf32, #tpu.memory_space<vmem>> -> memref<128x32xf32, #tpu.memory_space<vmem>>
    %dma_wait3A_96 = arith.constant 0 : i32
    %dma_wait3A_97 = tpu.memref_slice %arg10[%dma_wait3A_92, %dma_wait3A_96] : memref<4x128xi32, #tpu.memory_space<vmem>> -> memref<1x128xi32, #tpu.memory_space<vmem>>
    %dma_wait3A_98 = tpu.memref_squeeze %dma_wait3A_97 : memref<1x128xi32, #tpu.memory_space<vmem>> -> memref<128xi32, #tpu.memory_space<vmem>>
    %dma_wait3A_99 = arith.constant 0 : i32
    %dma_wait3A_100 = arith.constant 0 : i32
    %dma_wait3A_101 = tpu.memref_slice %arg5[%dma_wait3A_99, %dma_wait3A_100] : memref<100000x32xf32, #tpu.memory_space<hbm>> -> memref<100000x32xf32, #tpu.memory_space<hbm>>
    tpu.wait_indirect_dma semaphore(%arg20 : memref<!tpu.dma_semaphore, #tpu.memory_space<semaphore_mem>>) src(%dma_wait3A_101 : memref<100000x32xf32, #tpu.memory_space<hbm>>) dst(%dma_wait3A_95 : memref<128x32xf32, #tpu.memory_space<vmem>>)
    %scan3A = arith.constant 0 : i32
    %scan3A_102 = arith.constant 0 : i32
    %scan3A_103 = arith.constant 8 : i32
    %scan3A_104 = arith.addi %scan3A_102, %scan3A_103 : i32
    %scan3A_105 = arith.constant 1 : i32
    scf.for %scan3A_187 = %scan3A_102 to %scan3A_104 step %scan3A_105  : i32 {
      %mul3A_188 = arith.constant 16 : i32
      %mul3A_189 = arith.muli %scan3A_187, %mul3A_188 : i32
      %add3A_190 = arith.constant 0 : i32
      %add3A_191 = arith.addi %add3A_190, %mul3A_189 : i32
      %add3A_192 = vector.broadcast %add3A_191 : i32 to vector<16xi32>
      %add3A_193 = arith.addi %add3A_192, %iota3A : vector<16xi32>
      %broadcast_in_dim3A = arith.constant 0.000000e+00 : f32
      %broadcast_in_dim3A_194 = vector.broadcast %broadcast_in_dim3A : f32 to vector<16xf32>
      %broadcast_in_dim3A_195 = arith.constant 0.000000e+00 : f32
      %broadcast_in_dim3A_196 = vector.broadcast %broadcast_in_dim3A_195 : f32 to vector<16xf32>
      %broadcast_in_dim3A_197 = arith.constant 0.000000e+00 : f32
      %broadcast_in_dim3A_198 = vector.broadcast %broadcast_in_dim3A_197 : f32 to vector<16xf32>
      %broadcast_in_dim3A_199 = arith.constant 0.000000e+00 : f32
      %broadcast_in_dim3A_200 = vector.broadcast %broadcast_in_dim3A_199 : f32 to vector<16xf32>
      %broadcast_in_dim3A_201 = arith.constant 0.000000e+00 : f32
      %broadcast_in_dim3A_202 = vector.broadcast %broadcast_in_dim3A_201 : f32 to vector<16xf32>
      %broadcast_in_dim3A_203 = arith.constant 0.000000e+00 : f32
      %broadcast_in_dim3A_204 = vector.broadcast %broadcast_in_dim3A_203 : f32 to vector<16xf32>
      %broadcast_in_dim3A_205 = arith.constant 0 : i32
      %broadcast_in_dim3A_206 = vector.broadcast %broadcast_in_dim3A_205 : i32 to vector<16xi32>
      %broadcast_in_dim3A_207 = arith.constant 1 : i32
      %broadcast_in_dim3A_208 = vector.broadcast %broadcast_in_dim3A_207 : i32 to vector<16xi32>
      %gather3A = tpu.vector_load_idx %arg11[%add3A_193, %broadcast_in_dim3A_206] : memref<512x32xf32, #tpu.memory_space<vmem>>[vector<16xi32>, vector<16xi32>], vector<16xf32>,
      %gather3A_209 = tpu.vector_load_idx %arg12[%add3A_193, %broadcast_in_dim3A_206] : memref<512x32xf32, #tpu.memory_space<vmem>>[vector<16xi32>, vector<16xi32>], vector<16xf32>,
      %gather3A_210 = tpu.vector_load_idx %arg11[%add3A_193, %broadcast_in_dim3A_208] : memref<512x32xf32, #tpu.memory_space<vmem>>[vector<16xi32>, vector<16xi32>], vector<16xf32>,
      %gather3A_211 = tpu.vector_load_idx %arg12[%add3A_193, %broadcast_in_dim3A_208] : memref<512x32xf32, #tpu.memory_space<vmem>>[vector<16xi32>, vector<16xi32>], vector<16xf32>,
      %mul3A_212 = arith.mulf %gather3A, %gather3A_209 : vector<16xf32>
      %add3A_213 = arith.addf %broadcast_in_dim3A_194, %mul3A_212 : vector<16xf32>
      %mul3A_214 = arith.mulf %gather3A, %gather3A : vector<16xf32>
      %add3A_215 = arith.addf %broadcast_in_dim3A_196, %mul3A_214 : vector<16xf32>
      %mul3A_216 = arith.mulf %gather3A_209, %gather3A_209 : vector<16xf32>
      %add3A_217 = arith.addf %broadcast_in_dim3A_198, %mul3A_216 : vector<16xf32>
      %mul3A_218 = arith.mulf %gather3A_210, %gather3A_211 : vector<16xf32>
      %add3A_219 = arith.addf %broadcast_in_dim3A_200, %mul3A_218 : vector<16xf32>
      %mul3A_220 = arith.mulf %gather3A_210, %gather3A_210 : vector<16xf32>
      %add3A_221 = arith.addf %broadcast_in_dim3A_202, %mul3A_220 : vector<16xf32>
      %mul3A_222 = arith.mulf %gather3A_211, %gather3A_211 : vector<16xf32>
      %add3A_223 = arith.addf %broadcast_in_dim3A_204, %mul3A_222 : vector<16xf32>
      %broadcast_in_dim3A_224 = arith.constant 2 : i32
      %broadcast_in_dim3A_225 = vector.broadcast %broadcast_in_dim3A_224 : i32 to vector<16xi32>
      %broadcast_in_dim3A_226 = arith.constant 3 : i32
      %broadcast_in_dim3A_227 = vector.broadcast %broadcast_in_dim3A_226 : i32 to vector<16xi32>
      %gather3A_228 = tpu.vector_load_idx %arg11[%add3A_193, %broadcast_in_dim3A_225] : memref<512x32xf32, #tpu.memory_space<vmem>>[vector<16xi32>, vector<16xi32>], vector<16xf32>,
      %gather3A_229 = tpu.vector_load_idx %arg12[%add3A_193, %broadcast_in_dim3A_225] : memref<512x32xf32, #tpu.memory_space<vmem>>[vector<16xi32>, vector<16xi32>], vector<16xf32>,
      %gather3A_230 = tpu.vector_load_idx %arg11[%add3A_193, %broadcast_in_dim3A_227] : memref<512x32xf32, #tpu.memory_space<vmem>>[vector<16xi32>, vector<16xi32>], vector<16xf32>,
      %gather3A_231 = tpu.vector_load_idx %arg12[%add3A_193, %broadcast_in_dim3A_227] : memref<512x32xf32, #tpu.memory_space<vmem>>[vector<16xi32>, vector<16xi32>], vector<16xf32>,
      %mul3A_232 = arith.mulf %gather3A_228, %gather3A_229 : vector<16xf32>
      %add3A_233 = arith.addf %add3A_213, %mul3A_232 : vector<16xf32>
      %mul3A_234 = arith.mulf %gather3A_228, %gather3A_228 : vector<16xf32>
      %add3A_235 = arith.addf %add3A_215, %mul3A_234 : vector<16xf32>
      %mul3A_236 = arith.mulf %gather3A_229, %gather3A_229 : vector<16xf32>
      %add3A_237 = arith.addf %add3A_217, %mul3A_236 : vector<16xf32>
      %mul3A_238 = arith.mulf %gather3A_230, %gather3A_231 : vector<16xf32>
      %add3A_239 = arith.addf %add3A_219, %mul3A_238 : vector<16xf32>
      %mul3A_240 = arith.mulf %gather3A_230, %gather3A_230 : vector<16xf32>
      %add3A_241 = arith.addf %add3A_221, %mul3A_240 : vector<16xf32>
      %mul3A_242 = arith.mulf %gather3A_231, %gather3A_231 : vector<16xf32>
      %add3A_243 = arith.addf %add3A_223, %mul3A_242 : vector<16xf32>
      %broadcast_in_dim3A_244 = arith.constant 4 : i32
      %broadcast_in_dim3A_245 = vector.broadcast %broadcast_in_dim3A_244 : i32 to vector<16xi32>
      %broadcast_in_dim3A_246 = arith.constant 5 : i32
      %broadcast_in_dim3A_247 = vector.broadcast %broadcast_in_dim3A_246 : i32 to vector<16xi32>
      %gather3A_248 = tpu.vector_load_idx %arg11[%add3A_193, %broadcast_in_dim3A_245] : memref<512x32xf32, #tpu.memory_space<vmem>>[vector<16xi32>, vector<16xi32>], vector<16xf32>,
      %gather3A_249 = tpu.vector_load_idx %arg12[%add3A_193, %broadcast_in_dim3A_245] : memref<512x32xf32, #tpu.memory_space<vmem>>[vector<16xi32>, vector<16xi32>], vector<16xf32>,
      %gather3A_250 = tpu.vector_load_idx %arg11[%add3A_193, %broadcast_in_dim3A_247] : memref<512x32xf32, #tpu.memory_space<vmem>>[vector<16xi32>, vector<16xi32>], vector<16xf32>,
      %gather3A_251 = tpu.vector_load_idx %arg12[%add3A_193, %broadcast_in_dim3A_247] : memref<512x32xf32, #tpu.memory_space<vmem>>[vector<16xi32>, vector<16xi32>], vector<16xf32>,
      %mul3A_252 = arith.mulf %gather3A_248, %gather3A_249 : vector<16xf32>
      %add3A_253 = arith.addf %add3A_233, %mul3A_252 : vector<16xf32>
      %mul3A_254 = arith.mulf %gather3A_248, %gather3A_248 : vector<16xf32>
      %add3A_255 = arith.addf %add3A_235, %mul3A_254 : vector<16xf32>
      %mul3A_256 = arith.mulf %gather3A_249, %gather3A_249 : vector<16xf32>
      %add3A_257 = arith.addf %add3A_237, %mul3A_256 : vector<16xf32>
      %mul3A_258 = arith.mulf %gather3A_250, %gather3A_251 : vector<16xf32>
      %add3A_259 = arith.addf %add3A_239, %mul3A_258 : vector<16xf32>
      %mul3A_260 = arith.mulf %gather3A_250, %gather3A_250 : vector<16xf32>
      %add3A_261 = arith.addf %add3A_241, %mul3A_260 : vector<16xf32>
      %mul3A_262 = arith.mulf %gather3A_251, %gather3A_251 : vector<16xf32>
      %add3A_263 = arith.addf %add3A_243, %mul3A_262 : vector<16xf32>
      %broadcast_in_dim3A_264 = arith.constant 6 : i32
      %broadcast_in_dim3A_265 = vector.broadcast %broadcast_in_dim3A_264 : i32 to vector<16xi32>
      %broadcast_in_dim3A_266 = arith.constant 7 : i32
      %broadcast_in_dim3A_267 = vector.broadcast %broadcast_in_dim3A_266 : i32 to vector<16xi32>
      %gather3A_268 = tpu.vector_load_idx %arg11[%add3A_193, %broadcast_in_dim3A_265] : memref<512x32xf32, #tpu.memory_space<vmem>>[vector<16xi32>, vector<16xi32>], vector<16xf32>,
      %gather3A_269 = tpu.vector_load_idx %arg12[%add3A_193, %broadcast_in_dim3A_265] : memref<512x32xf32, #tpu.memory_space<vmem>>[vector<16xi32>, vector<16xi32>], vector<16xf32>,
      %gather3A_270 = tpu.vector_load_idx %arg11[%add3A_193, %broadcast_in_dim3A_267] : memref<512x32xf32, #tpu.memory_space<vmem>>[vector<16xi32>, vector<16xi32>], vector<16xf32>,
      %gather3A_271 = tpu.vector_load_idx %arg12[%add3A_193, %broadcast_in_dim3A_267] : memref<512x32xf32, #tpu.memory_space<vmem>>[vector<16xi32>, vector<16xi32>], vector<16xf32>,
      %mul3A_272 = arith.mulf %gather3A_268, %gather3A_269 : vector<16xf32>
      %add3A_273 = arith.addf %add3A_253, %mul3A_272 : vector<16xf32>
      %mul3A_274 = arith.mulf %gather3A_268, %gather3A_268 : vector<16xf32>
      %add3A_275 = arith.addf %add3A_255, %mul3A_274 : vector<16xf32>
      %mul3A_276 = arith.mulf %gather3A_269, %gather3A_269 : vector<16xf32>
      %add3A_277 = arith.addf %add3A_257, %mul3A_276 : vector<16xf32>
      %mul3A_278 = arith.mulf %gather3A_270, %gather3A_271 : vector<16xf32>
      %add3A_279 = arith.addf %add3A_259, %mul3A_278 : vector<16xf32>
      %mul3A_280 = arith.mulf %gather3A_270, %gather3A_270 : vector<16xf32>
      %add3A_281 = arith.addf %add3A_261, %mul3A_280 : vector<16xf32>
      %mul3A_282 = arith.mulf %gather3A_271, %gather3A_271 : vector<16xf32>
      %add3A_283 = arith.addf %add3A_263, %mul3A_282 : vector<16xf32>
      %broadcast_in_dim3A_284 = arith.constant 8 : i32
      %broadcast_in_dim3A_285 = vector.broadcast %broadcast_in_dim3A_284 : i32 to vector<16xi32>
      %broadcast_in_dim3A_286 = arith.constant 9 : i32
      %broadcast_in_dim3A_287 = vector.broadcast %broadcast_in_dim3A_286 : i32 to vector<16xi32>
      %gather3A_288 = tpu.vector_load_idx %arg11[%add3A_193, %broadcast_in_dim3A_285] : memref<512x32xf32, #tpu.memory_space<vmem>>[vector<16xi32>, vector<16xi32>], vector<16xf32>,
      %gather3A_289 = tpu.vector_load_idx %arg12[%add3A_193, %broadcast_in_dim3A_285] : memref<512x32xf32, #tpu.memory_space<vmem>>[vector<16xi32>, vector<16xi32>], vector<16xf32>,
      %gather3A_290 = tpu.vector_load_idx %arg11[%add3A_193, %broadcast_in_dim3A_287] : memref<512x32xf32, #tpu.memory_space<vmem>>[vector<16xi32>, vector<16xi32>], vector<16xf32>,
      %gather3A_291 = tpu.vector_load_idx %arg12[%add3A_193, %broadcast_in_dim3A_287] : memref<512x32xf32, #tpu.memory_space<vmem>>[vector<16xi32>, vector<16xi32>], vector<16xf32>,
      %mul3A_292 = arith.mulf %gather3A_288, %gather3A_289 : vector<16xf32>
      %add3A_293 = arith.addf %add3A_273, %mul3A_292 : vector<16xf32>
      %mul3A_294 = arith.mulf %gather3A_288, %gather3A_288 : vector<16xf32>
      %add3A_295 = arith.addf %add3A_275, %mul3A_294 : vector<16xf32>
      %mul3A_296 = arith.mulf %gather3A_289, %gather3A_289 : vector<16xf32>
      %add3A_297 = arith.addf %add3A_277, %mul3A_296 : vector<16xf32>
      %mul3A_298 = arith.mulf %gather3A_290, %gather3A_291 : vector<16xf32>
      %add3A_299 = arith.addf %add3A_279, %mul3A_298 : vector<16xf32>
      %mul3A_300 = arith.mulf %gather3A_290, %gather3A_290 : vector<16xf32>
      %add3A_301 = arith.addf %add3A_281, %mul3A_300 : vector<16xf32>
      %mul3A_302 = arith.mulf %gather3A_291, %gather3A_291 : vector<16xf32>
      %add3A_303 = arith.addf %add3A_283, %mul3A_302 : vector<16xf32>
      %broadcast_in_dim3A_304 = arith.constant 10 : i32
      %broadcast_in_dim3A_305 = vector.broadcast %broadcast_in_dim3A_304 : i32 to vector<16xi32>
      %broadcast_in_dim3A_306 = arith.constant 11 : i32
      %broadcast_in_dim3A_307 = vector.broadcast %broadcast_in_dim3A_306 : i32 to vector<16xi32>
      %gather3A_308 = tpu.vector_load_idx %arg11[%add3A_193, %broadcast_in_dim3A_305] : memref<512x32xf32, #tpu.memory_space<vmem>>[vector<16xi32>, vector<16xi32>], vector<16xf32>,
      %gather3A_309 = tpu.vector_load_idx %arg12[%add3A_193, %broadcast_in_dim3A_305] : memref<512x32xf32, #tpu.memory_space<vmem>>[vector<16xi32>, vector<16xi32>], vector<16xf32>,
      %gather3A_310 = tpu.vector_load_idx %arg11[%add3A_193, %broadcast_in_dim3A_307] : memref<512x32xf32, #tpu.memory_space<vmem>>[vector<16xi32>, vector<16xi32>], vector<16xf32>,
      %gather3A_311 = tpu.vector_load_idx %arg12[%add3A_193, %broadcast_in_dim3A_307] : memref<512x32xf32, #tpu.memory_space<vmem>>[vector<16xi32>, vector<16xi32>], vector<16xf32>,
      %mul3A_312 = arith.mulf %gather3A_308, %gather3A_309 : vector<16xf32>
      %add3A_313 = arith.addf %add3A_293, %mul3A_312 : vector<16xf32>
      %mul3A_314 = arith.mulf %gather3A_308, %gather3A_308 : vector<16xf32>
      %add3A_315 = arith.addf %add3A_295, %mul3A_314 : vector<16xf32>
      %mul3A_316 = arith.mulf %gather3A_309, %gather3A_309 : vector<16xf32>
      %add3A_317 = arith.addf %add3A_297, %mul3A_316 : vector<16xf32>
      %mul3A_318 = arith.mulf %gather3A_310, %gather3A_311 : vector<16xf32>
      %add3A_319 = arith.addf %add3A_299, %mul3A_318 : vector<16xf32>
      %mul3A_320 = arith.mulf %gather3A_310, %gather3A_310 : vector<16xf32>
      %add3A_321 = arith.addf %add3A_301, %mul3A_320 : vector<16xf32>
      %mul3A_322 = arith.mulf %gather3A_311, %gather3A_311 : vector<16xf32>
      %add3A_323 = arith.addf %add3A_303, %mul3A_322 : vector<16xf32>
      %broadcast_in_dim3A_324 = arith.constant 12 : i32
      %broadcast_in_dim3A_325 = vector.broadcast %broadcast_in_dim3A_324 : i32 to vector<16xi32>
      %broadcast_in_dim3A_326 = arith.constant 13 : i32
      %broadcast_in_dim3A_327 = vector.broadcast %broadcast_in_dim3A_326 : i32 to vector<16xi32>
      %gather3A_328 = tpu.vector_load_idx %arg11[%add3A_193, %broadcast_in_dim3A_325] : memref<512x32xf32, #tpu.memory_space<vmem>>[vector<16xi32>, vector<16xi32>], vector<16xf32>,
      %gather3A_329 = tpu.vector_load_idx %arg12[%add3A_193, %broadcast_in_dim3A_325] : memref<512x32xf32, #tpu.memory_space<vmem>>[vector<16xi32>, vector<16xi32>], vector<16xf32>,
      %gather3A_330 = tpu.vector_load_idx %arg11[%add3A_193, %broadcast_in_dim3A_327] : memref<512x32xf32, #tpu.memory_space<vmem>>[vector<16xi32>, vector<16xi32>], vector<16xf32>,
      %gather3A_331 = tpu.vector_load_idx %arg12[%add3A_193, %broadcast_in_dim3A_327] : memref<512x32xf32, #tpu.memory_space<vmem>>[vector<16xi32>, vector<16xi32>], vector<16xf32>,
      %mul3A_332 = arith.mulf %gather3A_328, %gather3A_329 : vector<16xf32>
      %add3A_333 = arith.addf %add3A_313, %mul3A_332 : vector<16xf32>
      %mul3A_334 = arith.mulf %gather3A_328, %gather3A_328 : vector<16xf32>
      %add3A_335 = arith.addf %add3A_315, %mul3A_334 : vector<16xf32>
      %mul3A_336 = arith.mulf %gather3A_329, %gather3A_329 : vector<16xf32>
      %add3A_337 = arith.addf %add3A_317, %mul3A_336 : vector<16xf32>
      %mul3A_338 = arith.mulf %gather3A_330, %gather3A_331 : vector<16xf32>
      %add3A_339 = arith.addf %add3A_319, %mul3A_338 : vector<16xf32>
      %mul3A_340 = arith.mulf %gather3A_330, %gather3A_330 : vector<16xf32>
      %add3A_341 = arith.addf %add3A_321, %mul3A_340 : vector<16xf32>
      %mul3A_342 = arith.mulf %gather3A_331, %gather3A_331 : vector<16xf32>
      %add3A_343 = arith.addf %add3A_323, %mul3A_342 : vector<16xf32>
      %broadcast_in_dim3A_344 = arith.constant 14 : i32
      %broadcast_in_dim3A_345 = vector.broadcast %broadcast_in_dim3A_344 : i32 to vector<16xi32>
      %broadcast_in_dim3A_346 = arith.constant 15 : i32
      %broadcast_in_dim3A_347 = vector.broadcast %broadcast_in_dim3A_346 : i32 to vector<16xi32>
      %gather3A_348 = tpu.vector_load_idx %arg11[%add3A_193, %broadcast_in_dim3A_345] : memref<512x32xf32, #tpu.memory_space<vmem>>[vector<16xi32>, vector<16xi32>], vector<16xf32>,
      %gather3A_349 = tpu.vector_load_idx %arg12[%add3A_193, %broadcast_in_dim3A_345] : memref<512x32xf32, #tpu.memory_space<vmem>>[vector<16xi32>, vector<16xi32>], vector<16xf32>,
      %gather3A_350 = tpu.vector_load_idx %arg11[%add3A_193, %broadcast_in_dim3A_347] : memref<512x32xf32, #tpu.memory_space<vmem>>[vector<16xi32>, vector<16xi32>], vector<16xf32>,
      %gather3A_351 = tpu.vector_load_idx %arg12[%add3A_193, %broadcast_in_dim3A_347] : memref<512x32xf32, #tpu.memory_space<vmem>>[vector<16xi32>, vector<16xi32>], vector<16xf32>,
      %mul3A_352 = arith.mulf %gather3A_348, %gather3A_349 : vector<16xf32>
      %add3A_353 = arith.addf %add3A_333, %mul3A_352 : vector<16xf32>
      %mul3A_354 = arith.mulf %gather3A_348, %gather3A_348 : vector<16xf32>
      %add3A_355 = arith.addf %add3A_335, %mul3A_354 : vector<16xf32>
      %mul3A_356 = arith.mulf %gather3A_349, %gather3A_349 : vector<16xf32>
      %add3A_357 = arith.addf %add3A_337, %mul3A_356 : vector<16xf32>
      %mul3A_358 = arith.mulf %gather3A_350, %gather3A_351 : vector<16xf32>
      %add3A_359 = arith.addf %add3A_339, %mul3A_358 : vector<16xf32>
      %mul3A_360 = arith.mulf %gather3A_350, %gather3A_350 : vector<16xf32>
      %add3A_361 = arith.addf %add3A_341, %mul3A_360 : vector<16xf32>
      %mul3A_362 = arith.mulf %gather3A_351, %gather3A_351 : vector<16xf32>
      %add3A_363 = arith.addf %add3A_343, %mul3A_362 : vector<16xf32>
      %broadcast_in_dim3A_364 = arith.constant 16 : i32
      %broadcast_in_dim3A_365 = vector.broadcast %broadcast_in_dim3A_364 : i32 to vector<16xi32>
      %broadcast_in_dim3A_366 = arith.constant 17 : i32
      %broadcast_in_dim3A_367 = vector.broadcast %broadcast_in_dim3A_366 : i32 to vector<16xi32>
      %gather3A_368 = tpu.vector_load_idx %arg11[%add3A_193, %broadcast_in_dim3A_365] : memref<512x32xf32, #tpu.memory_space<vmem>>[vector<16xi32>, vector<16xi32>], vector<16xf32>,
      %gather3A_369 = tpu.vector_load_idx %arg12[%add3A_193, %broadcast_in_dim3A_365] : memref<512x32xf32, #tpu.memory_space<vmem>>[vector<16xi32>, vector<16xi32>], vector<16xf32>,
      %gather3A_370 = tpu.vector_load_idx %arg11[%add3A_193, %broadcast_in_dim3A_367] : memref<512x32xf32, #tpu.memory_space<vmem>>[vector<16xi32>, vector<16xi32>], vector<16xf32>,
      %gather3A_371 = tpu.vector_load_idx %arg12[%add3A_193, %broadcast_in_dim3A_367] : memref<512x32xf32, #tpu.memory_space<vmem>>[vector<16xi32>, vector<16xi32>], vector<16xf32>,
      %mul3A_372 = arith.mulf %gather3A_368, %gather3A_369 : vector<16xf32>
      %add3A_373 = arith.addf %add3A_353, %mul3A_372 : vector<16xf32>
      %mul3A_374 = arith.mulf %gather3A_368, %gather3A_368 : vector<16xf32>
      %add3A_375 = arith.addf %add3A_355, %mul3A_374 : vector<16xf32>
      %mul3A_376 = arith.mulf %gather3A_369, %gather3A_369 : vector<16xf32>
      %add3A_377 = arith.addf %add3A_357, %mul3A_376 : vector<16xf32>
      %mul3A_378 = arith.mulf %gather3A_370, %gather3A_371 : vector<16xf32>
      %add3A_379 = arith.addf %add3A_359, %mul3A_378 : vector<16xf32>
      %mul3A_380 = arith.mulf %gather3A_370, %gather3A_370 : vector<16xf32>
      %add3A_381 = arith.addf %add3A_361, %mul3A_380 : vector<16xf32>
      %mul3A_382 = arith.mulf %gather3A_371, %gather3A_371 : vector<16xf32>
      %add3A_383 = arith.addf %add3A_363, %mul3A_382 : vector<16xf32>
      %broadcast_in_dim3A_384 = arith.constant 18 : i32
      %broadcast_in_dim3A_385 = vector.broadcast %broadcast_in_dim3A_384 : i32 to vector<16xi32>
      %broadcast_in_dim3A_386 = arith.constant 19 : i32
      %broadcast_in_dim3A_387 = vector.broadcast %broadcast_in_dim3A_386 : i32 to vector<16xi32>
      %gather3A_388 = tpu.vector_load_idx %arg11[%add3A_193, %broadcast_in_dim3A_385] : memref<512x32xf32, #tpu.memory_space<vmem>>[vector<16xi32>, vector<16xi32>], vector<16xf32>,
      %gather3A_389 = tpu.vector_load_idx %arg12[%add3A_193, %broadcast_in_dim3A_385] : memref<512x32xf32, #tpu.memory_space<vmem>>[vector<16xi32>, vector<16xi32>], vector<16xf32>,
      %gather3A_390 = tpu.vector_load_idx %arg11[%add3A_193, %broadcast_in_dim3A_387] : memref<512x32xf32, #tpu.memory_space<vmem>>[vector<16xi32>, vector<16xi32>], vector<16xf32>,
      %gather3A_391 = tpu.vector_load_idx %arg12[%add3A_193, %broadcast_in_dim3A_387] : memref<512x32xf32, #tpu.memory_space<vmem>>[vector<16xi32>, vector<16xi32>], vector<16xf32>,
      %mul3A_392 = arith.mulf %gather3A_388, %gather3A_389 : vector<16xf32>
      %add3A_393 = arith.addf %add3A_373, %mul3A_392 : vector<16xf32>
      %mul3A_394 = arith.mulf %gather3A_388, %gather3A_388 : vector<16xf32>
      %add3A_395 = arith.addf %add3A_375, %mul3A_394 : vector<16xf32>
      %mul3A_396 = arith.mulf %gather3A_389, %gather3A_389 : vector<16xf32>
      %add3A_397 = arith.addf %add3A_377, %mul3A_396 : vector<16xf32>
      %mul3A_398 = arith.mulf %gather3A_390, %gather3A_391 : vector<16xf32>
      %add3A_399 = arith.addf %add3A_379, %mul3A_398 : vector<16xf32>
      %mul3A_400 = arith.mulf %gather3A_390, %gather3A_390 : vector<16xf32>
      %add3A_401 = arith.addf %add3A_381, %mul3A_400 : vector<16xf32>
      %mul3A_402 = arith.mulf %gather3A_391, %gather3A_391 : vector<16xf32>
      %add3A_403 = arith.addf %add3A_383, %mul3A_402 : vector<16xf32>
      %broadcast_in_dim3A_404 = arith.constant 20 : i32
      %broadcast_in_dim3A_405 = vector.broadcast %broadcast_in_dim3A_404 : i32 to vector<16xi32>
      %broadcast_in_dim3A_406 = arith.constant 21 : i32
      %broadcast_in_dim3A_407 = vector.broadcast %broadcast_in_dim3A_406 : i32 to vector<16xi32>
      %gather3A_408 = tpu.vector_load_idx %arg11[%add3A_193, %broadcast_in_dim3A_405] : memref<512x32xf32, #tpu.memory_space<vmem>>[vector<16xi32>, vector<16xi32>], vector<16xf32>,
      %gather3A_409 = tpu.vector_load_idx %arg12[%add3A_193, %broadcast_in_dim3A_405] : memref<512x32xf32, #tpu.memory_space<vmem>>[vector<16xi32>, vector<16xi32>], vector<16xf32>,
      %gather3A_410 = tpu.vector_load_idx %arg11[%add3A_193, %broadcast_in_dim3A_407] : memref<512x32xf32, #tpu.memory_space<vmem>>[vector<16xi32>, vector<16xi32>], vector<16xf32>,
      %gather3A_411 = tpu.vector_load_idx %arg12[%add3A_193, %broadcast_in_dim3A_407] : memref<512x32xf32, #tpu.memory_space<vmem>>[vector<16xi32>, vector<16xi32>], vector<16xf32>,
      %mul3A_412 = arith.mulf %gather3A_408, %gather3A_409 : vector<16xf32>
      %add3A_413 = arith.addf %add3A_393, %mul3A_412 : vector<16xf32>
      %mul3A_414 = arith.mulf %gather3A_408, %gather3A_408 : vector<16xf32>
      %add3A_415 = arith.addf %add3A_395, %mul3A_414 : vector<16xf32>
      %mul3A_416 = arith.mulf %gather3A_409, %gather3A_409 : vector<16xf32>
      %add3A_417 = arith.addf %add3A_397, %mul3A_416 : vector<16xf32>
      %mul3A_418 = arith.mulf %gather3A_410, %gather3A_411 : vector<16xf32>
      %add3A_419 = arith.addf %add3A_399, %mul3A_418 : vector<16xf32>
      %mul3A_420 = arith.mulf %gather3A_410, %gather3A_410 : vector<16xf32>
      %add3A_421 = arith.addf %add3A_401, %mul3A_420 : vector<16xf32>
      %mul3A_422 = arith.mulf %gather3A_411, %gather3A_411 : vector<16xf32>
      %add3A_423 = arith.addf %add3A_403, %mul3A_422 : vector<16xf32>
      %broadcast_in_dim3A_424 = arith.constant 22 : i32
      %broadcast_in_dim3A_425 = vector.broadcast %broadcast_in_dim3A_424 : i32 to vector<16xi32>
      %broadcast_in_dim3A_426 = arith.constant 23 : i32
      %broadcast_in_dim3A_427 = vector.broadcast %broadcast_in_dim3A_426 : i32 to vector<16xi32>
      %gather3A_428 = tpu.vector_load_idx %arg11[%add3A_193, %broadcast_in_dim3A_425] : memref<512x32xf32, #tpu.memory_space<vmem>>[vector<16xi32>, vector<16xi32>], vector<16xf32>,
      %gather3A_429 = tpu.vector_load_idx %arg12[%add3A_193, %broadcast_in_dim3A_425] : memref<512x32xf32, #tpu.memory_space<vmem>>[vector<16xi32>, vector<16xi32>], vector<16xf32>,
      %gather3A_430 = tpu.vector_load_idx %arg11[%add3A_193, %broadcast_in_dim3A_427] : memref<512x32xf32, #tpu.memory_space<vmem>>[vector<16xi32>, vector<16xi32>], vector<16xf32>,
      %gather3A_431 = tpu.vector_load_idx %arg12[%add3A_193, %broadcast_in_dim3A_427] : memref<512x32xf32, #tpu.memory_space<vmem>>[vector<16xi32>, vector<16xi32>], vector<16xf32>,
      %mul3A_432 = arith.mulf %gather3A_428, %gather3A_429 : vector<16xf32>
      %add3A_433 = arith.addf %add3A_413, %mul3A_432 : vector<16xf32>
      %mul3A_434 = arith.mulf %gather3A_428, %gather3A_428 : vector<16xf32>
      %add3A_435 = arith.addf %add3A_415, %mul3A_434 : vector<16xf32>
      %mul3A_436 = arith.mulf %gather3A_429, %gather3A_429 : vector<16xf32>
      %add3A_437 = arith.addf %add3A_417, %mul3A_436 : vector<16xf32>
      %mul3A_438 = arith.mulf %gather3A_430, %gather3A_431 : vector<16xf32>
      %add3A_439 = arith.addf %add3A_419, %mul3A_438 : vector<16xf32>
      %mul3A_440 = arith.mulf %gather3A_430, %gather3A_430 : vector<16xf32>
      %add3A_441 = arith.addf %add3A_421, %mul3A_440 : vector<16xf32>
      %mul3A_442 = arith.mulf %gather3A_431, %gather3A_431 : vector<16xf32>
      %add3A_443 = arith.addf %add3A_423, %mul3A_442 : vector<16xf32>
      %broadcast_in_dim3A_444 = arith.constant 24 : i32
      %broadcast_in_dim3A_445 = vector.broadcast %broadcast_in_dim3A_444 : i32 to vector<16xi32>
      %broadcast_in_dim3A_446 = arith.constant 25 : i32
      %broadcast_in_dim3A_447 = vector.broadcast %broadcast_in_dim3A_446 : i32 to vector<16xi32>
      %gather3A_448 = tpu.vector_load_idx %arg11[%add3A_193, %broadcast_in_dim3A_445] : memref<512x32xf32, #tpu.memory_space<vmem>>[vector<16xi32>, vector<16xi32>], vector<16xf32>,
      %gather3A_449 = tpu.vector_load_idx %arg12[%add3A_193, %broadcast_in_dim3A_445] : memref<512x32xf32, #tpu.memory_space<vmem>>[vector<16xi32>, vector<16xi32>], vector<16xf32>,
      %gather3A_450 = tpu.vector_load_idx %arg11[%add3A_193, %broadcast_in_dim3A_447] : memref<512x32xf32, #tpu.memory_space<vmem>>[vector<16xi32>, vector<16xi32>], vector<16xf32>,
      %gather3A_451 = tpu.vector_load_idx %arg12[%add3A_193, %broadcast_in_dim3A_447] : memref<512x32xf32, #tpu.memory_space<vmem>>[vector<16xi32>, vector<16xi32>], vector<16xf32>,
      %mul3A_452 = arith.mulf %gather3A_448, %gather3A_449 : vector<16xf32>
      %add3A_453 = arith.addf %add3A_433, %mul3A_452 : vector<16xf32>
      %mul3A_454 = arith.mulf %gather3A_448, %gather3A_448 : vector<16xf32>
      %add3A_455 = arith.addf %add3A_435, %mul3A_454 : vector<16xf32>
      %mul3A_456 = arith.mulf %gather3A_449, %gather3A_449 : vector<16xf32>
      %add3A_457 = arith.addf %add3A_437, %mul3A_456 : vector<16xf32>
      %mul3A_458 = arith.mulf %gather3A_450, %gather3A_451 : vector<16xf32>
      %add3A_459 = arith.addf %add3A_439, %mul3A_458 : vector<16xf32>
      %mul3A_460 = arith.mulf %gather3A_450, %gather3A_450 : vector<16xf32>
      %add3A_461 = arith.addf %add3A_441, %mul3A_460 : vector<16xf32>
      %mul3A_462 = arith.mulf %gather3A_451, %gather3A_451 : vector<16xf32>
      %add3A_463 = arith.addf %add3A_443, %mul3A_462 : vector<16xf32>
      %broadcast_in_dim3A_464 = arith.constant 26 : i32
      %broadcast_in_dim3A_465 = vector.broadcast %broadcast_in_dim3A_464 : i32 to vector<16xi32>
      %broadcast_in_dim3A_466 = arith.constant 27 : i32
      %broadcast_in_dim3A_467 = vector.broadcast %broadcast_in_dim3A_466 : i32 to vector<16xi32>
      %gather3A_468 = tpu.vector_load_idx %arg11[%add3A_193, %broadcast_in_dim3A_465] : memref<512x32xf32, #tpu.memory_space<vmem>>[vector<16xi32>, vector<16xi32>], vector<16xf32>,
      %gather3A_469 = tpu.vector_load_idx %arg12[%add3A_193, %broadcast_in_dim3A_465] : memref<512x32xf32, #tpu.memory_space<vmem>>[vector<16xi32>, vector<16xi32>], vector<16xf32>,
      %gather3A_470 = tpu.vector_load_idx %arg11[%add3A_193, %broadcast_in_dim3A_467] : memref<512x32xf32, #tpu.memory_space<vmem>>[vector<16xi32>, vector<16xi32>], vector<16xf32>,
      %gather3A_471 = tpu.vector_load_idx %arg12[%add3A_193, %broadcast_in_dim3A_467] : memref<512x32xf32, #tpu.memory_space<vmem>>[vector<16xi32>, vector<16xi32>], vector<16xf32>,
      %mul3A_472 = arith.mulf %gather3A_468, %gather3A_469 : vector<16xf32>
      %add3A_473 = arith.addf %add3A_453, %mul3A_472 : vector<16xf32>
      %mul3A_474 = arith.mulf %gather3A_468, %gather3A_468 : vector<16xf32>
      %add3A_475 = arith.addf %add3A_455, %mul3A_474 : vector<16xf32>
      %mul3A_476 = arith.mulf %gather3A_469, %gather3A_469 : vector<16xf32>
      %add3A_477 = arith.addf %add3A_457, %mul3A_476 : vector<16xf32>
      %mul3A_478 = arith.mulf %gather3A_470, %gather3A_471 : vector<16xf32>
      %add3A_479 = arith.addf %add3A_459, %mul3A_478 : vector<16xf32>
      %mul3A_480 = arith.mulf %gather3A_470, %gather3A_470 : vector<16xf32>
      %add3A_481 = arith.addf %add3A_461, %mul3A_480 : vector<16xf32>
      %mul3A_482 = arith.mulf %gather3A_471, %gather3A_471 : vector<16xf32>
      %add3A_483 = arith.addf %add3A_463, %mul3A_482 : vector<16xf32>
      %broadcast_in_dim3A_484 = arith.constant 28 : i32
      %broadcast_in_dim3A_485 = vector.broadcast %broadcast_in_dim3A_484 : i32 to vector<16xi32>
      %broadcast_in_dim3A_486 = arith.constant 29 : i32
      %broadcast_in_dim3A_487 = vector.broadcast %broadcast_in_dim3A_486 : i32 to vector<16xi32>
      %gather3A_488 = tpu.vector_load_idx %arg11[%add3A_193, %broadcast_in_dim3A_485] : memref<512x32xf32, #tpu.memory_space<vmem>>[vector<16xi32>, vector<16xi32>], vector<16xf32>,
      %gather3A_489 = tpu.vector_load_idx %arg12[%add3A_193, %broadcast_in_dim3A_485] : memref<512x32xf32, #tpu.memory_space<vmem>>[vector<16xi32>, vector<16xi32>], vector<16xf32>,
      %gather3A_490 = tpu.vector_load_idx %arg11[%add3A_193, %broadcast_in_dim3A_487] : memref<512x32xf32, #tpu.memory_space<vmem>>[vector<16xi32>, vector<16xi32>], vector<16xf32>,
      %gather3A_491 = tpu.vector_load_idx %arg12[%add3A_193, %broadcast_in_dim3A_487] : memref<512x32xf32, #tpu.memory_space<vmem>>[vector<16xi32>, vector<16xi32>], vector<16xf32>,
      %mul3A_492 = arith.mulf %gather3A_488, %gather3A_489 : vector<16xf32>
      %add3A_493 = arith.addf %add3A_473, %mul3A_492 : vector<16xf32>
      %mul3A_494 = arith.mulf %gather3A_488, %gather3A_488 : vector<16xf32>
      %add3A_495 = arith.addf %add3A_475, %mul3A_494 : vector<16xf32>
      %mul3A_496 = arith.mulf %gather3A_489, %gather3A_489 : vector<16xf32>
      %add3A_497 = arith.addf %add3A_477, %mul3A_496 : vector<16xf32>
      %mul3A_498 = arith.mulf %gather3A_490, %gather3A_491 : vector<16xf32>
      %add3A_499 = arith.addf %add3A_479, %mul3A_498 : vector<16xf32>
      %mul3A_500 = arith.mulf %gather3A_490, %gather3A_490 : vector<16xf32>
      %add3A_501 = arith.addf %add3A_481, %mul3A_500 : vector<16xf32>
      %mul3A_502 = arith.mulf %gather3A_491, %gather3A_491 : vector<16xf32>
      %add3A_503 = arith.addf %add3A_483, %mul3A_502 : vector<16xf32>
      %broadcast_in_dim3A_504 = arith.constant 30 : i32
      %broadcast_in_dim3A_505 = vector.broadcast %broadcast_in_dim3A_504 : i32 to vector<16xi32>
      %broadcast_in_dim3A_506 = arith.constant 31 : i32
      %broadcast_in_dim3A_507 = vector.broadcast %broadcast_in_dim3A_506 : i32 to vector<16xi32>
      %gather3A_508 = tpu.vector_load_idx %arg11[%add3A_193, %broadcast_in_dim3A_505] : memref<512x32xf32, #tpu.memory_space<vmem>>[vector<16xi32>, vector<16xi32>], vector<16xf32>,
      %gather3A_509 = tpu.vector_load_idx %arg12[%add3A_193, %broadcast_in_dim3A_505] : memref<512x32xf32, #tpu.memory_space<vmem>>[vector<16xi32>, vector<16xi32>], vector<16xf32>,
      %gather3A_510 = tpu.vector_load_idx %arg11[%add3A_193, %broadcast_in_dim3A_507] : memref<512x32xf32, #tpu.memory_space<vmem>>[vector<16xi32>, vector<16xi32>], vector<16xf32>,
      %gather3A_511 = tpu.vector_load_idx %arg12[%add3A_193, %broadcast_in_dim3A_507] : memref<512x32xf32, #tpu.memory_space<vmem>>[vector<16xi32>, vector<16xi32>], vector<16xf32>,
      %mul3A_512 = arith.mulf %gather3A_508, %gather3A_509 : vector<16xf32>
      %add3A_513 = arith.addf %add3A_493, %mul3A_512 : vector<16xf32>
      %mul3A_514 = arith.mulf %gather3A_508, %gather3A_508 : vector<16xf32>
      %add3A_515 = arith.addf %add3A_495, %mul3A_514 : vector<16xf32>
      %mul3A_516 = arith.mulf %gather3A_509, %gather3A_509 : vector<16xf32>
      %add3A_517 = arith.addf %add3A_497, %mul3A_516 : vector<16xf32>
      %mul3A_518 = arith.mulf %gather3A_510, %gather3A_511 : vector<16xf32>
      %add3A_519 = arith.addf %add3A_499, %mul3A_518 : vector<16xf32>
      %mul3A_520 = arith.mulf %gather3A_510, %gather3A_510 : vector<16xf32>
      %add3A_521 = arith.addf %add3A_501, %mul3A_520 : vector<16xf32>
      %mul3A_522 = arith.mulf %gather3A_511, %gather3A_511 : vector<16xf32>
      %add3A_523 = arith.addf %add3A_503, %mul3A_522 : vector<16xf32>
      %add3A_524 = arith.addf %add3A_513, %add3A_519 : vector<16xf32>
      %add3A_525 = arith.addf %add3A_515, %add3A_521 : vector<16xf32>
      %add3A_526 = arith.addf %add3A_517, %add3A_523 : vector<16xf32>
      %max3A = arith.constant 9.99999996E-13 : f32
      %max3A_527 = vector.broadcast %max3A : f32 to vector<16xf32>
      %max3A_528 = arith.maximumf %add3A_525, %max3A_527 : vector<16xf32>
      %bitcast3A = vector.bitcast %max3A_528 : vector<16xf32> to vector<16xi32>
      %shift_right_arithmetic3A = arith.constant 1 : i32
      %shift_right_arithmetic3A_529 = vector.broadcast %shift_right_arithmetic3A : i32 to vector<16xi32>
      %shift_right_arithmetic3A_530 = arith.shrsi %bitcast3A, %shift_right_arithmetic3A_529 : vector<16xi32>
      %sub3A = arith.constant 1597463007 : i32
      %sub3A_531 = vector.broadcast %sub3A : i32 to vector<16xi32>
      %sub3A_532 = arith.subi %sub3A_531, %shift_right_arithmetic3A_530 : vector<16xi32>
      %bitcast3A_533 = vector.bitcast %sub3A_532 : vector<16xi32> to vector<16xf32>
      %mul3A_534 = arith.constant 5.000000e-01 : f32
      %mul3A_535 = vector.broadcast %mul3A_534 : f32 to vector<16xf32>
      %mul3A_536 = arith.mulf %mul3A_535, %max3A_528 : vector<16xf32>
      %mul3A_537 = arith.mulf %mul3A_536, %bitcast3A_533 : vector<16xf32>
      %mul3A_538 = arith.mulf %mul3A_537, %bitcast3A_533 : vector<16xf32>
      %sub3A_539 = arith.constant 1.500000e+00 : f32
      %sub3A_540 = vector.broadcast %sub3A_539 : f32 to vector<16xf32>
      %sub3A_541 = arith.subf %sub3A_540, %mul3A_538 : vector<16xf32>
      %mul3A_542 = arith.mulf %bitcast3A_533, %sub3A_541 : vector<16xf32>
      %mul3A_543 = arith.constant 5.000000e-01 : f32
      %mul3A_544 = vector.broadcast %mul3A_543 : f32 to vector<16xf32>
      %mul3A_545 = arith.mulf %mul3A_544, %max3A_528 : vector<16xf32>
      %mul3A_546 = arith.mulf %mul3A_545, %mul3A_542 : vector<16xf32>
      %mul3A_547 = arith.mulf %mul3A_546, %mul3A_542 : vector<16xf32>
      %sub3A_548 = arith.constant 1.500000e+00 : f32
      %sub3A_549 = vector.broadcast %sub3A_548 : f32 to vector<16xf32>
      %sub3A_550 = arith.subf %sub3A_549, %mul3A_547 : vector<16xf32>
      %mul3A_551 = arith.mulf %mul3A_542, %sub3A_550 : vector<16xf32>
      %mul3A_552 = arith.constant 5.000000e-01 : f32
      %mul3A_553 = vector.broadcast %mul3A_552 : f32 to vector<16xf32>
      %mul3A_554 = arith.mulf %mul3A_553, %max3A_528 : vector<16xf32>
      %mul3A_555 = arith.mulf %mul3A_554, %mul3A_551 : vector<16xf32>
      %mul3A_556 = arith.mulf %mul3A_555, %mul3A_551 : vector<16xf32>
      %sub3A_557 = arith.constant 1.500000e+00 : f32
      %sub3A_558 = vector.broadcast %sub3A_557 : f32 to vector<16xf32>
      %sub3A_559 = arith.subf %sub3A_558, %mul3A_556 : vector<16xf32>
      %mul3A_560 = arith.mulf %mul3A_551, %sub3A_559 : vector<16xf32>
      %mul3A_561 = arith.mulf %add3A_524, %mul3A_560 : vector<16xf32>
      %max3A_562 = arith.constant 9.99999996E-13 : f32
      %max3A_563 = vector.broadcast %max3A_562 : f32 to vector<16xf32>
      %max3A_564 = arith.maximumf %add3A_526, %max3A_563 : vector<16xf32>
      %bitcast3A_565 = vector.bitcast %max3A_564 : vector<16xf32> to vector<16xi32>
      %shift_right_arithmetic3A_566 = arith.constant 1 : i32
      %shift_right_arithmetic3A_567 = vector.broadcast %shift_right_arithmetic3A_566 : i32 to vector<16xi32>
      %shift_right_arithmetic3A_568 = arith.shrsi %bitcast3A_565, %shift_right_arithmetic3A_567 : vector<16xi32>
      %sub3A_569 = arith.constant 1597463007 : i32
      %sub3A_570 = vector.broadcast %sub3A_569 : i32 to vector<16xi32>
      %sub3A_571 = arith.subi %sub3A_570, %shift_right_arithmetic3A_568 : vector<16xi32>
      %bitcast3A_572 = vector.bitcast %sub3A_571 : vector<16xi32> to vector<16xf32>
      %mul3A_573 = arith.constant 5.000000e-01 : f32
      %mul3A_574 = vector.broadcast %mul3A_573 : f32 to vector<16xf32>
      %mul3A_575 = arith.mulf %mul3A_574, %max3A_564 : vector<16xf32>
      %mul3A_576 = arith.mulf %mul3A_575, %bitcast3A_572 : vector<16xf32>
      %mul3A_577 = arith.mulf %mul3A_576, %bitcast3A_572 : vector<16xf32>
      %sub3A_578 = arith.constant 1.500000e+00 : f32
      %sub3A_579 = vector.broadcast %sub3A_578 : f32 to vector<16xf32>
      %sub3A_580 = arith.subf %sub3A_579, %mul3A_577 : vector<16xf32>
      %mul3A_581 = arith.mulf %bitcast3A_572, %sub3A_580 : vector<16xf32>
      %mul3A_582 = arith.constant 5.000000e-01 : f32
      %mul3A_583 = vector.broadcast %mul3A_582 : f32 to vector<16xf32>
      %mul3A_584 = arith.mulf %mul3A_583, %max3A_564 : vector<16xf32>
      %mul3A_585 = arith.mulf %mul3A_584, %mul3A_581 : vector<16xf32>
      %mul3A_586 = arith.mulf %mul3A_585, %mul3A_581 : vector<16xf32>
      %sub3A_587 = arith.constant 1.500000e+00 : f32
      %sub3A_588 = vector.broadcast %sub3A_587 : f32 to vector<16xf32>
      %sub3A_589 = arith.subf %sub3A_588, %mul3A_586 : vector<16xf32>
      %mul3A_590 = arith.mulf %mul3A_581, %sub3A_589 : vector<16xf32>
      %mul3A_591 = arith.constant 5.000000e-01 : f32
      %mul3A_592 = vector.broadcast %mul3A_591 : f32 to vector<16xf32>
      %mul3A_593 = arith.mulf %mul3A_592, %max3A_564 : vector<16xf32>
      %mul3A_594 = arith.mulf %mul3A_593, %mul3A_590 : vector<16xf32>
      %mul3A_595 = arith.mulf %mul3A_594, %mul3A_590 : vector<16xf32>
      %sub3A_596 = arith.constant 1.500000e+00 : f32
      %sub3A_597 = vector.broadcast %sub3A_596 : f32 to vector<16xf32>
      %sub3A_598 = arith.subf %sub3A_597, %mul3A_595 : vector<16xf32>
      %mul3A_599 = arith.mulf %mul3A_590, %sub3A_598 : vector<16xf32>
      %mul3A_600 = arith.mulf %mul3A_561, %mul3A_599 : vector<16xf32>
      %mul3A_601 = arith.mulf %mul3A_600, %get3A_80 : vector<16xf32>
      %add3A_602 = arith.addf %mul3A_601, %get3A_82 : vector<16xf32>
      %neg3A = arith.constant 0.000000e+00 : f32
      %neg3A_603 = vector.broadcast %neg3A : f32 to vector<16xf32>
      %neg3A_604 = arith.subf %neg3A_603, %add3A_602 : vector<16xf32>
      %exp3A = math.exp %neg3A_604 : vector<16xf32>
      %add3A_605 = arith.constant 1.000000e+00 : f32
      %add3A_606 = vector.broadcast %add3A_605 : f32 to vector<16xf32>
      %add3A_607 = arith.addf %add3A_606, %exp3A : vector<16xf32>
      %div3A = arith.constant 1.000000e+00 : f32
      %div3A_608 = vector.broadcast %div3A : f32 to vector<16xf32>
      %div3A_609 = arith.divf %div3A_608, %add3A_607 : vector<16xf32>
      %swap3A = arith.index_cast %add3A_191 : i32 to index
      %swap3A_610 = tpu.vector_load %arg13[%swap3A] {strides = array<i32>} : memref<512xf32, #tpu.memory_space<vmem>>, vector<16xf32>,
      tpu.vector_store %arg13[%swap3A], %div3A_609 {strides = array<i32>} : memref<512xf32, #tpu.memory_space<vmem>>, vector<16xf32>,
    }
    %scan3A_106 = arith.constant 8 : i32
    %dma_wait3A_107 = arith.constant 1 : i32
    %dma_wait3A_108 = arith.constant 128 : i32
    %dma_wait3A_109 = arith.constant 0 : i32
    %dma_wait3A_110 = tpu.memref_slice %arg11[%dma_wait3A_108, %dma_wait3A_109] : memref<512x32xf32, #tpu.memory_space<vmem>> -> memref<128x32xf32, #tpu.memory_space<vmem>>
    %dma_wait3A_111 = arith.constant 0 : i32
    %dma_wait3A_112 = tpu.memref_slice %arg9[%dma_wait3A_107, %dma_wait3A_111] : memref<4x128xi32, #tpu.memory_space<vmem>> -> memref<1x128xi32, #tpu.memory_space<vmem>>
    %dma_wait3A_113 = tpu.memref_squeeze %dma_wait3A_112 : memref<1x128xi32, #tpu.memory_space<vmem>> -> memref<128xi32, #tpu.memory_space<vmem>>
    %dma_wait3A_114 = arith.constant 0 : i32
    %dma_wait3A_115 = arith.constant 0 : i32
    %dma_wait3A_116 = tpu.memref_slice %arg4[%dma_wait3A_114, %dma_wait3A_115] : memref<100000x32xf32, #tpu.memory_space<hbm>> -> memref<100000x32xf32, #tpu.memory_space<hbm>>
    tpu.wait_indirect_dma semaphore(%arg17 : memref<!tpu.dma_semaphore, #tpu.memory_space<semaphore_mem>>) src(%dma_wait3A_116 : memref<100000x32xf32, #tpu.memory_space<hbm>>) dst(%dma_wait3A_110 : memref<128x32xf32, #tpu.memory_space<vmem>>)
    %dma_wait3A_117 = arith.constant 1 : i32
    %dma_wait3A_118 = arith.constant 128 : i32
    %dma_wait3A_119 = arith.constant 0 : i32
    %dma_wait3A_120 = tpu.memref_slice %arg12[%dma_wait3A_118, %dma_wait3A_119] : memref<512x32xf32, #tpu.memory_space<vmem>> -> memref<128x32xf32, #tpu.memory_space<vmem>>
    %dma_wait3A_121 = arith.constant 0 : i32
    %dma_wait3A_122 = tpu.memref_slice %arg10[%dma_wait3A_117, %dma_wait3A_121] : memref<4x128xi32, #tpu.memory_space<vmem>> -> memref<1x128xi32, #tpu.memory_space<vmem>>
    %dma_wait3A_123 = tpu.memref_squeeze %dma_wait3A_122 : memref<1x128xi32, #tpu.memory_space<vmem>> -> memref<128xi32, #tpu.memory_space<vmem>>
    %dma_wait3A_124 = arith.constant 0 : i32
    %dma_wait3A_125 = arith.constant 0 : i32
    %dma_wait3A_126 = tpu.memref_slice %arg5[%dma_wait3A_124, %dma_wait3A_125] : memref<100000x32xf32, #tpu.memory_space<hbm>> -> memref<100000x32xf32, #tpu.memory_space<hbm>>
    tpu.wait_indirect_dma semaphore(%arg21 : memref<!tpu.dma_semaphore, #tpu.memory_space<semaphore_mem>>) src(%dma_wait3A_126 : memref<100000x32xf32, #tpu.memory_space<hbm>>) dst(%dma_wait3A_120 : memref<128x32xf32, #tpu.memory_space<vmem>>)
    %scan3A_127 = arith.constant 0 : i32
    %scan3A_128 = arith.constant 0 : i32
    %scan3A_129 = arith.constant 8 : i32
    %scan3A_130 = arith.addi %scan3A_128, %scan3A_129 : i32
    %scan3A_131 = arith.constant 1 : i32
    scf.for %scan3A_187 = %scan3A_128 to %scan3A_130 step %scan3A_131  : i32 {
      %mul3A_188 = arith.constant 16 : i32
      %mul3A_189 = arith.muli %scan3A_187, %mul3A_188 : i32
      %add3A_190 = arith.constant 128 : i32
      %add3A_191 = arith.addi %add3A_190, %mul3A_189 : i32
      %add3A_192 = vector.broadcast %add3A_191 : i32 to vector<16xi32>
      %add3A_193 = arith.addi %add3A_192, %iota3A : vector<16xi32>
      %broadcast_in_dim3A = arith.constant 0.000000e+00 : f32
      %broadcast_in_dim3A_194 = vector.broadcast %broadcast_in_dim3A : f32 to vector<16xf32>
      %broadcast_in_dim3A_195 = arith.constant 0.000000e+00 : f32
      %broadcast_in_dim3A_196 = vector.broadcast %broadcast_in_dim3A_195 : f32 to vector<16xf32>
      %broadcast_in_dim3A_197 = arith.constant 0.000000e+00 : f32
      %broadcast_in_dim3A_198 = vector.broadcast %broadcast_in_dim3A_197 : f32 to vector<16xf32>
      %broadcast_in_dim3A_199 = arith.constant 0.000000e+00 : f32
      %broadcast_in_dim3A_200 = vector.broadcast %broadcast_in_dim3A_199 : f32 to vector<16xf32>
      %broadcast_in_dim3A_201 = arith.constant 0.000000e+00 : f32
      %broadcast_in_dim3A_202 = vector.broadcast %broadcast_in_dim3A_201 : f32 to vector<16xf32>
      %broadcast_in_dim3A_203 = arith.constant 0.000000e+00 : f32
      %broadcast_in_dim3A_204 = vector.broadcast %broadcast_in_dim3A_203 : f32 to vector<16xf32>
      %broadcast_in_dim3A_205 = arith.constant 0 : i32
      %broadcast_in_dim3A_206 = vector.broadcast %broadcast_in_dim3A_205 : i32 to vector<16xi32>
      %broadcast_in_dim3A_207 = arith.constant 1 : i32
      %broadcast_in_dim3A_208 = vector.broadcast %broadcast_in_dim3A_207 : i32 to vector<16xi32>
      %gather3A = tpu.vector_load_idx %arg11[%add3A_193, %broadcast_in_dim3A_206] : memref<512x32xf32, #tpu.memory_space<vmem>>[vector<16xi32>, vector<16xi32>], vector<16xf32>,
      %gather3A_209 = tpu.vector_load_idx %arg12[%add3A_193, %broadcast_in_dim3A_206] : memref<512x32xf32, #tpu.memory_space<vmem>>[vector<16xi32>, vector<16xi32>], vector<16xf32>,
      %gather3A_210 = tpu.vector_load_idx %arg11[%add3A_193, %broadcast_in_dim3A_208] : memref<512x32xf32, #tpu.memory_space<vmem>>[vector<16xi32>, vector<16xi32>], vector<16xf32>,
      %gather3A_211 = tpu.vector_load_idx %arg12[%add3A_193, %broadcast_in_dim3A_208] : memref<512x32xf32, #tpu.memory_space<vmem>>[vector<16xi32>, vector<16xi32>], vector<16xf32>,
      %mul3A_212 = arith.mulf %gather3A, %gather3A_209 : vector<16xf32>
      %add3A_213 = arith.addf %broadcast_in_dim3A_194, %mul3A_212 : vector<16xf32>
      %mul3A_214 = arith.mulf %gather3A, %gather3A : vector<16xf32>
      %add3A_215 = arith.addf %broadcast_in_dim3A_196, %mul3A_214 : vector<16xf32>
      %mul3A_216 = arith.mulf %gather3A_209, %gather3A_209 : vector<16xf32>
      %add3A_217 = arith.addf %broadcast_in_dim3A_198, %mul3A_216 : vector<16xf32>
      %mul3A_218 = arith.mulf %gather3A_210, %gather3A_211 : vector<16xf32>
      %add3A_219 = arith.addf %broadcast_in_dim3A_200, %mul3A_218 : vector<16xf32>
      %mul3A_220 = arith.mulf %gather3A_210, %gather3A_210 : vector<16xf32>
      %add3A_221 = arith.addf %broadcast_in_dim3A_202, %mul3A_220 : vector<16xf32>
      %mul3A_222 = arith.mulf %gather3A_211, %gather3A_211 : vector<16xf32>
      %add3A_223 = arith.addf %broadcast_in_dim3A_204, %mul3A_222 : vector<16xf32>
      %broadcast_in_dim3A_224 = arith.constant 2 : i32
      %broadcast_in_dim3A_225 = vector.broadcast %broadcast_in_dim3A_224 : i32 to vector<16xi32>
      %broadcast_in_dim3A_226 = arith.constant 3 : i32
      %broadcast_in_dim3A_227 = vector.broadcast %broadcast_in_dim3A_226 : i32 to vector<16xi32>
      %gather3A_228 = tpu.vector_load_idx %arg11[%add3A_193, %broadcast_in_dim3A_225] : memref<512x32xf32, #tpu.memory_space<vmem>>[vector<16xi32>, vector<16xi32>], vector<16xf32>,
      %gather3A_229 = tpu.vector_load_idx %arg12[%add3A_193, %broadcast_in_dim3A_225] : memref<512x32xf32, #tpu.memory_space<vmem>>[vector<16xi32>, vector<16xi32>], vector<16xf32>,
      %gather3A_230 = tpu.vector_load_idx %arg11[%add3A_193, %broadcast_in_dim3A_227] : memref<512x32xf32, #tpu.memory_space<vmem>>[vector<16xi32>, vector<16xi32>], vector<16xf32>,
      %gather3A_231 = tpu.vector_load_idx %arg12[%add3A_193, %broadcast_in_dim3A_227] : memref<512x32xf32, #tpu.memory_space<vmem>>[vector<16xi32>, vector<16xi32>], vector<16xf32>,
      %mul3A_232 = arith.mulf %gather3A_228, %gather3A_229 : vector<16xf32>
      %add3A_233 = arith.addf %add3A_213, %mul3A_232 : vector<16xf32>
      %mul3A_234 = arith.mulf %gather3A_228, %gather3A_228 : vector<16xf32>
      %add3A_235 = arith.addf %add3A_215, %mul3A_234 : vector<16xf32>
      %mul3A_236 = arith.mulf %gather3A_229, %gather3A_229 : vector<16xf32>
      %add3A_237 = arith.addf %add3A_217, %mul3A_236 : vector<16xf32>
      %mul3A_238 = arith.mulf %gather3A_230, %gather3A_231 : vector<16xf32>
      %add3A_239 = arith.addf %add3A_219, %mul3A_238 : vector<16xf32>
      %mul3A_240 = arith.mulf %gather3A_230, %gather3A_230 : vector<16xf32>
      %add3A_241 = arith.addf %add3A_221, %mul3A_240 : vector<16xf32>
      %mul3A_242 = arith.mulf %gather3A_231, %gather3A_231 : vector<16xf32>
      %add3A_243 = arith.addf %add3A_223, %mul3A_242 : vector<16xf32>
      %broadcast_in_dim3A_244 = arith.constant 4 : i32
      %broadcast_in_dim3A_245 = vector.broadcast %broadcast_in_dim3A_244 : i32 to vector<16xi32>
      %broadcast_in_dim3A_246 = arith.constant 5 : i32
      %broadcast_in_dim3A_247 = vector.broadcast %broadcast_in_dim3A_246 : i32 to vector<16xi32>
      %gather3A_248 = tpu.vector_load_idx %arg11[%add3A_193, %broadcast_in_dim3A_245] : memref<512x32xf32, #tpu.memory_space<vmem>>[vector<16xi32>, vector<16xi32>], vector<16xf32>,
      %gather3A_249 = tpu.vector_load_idx %arg12[%add3A_193, %broadcast_in_dim3A_245] : memref<512x32xf32, #tpu.memory_space<vmem>>[vector<16xi32>, vector<16xi32>], vector<16xf32>,
      %gather3A_250 = tpu.vector_load_idx %arg11[%add3A_193, %broadcast_in_dim3A_247] : memref<512x32xf32, #tpu.memory_space<vmem>>[vector<16xi32>, vector<16xi32>], vector<16xf32>,
      %gather3A_251 = tpu.vector_load_idx %arg12[%add3A_193, %broadcast_in_dim3A_247] : memref<512x32xf32, #tpu.memory_space<vmem>>[vector<16xi32>, vector<16xi32>], vector<16xf32>,
      %mul3A_252 = arith.mulf %gather3A_248, %gather3A_249 : vector<16xf32>
      %add3A_253 = arith.addf %add3A_233, %mul3A_252 : vector<16xf32>
      %mul3A_254 = arith.mulf %gather3A_248, %gather3A_248 : vector<16xf32>
      %add3A_255 = arith.addf %add3A_235, %mul3A_254 : vector<16xf32>
      %mul3A_256 = arith.mulf %gather3A_249, %gather3A_249 : vector<16xf32>
      %add3A_257 = arith.addf %add3A_237, %mul3A_256 : vector<16xf32>
      %mul3A_258 = arith.mulf %gather3A_250, %gather3A_251 : vector<16xf32>
      %add3A_259 = arith.addf %add3A_239, %mul3A_258 : vector<16xf32>
      %mul3A_260 = arith.mulf %gather3A_250, %gather3A_250 : vector<16xf32>
      %add3A_261 = arith.addf %add3A_241, %mul3A_260 : vector<16xf32>
      %mul3A_262 = arith.mulf %gather3A_251, %gather3A_251 : vector<16xf32>
      %add3A_263 = arith.addf %add3A_243, %mul3A_262 : vector<16xf32>
      %broadcast_in_dim3A_264 = arith.constant 6 : i32
      %broadcast_in_dim3A_265 = vector.broadcast %broadcast_in_dim3A_264 : i32 to vector<16xi32>
      %broadcast_in_dim3A_266 = arith.constant 7 : i32
      %broadcast_in_dim3A_267 = vector.broadcast %broadcast_in_dim3A_266 : i32 to vector<16xi32>
      %gather3A_268 = tpu.vector_load_idx %arg11[%add3A_193, %broadcast_in_dim3A_265] : memref<512x32xf32, #tpu.memory_space<vmem>>[vector<16xi32>, vector<16xi32>], vector<16xf32>,
      %gather3A_269 = tpu.vector_load_idx %arg12[%add3A_193, %broadcast_in_dim3A_265] : memref<512x32xf32, #tpu.memory_space<vmem>>[vector<16xi32>, vector<16xi32>], vector<16xf32>,
      %gather3A_270 = tpu.vector_load_idx %arg11[%add3A_193, %broadcast_in_dim3A_267] : memref<512x32xf32, #tpu.memory_space<vmem>>[vector<16xi32>, vector<16xi32>], vector<16xf32>,
      %gather3A_271 = tpu.vector_load_idx %arg12[%add3A_193, %broadcast_in_dim3A_267] : memref<512x32xf32, #tpu.memory_space<vmem>>[vector<16xi32>, vector<16xi32>], vector<16xf32>,
      %mul3A_272 = arith.mulf %gather3A_268, %gather3A_269 : vector<16xf32>
      %add3A_273 = arith.addf %add3A_253, %mul3A_272 : vector<16xf32>
      %mul3A_274 = arith.mulf %gather3A_268, %gather3A_268 : vector<16xf32>
      %add3A_275 = arith.addf %add3A_255, %mul3A_274 : vector<16xf32>
      %mul3A_276 = arith.mulf %gather3A_269, %gather3A_269 : vector<16xf32>
      %add3A_277 = arith.addf %add3A_257, %mul3A_276 : vector<16xf32>
      %mul3A_278 = arith.mulf %gather3A_270, %gather3A_271 : vector<16xf32>
      %add3A_279 = arith.addf %add3A_259, %mul3A_278 : vector<16xf32>
      %mul3A_280 = arith.mulf %gather3A_270, %gather3A_270 : vector<16xf32>
      %add3A_281 = arith.addf %add3A_261, %mul3A_280 : vector<16xf32>
      %mul3A_282 = arith.mulf %gather3A_271, %gather3A_271 : vector<16xf32>
      %add3A_283 = arith.addf %add3A_263, %mul3A_282 : vector<16xf32>
      %broadcast_in_dim3A_284 = arith.constant 8 : i32
      %broadcast_in_dim3A_285 = vector.broadcast %broadcast_in_dim3A_284 : i32 to vector<16xi32>
      %broadcast_in_dim3A_286 = arith.constant 9 : i32
      %broadcast_in_dim3A_287 = vector.broadcast %broadcast_in_dim3A_286 : i32 to vector<16xi32>
      %gather3A_288 = tpu.vector_load_idx %arg11[%add3A_193, %broadcast_in_dim3A_285] : memref<512x32xf32, #tpu.memory_space<vmem>>[vector<16xi32>, vector<16xi32>], vector<16xf32>,
      %gather3A_289 = tpu.vector_load_idx %arg12[%add3A_193, %broadcast_in_dim3A_285] : memref<512x32xf32, #tpu.memory_space<vmem>>[vector<16xi32>, vector<16xi32>], vector<16xf32>,
      %gather3A_290 = tpu.vector_load_idx %arg11[%add3A_193, %broadcast_in_dim3A_287] : memref<512x32xf32, #tpu.memory_space<vmem>>[vector<16xi32>, vector<16xi32>], vector<16xf32>,
      %gather3A_291 = tpu.vector_load_idx %arg12[%add3A_193, %broadcast_in_dim3A_287] : memref<512x32xf32, #tpu.memory_space<vmem>>[vector<16xi32>, vector<16xi32>], vector<16xf32>,
      %mul3A_292 = arith.mulf %gather3A_288, %gather3A_289 : vector<16xf32>
      %add3A_293 = arith.addf %add3A_273, %mul3A_292 : vector<16xf32>
      %mul3A_294 = arith.mulf %gather3A_288, %gather3A_288 : vector<16xf32>
      %add3A_295 = arith.addf %add3A_275, %mul3A_294 : vector<16xf32>
      %mul3A_296 = arith.mulf %gather3A_289, %gather3A_289 : vector<16xf32>
      %add3A_297 = arith.addf %add3A_277, %mul3A_296 : vector<16xf32>
      %mul3A_298 = arith.mulf %gather3A_290, %gather3A_291 : vector<16xf32>
      %add3A_299 = arith.addf %add3A_279, %mul3A_298 : vector<16xf32>
      %mul3A_300 = arith.mulf %gather3A_290, %gather3A_290 : vector<16xf32>
      %add3A_301 = arith.addf %add3A_281, %mul3A_300 : vector<16xf32>
      %mul3A_302 = arith.mulf %gather3A_291, %gather3A_291 : vector<16xf32>
      %add3A_303 = arith.addf %add3A_283, %mul3A_302 : vector<16xf32>
      %broadcast_in_dim3A_304 = arith.constant 10 : i32
      %broadcast_in_dim3A_305 = vector.broadcast %broadcast_in_dim3A_304 : i32 to vector<16xi32>
      %broadcast_in_dim3A_306 = arith.constant 11 : i32
      %broadcast_in_dim3A_307 = vector.broadcast %broadcast_in_dim3A_306 : i32 to vector<16xi32>
      %gather3A_308 = tpu.vector_load_idx %arg11[%add3A_193, %broadcast_in_dim3A_305] : memref<512x32xf32, #tpu.memory_space<vmem>>[vector<16xi32>, vector<16xi32>], vector<16xf32>,
      %gather3A_309 = tpu.vector_load_idx %arg12[%add3A_193, %broadcast_in_dim3A_305] : memref<512x32xf32, #tpu.memory_space<vmem>>[vector<16xi32>, vector<16xi32>], vector<16xf32>,
      %gather3A_310 = tpu.vector_load_idx %arg11[%add3A_193, %broadcast_in_dim3A_307] : memref<512x32xf32, #tpu.memory_space<vmem>>[vector<16xi32>, vector<16xi32>], vector<16xf32>,
      %gather3A_311 = tpu.vector_load_idx %arg12[%add3A_193, %broadcast_in_dim3A_307] : memref<512x32xf32, #tpu.memory_space<vmem>>[vector<16xi32>, vector<16xi32>], vector<16xf32>,
      %mul3A_312 = arith.mulf %gather3A_308, %gather3A_309 : vector<16xf32>
      %add3A_313 = arith.addf %add3A_293, %mul3A_312 : vector<16xf32>
      %mul3A_314 = arith.mulf %gather3A_308, %gather3A_308 : vector<16xf32>
      %add3A_315 = arith.addf %add3A_295, %mul3A_314 : vector<16xf32>
      %mul3A_316 = arith.mulf %gather3A_309, %gather3A_309 : vector<16xf32>
      %add3A_317 = arith.addf %add3A_297, %mul3A_316 : vector<16xf32>
      %mul3A_318 = arith.mulf %gather3A_310, %gather3A_311 : vector<16xf32>
      %add3A_319 = arith.addf %add3A_299, %mul3A_318 : vector<16xf32>
      %mul3A_320 = arith.mulf %gather3A_310, %gather3A_310 : vector<16xf32>
      %add3A_321 = arith.addf %add3A_301, %mul3A_320 : vector<16xf32>
      %mul3A_322 = arith.mulf %gather3A_311, %gather3A_311 : vector<16xf32>
      %add3A_323 = arith.addf %add3A_303, %mul3A_322 : vector<16xf32>
      %broadcast_in_dim3A_324 = arith.constant 12 : i32
      %broadcast_in_dim3A_325 = vector.broadcast %broadcast_in_dim3A_324 : i32 to vector<16xi32>
      %broadcast_in_dim3A_326 = arith.constant 13 : i32
      %broadcast_in_dim3A_327 = vector.broadcast %broadcast_in_dim3A_326 : i32 to vector<16xi32>
      %gather3A_328 = tpu.vector_load_idx %arg11[%add3A_193, %broadcast_in_dim3A_325] : memref<512x32xf32, #tpu.memory_space<vmem>>[vector<16xi32>, vector<16xi32>], vector<16xf32>,
      %gather3A_329 = tpu.vector_load_idx %arg12[%add3A_193, %broadcast_in_dim3A_325] : memref<512x32xf32, #tpu.memory_space<vmem>>[vector<16xi32>, vector<16xi32>], vector<16xf32>,
      %gather3A_330 = tpu.vector_load_idx %arg11[%add3A_193, %broadcast_in_dim3A_327] : memref<512x32xf32, #tpu.memory_space<vmem>>[vector<16xi32>, vector<16xi32>], vector<16xf32>,
      %gather3A_331 = tpu.vector_load_idx %arg12[%add3A_193, %broadcast_in_dim3A_327] : memref<512x32xf32, #tpu.memory_space<vmem>>[vector<16xi32>, vector<16xi32>], vector<16xf32>,
      %mul3A_332 = arith.mulf %gather3A_328, %gather3A_329 : vector<16xf32>
      %add3A_333 = arith.addf %add3A_313, %mul3A_332 : vector<16xf32>
      %mul3A_334 = arith.mulf %gather3A_328, %gather3A_328 : vector<16xf32>
      %add3A_335 = arith.addf %add3A_315, %mul3A_334 : vector<16xf32>
      %mul3A_336 = arith.mulf %gather3A_329, %gather3A_329 : vector<16xf32>
      %add3A_337 = arith.addf %add3A_317, %mul3A_336 : vector<16xf32>
      %mul3A_338 = arith.mulf %gather3A_330, %gather3A_331 : vector<16xf32>
      %add3A_339 = arith.addf %add3A_319, %mul3A_338 : vector<16xf32>
      %mul3A_340 = arith.mulf %gather3A_330, %gather3A_330 : vector<16xf32>
      %add3A_341 = arith.addf %add3A_321, %mul3A_340 : vector<16xf32>
      %mul3A_342 = arith.mulf %gather3A_331, %gather3A_331 : vector<16xf32>
      %add3A_343 = arith.addf %add3A_323, %mul3A_342 : vector<16xf32>
      %broadcast_in_dim3A_344 = arith.constant 14 : i32
      %broadcast_in_dim3A_345 = vector.broadcast %broadcast_in_dim3A_344 : i32 to vector<16xi32>
      %broadcast_in_dim3A_346 = arith.constant 15 : i32
      %broadcast_in_dim3A_347 = vector.broadcast %broadcast_in_dim3A_346 : i32 to vector<16xi32>
      %gather3A_348 = tpu.vector_load_idx %arg11[%add3A_193, %broadcast_in_dim3A_345] : memref<512x32xf32, #tpu.memory_space<vmem>>[vector<16xi32>, vector<16xi32>], vector<16xf32>,
      %gather3A_349 = tpu.vector_load_idx %arg12[%add3A_193, %broadcast_in_dim3A_345] : memref<512x32xf32, #tpu.memory_space<vmem>>[vector<16xi32>, vector<16xi32>], vector<16xf32>,
      %gather3A_350 = tpu.vector_load_idx %arg11[%add3A_193, %broadcast_in_dim3A_347] : memref<512x32xf32, #tpu.memory_space<vmem>>[vector<16xi32>, vector<16xi32>], vector<16xf32>,
      %gather3A_351 = tpu.vector_load_idx %arg12[%add3A_193, %broadcast_in_dim3A_347] : memref<512x32xf32, #tpu.memory_space<vmem>>[vector<16xi32>, vector<16xi32>], vector<16xf32>,
      %mul3A_352 = arith.mulf %gather3A_348, %gather3A_349 : vector<16xf32>
      %add3A_353 = arith.addf %add3A_333, %mul3A_352 : vector<16xf32>
      %mul3A_354 = arith.mulf %gather3A_348, %gather3A_348 : vector<16xf32>
      %add3A_355 = arith.addf %add3A_335, %mul3A_354 : vector<16xf32>
      %mul3A_356 = arith.mulf %gather3A_349, %gather3A_349 : vector<16xf32>
      %add3A_357 = arith.addf %add3A_337, %mul3A_356 : vector<16xf32>
      %mul3A_358 = arith.mulf %gather3A_350, %gather3A_351 : vector<16xf32>
      %add3A_359 = arith.addf %add3A_339, %mul3A_358 : vector<16xf32>
      %mul3A_360 = arith.mulf %gather3A_350, %gather3A_350 : vector<16xf32>
      %add3A_361 = arith.addf %add3A_341, %mul3A_360 : vector<16xf32>
      %mul3A_362 = arith.mulf %gather3A_351, %gather3A_351 : vector<16xf32>
      %add3A_363 = arith.addf %add3A_343, %mul3A_362 : vector<16xf32>
      %broadcast_in_dim3A_364 = arith.constant 16 : i32
      %broadcast_in_dim3A_365 = vector.broadcast %broadcast_in_dim3A_364 : i32 to vector<16xi32>
      %broadcast_in_dim3A_366 = arith.constant 17 : i32
      %broadcast_in_dim3A_367 = vector.broadcast %broadcast_in_dim3A_366 : i32 to vector<16xi32>
      %gather3A_368 = tpu.vector_load_idx %arg11[%add3A_193, %broadcast_in_dim3A_365] : memref<512x32xf32, #tpu.memory_space<vmem>>[vector<16xi32>, vector<16xi32>], vector<16xf32>,
      %gather3A_369 = tpu.vector_load_idx %arg12[%add3A_193, %broadcast_in_dim3A_365] : memref<512x32xf32, #tpu.memory_space<vmem>>[vector<16xi32>, vector<16xi32>], vector<16xf32>,
      %gather3A_370 = tpu.vector_load_idx %arg11[%add3A_193, %broadcast_in_dim3A_367] : memref<512x32xf32, #tpu.memory_space<vmem>>[vector<16xi32>, vector<16xi32>], vector<16xf32>,
      %gather3A_371 = tpu.vector_load_idx %arg12[%add3A_193, %broadcast_in_dim3A_367] : memref<512x32xf32, #tpu.memory_space<vmem>>[vector<16xi32>, vector<16xi32>], vector<16xf32>,
      %mul3A_372 = arith.mulf %gather3A_368, %gather3A_369 : vector<16xf32>
      %add3A_373 = arith.addf %add3A_353, %mul3A_372 : vector<16xf32>
      %mul3A_374 = arith.mulf %gather3A_368, %gather3A_368 : vector<16xf32>
      %add3A_375 = arith.addf %add3A_355, %mul3A_374 : vector<16xf32>
      %mul3A_376 = arith.mulf %gather3A_369, %gather3A_369 : vector<16xf32>
      %add3A_377 = arith.addf %add3A_357, %mul3A_376 : vector<16xf32>
      %mul3A_378 = arith.mulf %gather3A_370, %gather3A_371 : vector<16xf32>
      %add3A_379 = arith.addf %add3A_359, %mul3A_378 : vector<16xf32>
      %mul3A_380 = arith.mulf %gather3A_370, %gather3A_370 : vector<16xf32>
      %add3A_381 = arith.addf %add3A_361, %mul3A_380 : vector<16xf32>
      %mul3A_382 = arith.mulf %gather3A_371, %gather3A_371 : vector<16xf32>
      %add3A_383 = arith.addf %add3A_363, %mul3A_382 : vector<16xf32>
      %broadcast_in_dim3A_384 = arith.constant 18 : i32
      %broadcast_in_dim3A_385 = vector.broadcast %broadcast_in_dim3A_384 : i32 to vector<16xi32>
      %broadcast_in_dim3A_386 = arith.constant 19 : i32
      %broadcast_in_dim3A_387 = vector.broadcast %broadcast_in_dim3A_386 : i32 to vector<16xi32>
      %gather3A_388 = tpu.vector_load_idx %arg11[%add3A_193, %broadcast_in_dim3A_385] : memref<512x32xf32, #tpu.memory_space<vmem>>[vector<16xi32>, vector<16xi32>], vector<16xf32>,
      %gather3A_389 = tpu.vector_load_idx %arg12[%add3A_193, %broadcast_in_dim3A_385] : memref<512x32xf32, #tpu.memory_space<vmem>>[vector<16xi32>, vector<16xi32>], vector<16xf32>,
      %gather3A_390 = tpu.vector_load_idx %arg11[%add3A_193, %broadcast_in_dim3A_387] : memref<512x32xf32, #tpu.memory_space<vmem>>[vector<16xi32>, vector<16xi32>], vector<16xf32>,
      %gather3A_391 = tpu.vector_load_idx %arg12[%add3A_193, %broadcast_in_dim3A_387] : memref<512x32xf32, #tpu.memory_space<vmem>>[vector<16xi32>, vector<16xi32>], vector<16xf32>,
      %mul3A_392 = arith.mulf %gather3A_388, %gather3A_389 : vector<16xf32>
      %add3A_393 = arith.addf %add3A_373, %mul3A_392 : vector<16xf32>
      %mul3A_394 = arith.mulf %gather3A_388, %gather3A_388 : vector<16xf32>
      %add3A_395 = arith.addf %add3A_375, %mul3A_394 : vector<16xf32>
      %mul3A_396 = arith.mulf %gather3A_389, %gather3A_389 : vector<16xf32>
      %add3A_397 = arith.addf %add3A_377, %mul3A_396 : vector<16xf32>
      %mul3A_398 = arith.mulf %gather3A_390, %gather3A_391 : vector<16xf32>
      %add3A_399 = arith.addf %add3A_379, %mul3A_398 : vector<16xf32>
      %mul3A_400 = arith.mulf %gather3A_390, %gather3A_390 : vector<16xf32>
      %add3A_401 = arith.addf %add3A_381, %mul3A_400 : vector<16xf32>
      %mul3A_402 = arith.mulf %gather3A_391, %gather3A_391 : vector<16xf32>
      %add3A_403 = arith.addf %add3A_383, %mul3A_402 : vector<16xf32>
      %broadcast_in_dim3A_404 = arith.constant 20 : i32
      %broadcast_in_dim3A_405 = vector.broadcast %broadcast_in_dim3A_404 : i32 to vector<16xi32>
      %broadcast_in_dim3A_406 = arith.constant 21 : i32
      %broadcast_in_dim3A_407 = vector.broadcast %broadcast_in_dim3A_406 : i32 to vector<16xi32>
      %gather3A_408 = tpu.vector_load_idx %arg11[%add3A_193, %broadcast_in_dim3A_405] : memref<512x32xf32, #tpu.memory_space<vmem>>[vector<16xi32>, vector<16xi32>], vector<16xf32>,
      %gather3A_409 = tpu.vector_load_idx %arg12[%add3A_193, %broadcast_in_dim3A_405] : memref<512x32xf32, #tpu.memory_space<vmem>>[vector<16xi32>, vector<16xi32>], vector<16xf32>,
      %gather3A_410 = tpu.vector_load_idx %arg11[%add3A_193, %broadcast_in_dim3A_407] : memref<512x32xf32, #tpu.memory_space<vmem>>[vector<16xi32>, vector<16xi32>], vector<16xf32>,
      %gather3A_411 = tpu.vector_load_idx %arg12[%add3A_193, %broadcast_in_dim3A_407] : memref<512x32xf32, #tpu.memory_space<vmem>>[vector<16xi32>, vector<16xi32>], vector<16xf32>,
      %mul3A_412 = arith.mulf %gather3A_408, %gather3A_409 : vector<16xf32>
      %add3A_413 = arith.addf %add3A_393, %mul3A_412 : vector<16xf32>
      %mul3A_414 = arith.mulf %gather3A_408, %gather3A_408 : vector<16xf32>
      %add3A_415 = arith.addf %add3A_395, %mul3A_414 : vector<16xf32>
      %mul3A_416 = arith.mulf %gather3A_409, %gather3A_409 : vector<16xf32>
      %add3A_417 = arith.addf %add3A_397, %mul3A_416 : vector<16xf32>
      %mul3A_418 = arith.mulf %gather3A_410, %gather3A_411 : vector<16xf32>
      %add3A_419 = arith.addf %add3A_399, %mul3A_418 : vector<16xf32>
      %mul3A_420 = arith.mulf %gather3A_410, %gather3A_410 : vector<16xf32>
      %add3A_421 = arith.addf %add3A_401, %mul3A_420 : vector<16xf32>
      %mul3A_422 = arith.mulf %gather3A_411, %gather3A_411 : vector<16xf32>
      %add3A_423 = arith.addf %add3A_403, %mul3A_422 : vector<16xf32>
      %broadcast_in_dim3A_424 = arith.constant 22 : i32
      %broadcast_in_dim3A_425 = vector.broadcast %broadcast_in_dim3A_424 : i32 to vector<16xi32>
      %broadcast_in_dim3A_426 = arith.constant 23 : i32
      %broadcast_in_dim3A_427 = vector.broadcast %broadcast_in_dim3A_426 : i32 to vector<16xi32>
      %gather3A_428 = tpu.vector_load_idx %arg11[%add3A_193, %broadcast_in_dim3A_425] : memref<512x32xf32, #tpu.memory_space<vmem>>[vector<16xi32>, vector<16xi32>], vector<16xf32>,
      %gather3A_429 = tpu.vector_load_idx %arg12[%add3A_193, %broadcast_in_dim3A_425] : memref<512x32xf32, #tpu.memory_space<vmem>>[vector<16xi32>, vector<16xi32>], vector<16xf32>,
      %gather3A_430 = tpu.vector_load_idx %arg11[%add3A_193, %broadcast_in_dim3A_427] : memref<512x32xf32, #tpu.memory_space<vmem>>[vector<16xi32>, vector<16xi32>], vector<16xf32>,
      %gather3A_431 = tpu.vector_load_idx %arg12[%add3A_193, %broadcast_in_dim3A_427] : memref<512x32xf32, #tpu.memory_space<vmem>>[vector<16xi32>, vector<16xi32>], vector<16xf32>,
      %mul3A_432 = arith.mulf %gather3A_428, %gather3A_429 : vector<16xf32>
      %add3A_433 = arith.addf %add3A_413, %mul3A_432 : vector<16xf32>
      %mul3A_434 = arith.mulf %gather3A_428, %gather3A_428 : vector<16xf32>
      %add3A_435 = arith.addf %add3A_415, %mul3A_434 : vector<16xf32>
      %mul3A_436 = arith.mulf %gather3A_429, %gather3A_429 : vector<16xf32>
      %add3A_437 = arith.addf %add3A_417, %mul3A_436 : vector<16xf32>
      %mul3A_438 = arith.mulf %gather3A_430, %gather3A_431 : vector<16xf32>
      %add3A_439 = arith.addf %add3A_419, %mul3A_438 : vector<16xf32>
      %mul3A_440 = arith.mulf %gather3A_430, %gather3A_430 : vector<16xf32>
      %add3A_441 = arith.addf %add3A_421, %mul3A_440 : vector<16xf32>
      %mul3A_442 = arith.mulf %gather3A_431, %gather3A_431 : vector<16xf32>
      %add3A_443 = arith.addf %add3A_423, %mul3A_442 : vector<16xf32>
      %broadcast_in_dim3A_444 = arith.constant 24 : i32
      %broadcast_in_dim3A_445 = vector.broadcast %broadcast_in_dim3A_444 : i32 to vector<16xi32>
      %broadcast_in_dim3A_446 = arith.constant 25 : i32
      %broadcast_in_dim3A_447 = vector.broadcast %broadcast_in_dim3A_446 : i32 to vector<16xi32>
      %gather3A_448 = tpu.vector_load_idx %arg11[%add3A_193, %broadcast_in_dim3A_445] : memref<512x32xf32, #tpu.memory_space<vmem>>[vector<16xi32>, vector<16xi32>], vector<16xf32>,
      %gather3A_449 = tpu.vector_load_idx %arg12[%add3A_193, %broadcast_in_dim3A_445] : memref<512x32xf32, #tpu.memory_space<vmem>>[vector<16xi32>, vector<16xi32>], vector<16xf32>,
      %gather3A_450 = tpu.vector_load_idx %arg11[%add3A_193, %broadcast_in_dim3A_447] : memref<512x32xf32, #tpu.memory_space<vmem>>[vector<16xi32>, vector<16xi32>], vector<16xf32>,
      %gather3A_451 = tpu.vector_load_idx %arg12[%add3A_193, %broadcast_in_dim3A_447] : memref<512x32xf32, #tpu.memory_space<vmem>>[vector<16xi32>, vector<16xi32>], vector<16xf32>,
      %mul3A_452 = arith.mulf %gather3A_448, %gather3A_449 : vector<16xf32>
      %add3A_453 = arith.addf %add3A_433, %mul3A_452 : vector<16xf32>
      %mul3A_454 = arith.mulf %gather3A_448, %gather3A_448 : vector<16xf32>
      %add3A_455 = arith.addf %add3A_435, %mul3A_454 : vector<16xf32>
      %mul3A_456 = arith.mulf %gather3A_449, %gather3A_449 : vector<16xf32>
      %add3A_457 = arith.addf %add3A_437, %mul3A_456 : vector<16xf32>
      %mul3A_458 = arith.mulf %gather3A_450, %gather3A_451 : vector<16xf32>
      %add3A_459 = arith.addf %add3A_439, %mul3A_458 : vector<16xf32>
      %mul3A_460 = arith.mulf %gather3A_450, %gather3A_450 : vector<16xf32>
      %add3A_461 = arith.addf %add3A_441, %mul3A_460 : vector<16xf32>
      %mul3A_462 = arith.mulf %gather3A_451, %gather3A_451 : vector<16xf32>
      %add3A_463 = arith.addf %add3A_443, %mul3A_462 : vector<16xf32>
      %broadcast_in_dim3A_464 = arith.constant 26 : i32
      %broadcast_in_dim3A_465 = vector.broadcast %broadcast_in_dim3A_464 : i32 to vector<16xi32>
      %broadcast_in_dim3A_466 = arith.constant 27 : i32
      %broadcast_in_dim3A_467 = vector.broadcast %broadcast_in_dim3A_466 : i32 to vector<16xi32>
      %gather3A_468 = tpu.vector_load_idx %arg11[%add3A_193, %broadcast_in_dim3A_465] : memref<512x32xf32, #tpu.memory_space<vmem>>[vector<16xi32>, vector<16xi32>], vector<16xf32>,
      %gather3A_469 = tpu.vector_load_idx %arg12[%add3A_193, %broadcast_in_dim3A_465] : memref<512x32xf32, #tpu.memory_space<vmem>>[vector<16xi32>, vector<16xi32>], vector<16xf32>,
      %gather3A_470 = tpu.vector_load_idx %arg11[%add3A_193, %broadcast_in_dim3A_467] : memref<512x32xf32, #tpu.memory_space<vmem>>[vector<16xi32>, vector<16xi32>], vector<16xf32>,
      %gather3A_471 = tpu.vector_load_idx %arg12[%add3A_193, %broadcast_in_dim3A_467] : memref<512x32xf32, #tpu.memory_space<vmem>>[vector<16xi32>, vector<16xi32>], vector<16xf32>,
      %mul3A_472 = arith.mulf %gather3A_468, %gather3A_469 : vector<16xf32>
      %add3A_473 = arith.addf %add3A_453, %mul3A_472 : vector<16xf32>
      %mul3A_474 = arith.mulf %gather3A_468, %gather3A_468 : vector<16xf32>
      %add3A_475 = arith.addf %add3A_455, %mul3A_474 : vector<16xf32>
      %mul3A_476 = arith.mulf %gather3A_469, %gather3A_469 : vector<16xf32>
      %add3A_477 = arith.addf %add3A_457, %mul3A_476 : vector<16xf32>
      %mul3A_478 = arith.mulf %gather3A_470, %gather3A_471 : vector<16xf32>
      %add3A_479 = arith.addf %add3A_459, %mul3A_478 : vector<16xf32>
      %mul3A_480 = arith.mulf %gather3A_470, %gather3A_470 : vector<16xf32>
      %add3A_481 = arith.addf %add3A_461, %mul3A_480 : vector<16xf32>
      %mul3A_482 = arith.mulf %gather3A_471, %gather3A_471 : vector<16xf32>
      %add3A_483 = arith.addf %add3A_463, %mul3A_482 : vector<16xf32>
      %broadcast_in_dim3A_484 = arith.constant 28 : i32
      %broadcast_in_dim3A_485 = vector.broadcast %broadcast_in_dim3A_484 : i32 to vector<16xi32>
      %broadcast_in_dim3A_486 = arith.constant 29 : i32
      %broadcast_in_dim3A_487 = vector.broadcast %broadcast_in_dim3A_486 : i32 to vector<16xi32>
      %gather3A_488 = tpu.vector_load_idx %arg11[%add3A_193, %broadcast_in_dim3A_485] : memref<512x32xf32, #tpu.memory_space<vmem>>[vector<16xi32>, vector<16xi32>], vector<16xf32>,
      %gather3A_489 = tpu.vector_load_idx %arg12[%add3A_193, %broadcast_in_dim3A_485] : memref<512x32xf32, #tpu.memory_space<vmem>>[vector<16xi32>, vector<16xi32>], vector<16xf32>,
      %gather3A_490 = tpu.vector_load_idx %arg11[%add3A_193, %broadcast_in_dim3A_487] : memref<512x32xf32, #tpu.memory_space<vmem>>[vector<16xi32>, vector<16xi32>], vector<16xf32>,
      %gather3A_491 = tpu.vector_load_idx %arg12[%add3A_193, %broadcast_in_dim3A_487] : memref<512x32xf32, #tpu.memory_space<vmem>>[vector<16xi32>, vector<16xi32>], vector<16xf32>,
      %mul3A_492 = arith.mulf %gather3A_488, %gather3A_489 : vector<16xf32>
      %add3A_493 = arith.addf %add3A_473, %mul3A_492 : vector<16xf32>
      %mul3A_494 = arith.mulf %gather3A_488, %gather3A_488 : vector<16xf32>
      %add3A_495 = arith.addf %add3A_475, %mul3A_494 : vector<16xf32>
      %mul3A_496 = arith.mulf %gather3A_489, %gather3A_489 : vector<16xf32>
      %add3A_497 = arith.addf %add3A_477, %mul3A_496 : vector<16xf32>
      %mul3A_498 = arith.mulf %gather3A_490, %gather3A_491 : vector<16xf32>
      %add3A_499 = arith.addf %add3A_479, %mul3A_498 : vector<16xf32>
      %mul3A_500 = arith.mulf %gather3A_490, %gather3A_490 : vector<16xf32>
      %add3A_501 = arith.addf %add3A_481, %mul3A_500 : vector<16xf32>
      %mul3A_502 = arith.mulf %gather3A_491, %gather3A_491 : vector<16xf32>
      %add3A_503 = arith.addf %add3A_483, %mul3A_502 : vector<16xf32>
      %broadcast_in_dim3A_504 = arith.constant 30 : i32
      %broadcast_in_dim3A_505 = vector.broadcast %broadcast_in_dim3A_504 : i32 to vector<16xi32>
      %broadcast_in_dim3A_506 = arith.constant 31 : i32
      %broadcast_in_dim3A_507 = vector.broadcast %broadcast_in_dim3A_506 : i32 to vector<16xi32>
      %gather3A_508 = tpu.vector_load_idx %arg11[%add3A_193, %broadcast_in_dim3A_505] : memref<512x32xf32, #tpu.memory_space<vmem>>[vector<16xi32>, vector<16xi32>], vector<16xf32>,
      %gather3A_509 = tpu.vector_load_idx %arg12[%add3A_193, %broadcast_in_dim3A_505] : memref<512x32xf32, #tpu.memory_space<vmem>>[vector<16xi32>, vector<16xi32>], vector<16xf32>,
      %gather3A_510 = tpu.vector_load_idx %arg11[%add3A_193, %broadcast_in_dim3A_507] : memref<512x32xf32, #tpu.memory_space<vmem>>[vector<16xi32>, vector<16xi32>], vector<16xf32>,
      %gather3A_511 = tpu.vector_load_idx %arg12[%add3A_193, %broadcast_in_dim3A_507] : memref<512x32xf32, #tpu.memory_space<vmem>>[vector<16xi32>, vector<16xi32>], vector<16xf32>,
      %mul3A_512 = arith.mulf %gather3A_508, %gather3A_509 : vector<16xf32>
      %add3A_513 = arith.addf %add3A_493, %mul3A_512 : vector<16xf32>
      %mul3A_514 = arith.mulf %gather3A_508, %gather3A_508 : vector<16xf32>
      %add3A_515 = arith.addf %add3A_495, %mul3A_514 : vector<16xf32>
      %mul3A_516 = arith.mulf %gather3A_509, %gather3A_509 : vector<16xf32>
      %add3A_517 = arith.addf %add3A_497, %mul3A_516 : vector<16xf32>
      %mul3A_518 = arith.mulf %gather3A_510, %gather3A_511 : vector<16xf32>
      %add3A_519 = arith.addf %add3A_499, %mul3A_518 : vector<16xf32>
      %mul3A_520 = arith.mulf %gather3A_510, %gather3A_510 : vector<16xf32>
      %add3A_521 = arith.addf %add3A_501, %mul3A_520 : vector<16xf32>
      %mul3A_522 = arith.mulf %gather3A_511, %gather3A_511 : vector<16xf32>
      %add3A_523 = arith.addf %add3A_503, %mul3A_522 : vector<16xf32>
      %add3A_524 = arith.addf %add3A_513, %add3A_519 : vector<16xf32>
      %add3A_525 = arith.addf %add3A_515, %add3A_521 : vector<16xf32>
      %add3A_526 = arith.addf %add3A_517, %add3A_523 : vector<16xf32>
      %max3A = arith.constant 9.99999996E-13 : f32
      %max3A_527 = vector.broadcast %max3A : f32 to vector<16xf32>
      %max3A_528 = arith.maximumf %add3A_525, %max3A_527 : vector<16xf32>
      %bitcast3A = vector.bitcast %max3A_528 : vector<16xf32> to vector<16xi32>
      %shift_right_arithmetic3A = arith.constant 1 : i32
      %shift_right_arithmetic3A_529 = vector.broadcast %shift_right_arithmetic3A : i32 to vector<16xi32>
      %shift_right_arithmetic3A_530 = arith.shrsi %bitcast3A, %shift_right_arithmetic3A_529 : vector<16xi32>
      %sub3A = arith.constant 1597463007 : i32
      %sub3A_531 = vector.broadcast %sub3A : i32 to vector<16xi32>
      %sub3A_532 = arith.subi %sub3A_531, %shift_right_arithmetic3A_530 : vector<16xi32>
      %bitcast3A_533 = vector.bitcast %sub3A_532 : vector<16xi32> to vector<16xf32>
      %mul3A_534 = arith.constant 5.000000e-01 : f32
      %mul3A_535 = vector.broadcast %mul3A_534 : f32 to vector<16xf32>
      %mul3A_536 = arith.mulf %mul3A_535, %max3A_528 : vector<16xf32>
      %mul3A_537 = arith.mulf %mul3A_536, %bitcast3A_533 : vector<16xf32>
      %mul3A_538 = arith.mulf %mul3A_537, %bitcast3A_533 : vector<16xf32>
      %sub3A_539 = arith.constant 1.500000e+00 : f32
      %sub3A_540 = vector.broadcast %sub3A_539 : f32 to vector<16xf32>
      %sub3A_541 = arith.subf %sub3A_540, %mul3A_538 : vector<16xf32>
      %mul3A_542 = arith.mulf %bitcast3A_533, %sub3A_541 : vector<16xf32>
      %mul3A_543 = arith.constant 5.000000e-01 : f32
      %mul3A_544 = vector.broadcast %mul3A_543 : f32 to vector<16xf32>
      %mul3A_545 = arith.mulf %mul3A_544, %max3A_528 : vector<16xf32>
      %mul3A_546 = arith.mulf %mul3A_545, %mul3A_542 : vector<16xf32>
      %mul3A_547 = arith.mulf %mul3A_546, %mul3A_542 : vector<16xf32>
      %sub3A_548 = arith.constant 1.500000e+00 : f32
      %sub3A_549 = vector.broadcast %sub3A_548 : f32 to vector<16xf32>
      %sub3A_550 = arith.subf %sub3A_549, %mul3A_547 : vector<16xf32>
      %mul3A_551 = arith.mulf %mul3A_542, %sub3A_550 : vector<16xf32>
      %mul3A_552 = arith.constant 5.000000e-01 : f32
      %mul3A_553 = vector.broadcast %mul3A_552 : f32 to vector<16xf32>
      %mul3A_554 = arith.mulf %mul3A_553, %max3A_528 : vector<16xf32>
      %mul3A_555 = arith.mulf %mul3A_554, %mul3A_551 : vector<16xf32>
      %mul3A_556 = arith.mulf %mul3A_555, %mul3A_551 : vector<16xf32>
      %sub3A_557 = arith.constant 1.500000e+00 : f32
      %sub3A_558 = vector.broadcast %sub3A_557 : f32 to vector<16xf32>
      %sub3A_559 = arith.subf %sub3A_558, %mul3A_556 : vector<16xf32>
      %mul3A_560 = arith.mulf %mul3A_551, %sub3A_559 : vector<16xf32>
      %mul3A_561 = arith.mulf %add3A_524, %mul3A_560 : vector<16xf32>
      %max3A_562 = arith.constant 9.99999996E-13 : f32
      %max3A_563 = vector.broadcast %max3A_562 : f32 to vector<16xf32>
      %max3A_564 = arith.maximumf %add3A_526, %max3A_563 : vector<16xf32>
      %bitcast3A_565 = vector.bitcast %max3A_564 : vector<16xf32> to vector<16xi32>
      %shift_right_arithmetic3A_566 = arith.constant 1 : i32
      %shift_right_arithmetic3A_567 = vector.broadcast %shift_right_arithmetic3A_566 : i32 to vector<16xi32>
      %shift_right_arithmetic3A_568 = arith.shrsi %bitcast3A_565, %shift_right_arithmetic3A_567 : vector<16xi32>
      %sub3A_569 = arith.constant 1597463007 : i32
      %sub3A_570 = vector.broadcast %sub3A_569 : i32 to vector<16xi32>
      %sub3A_571 = arith.subi %sub3A_570, %shift_right_arithmetic3A_568 : vector<16xi32>
      %bitcast3A_572 = vector.bitcast %sub3A_571 : vector<16xi32> to vector<16xf32>
      %mul3A_573 = arith.constant 5.000000e-01 : f32
      %mul3A_574 = vector.broadcast %mul3A_573 : f32 to vector<16xf32>
      %mul3A_575 = arith.mulf %mul3A_574, %max3A_564 : vector<16xf32>
      %mul3A_576 = arith.mulf %mul3A_575, %bitcast3A_572 : vector<16xf32>
      %mul3A_577 = arith.mulf %mul3A_576, %bitcast3A_572 : vector<16xf32>
      %sub3A_578 = arith.constant 1.500000e+00 : f32
      %sub3A_579 = vector.broadcast %sub3A_578 : f32 to vector<16xf32>
      %sub3A_580 = arith.subf %sub3A_579, %mul3A_577 : vector<16xf32>
      %mul3A_581 = arith.mulf %bitcast3A_572, %sub3A_580 : vector<16xf32>
      %mul3A_582 = arith.constant 5.000000e-01 : f32
      %mul3A_583 = vector.broadcast %mul3A_582 : f32 to vector<16xf32>
      %mul3A_584 = arith.mulf %mul3A_583, %max3A_564 : vector<16xf32>
      %mul3A_585 = arith.mulf %mul3A_584, %mul3A_581 : vector<16xf32>
      %mul3A_586 = arith.mulf %mul3A_585, %mul3A_581 : vector<16xf32>
      %sub3A_587 = arith.constant 1.500000e+00 : f32
      %sub3A_588 = vector.broadcast %sub3A_587 : f32 to vector<16xf32>
      %sub3A_589 = arith.subf %sub3A_588, %mul3A_586 : vector<16xf32>
      %mul3A_590 = arith.mulf %mul3A_581, %sub3A_589 : vector<16xf32>
      %mul3A_591 = arith.constant 5.000000e-01 : f32
      %mul3A_592 = vector.broadcast %mul3A_591 : f32 to vector<16xf32>
      %mul3A_593 = arith.mulf %mul3A_592, %max3A_564 : vector<16xf32>
      %mul3A_594 = arith.mulf %mul3A_593, %mul3A_590 : vector<16xf32>
      %mul3A_595 = arith.mulf %mul3A_594, %mul3A_590 : vector<16xf32>
      %sub3A_596 = arith.constant 1.500000e+00 : f32
      %sub3A_597 = vector.broadcast %sub3A_596 : f32 to vector<16xf32>
      %sub3A_598 = arith.subf %sub3A_597, %mul3A_595 : vector<16xf32>
      %mul3A_599 = arith.mulf %mul3A_590, %sub3A_598 : vector<16xf32>
      %mul3A_600 = arith.mulf %mul3A_561, %mul3A_599 : vector<16xf32>
      %mul3A_601 = arith.mulf %mul3A_600, %get3A_80 : vector<16xf32>
      %add3A_602 = arith.addf %mul3A_601, %get3A_82 : vector<16xf32>
      %neg3A = arith.constant 0.000000e+00 : f32
      %neg3A_603 = vector.broadcast %neg3A : f32 to vector<16xf32>
      %neg3A_604 = arith.subf %neg3A_603, %add3A_602 : vector<16xf32>
      %exp3A = math.exp %neg3A_604 : vector<16xf32>
      %add3A_605 = arith.constant 1.000000e+00 : f32
      %add3A_606 = vector.broadcast %add3A_605 : f32 to vector<16xf32>
      %add3A_607 = arith.addf %add3A_606, %exp3A : vector<16xf32>
      %div3A = arith.constant 1.000000e+00 : f32
      %div3A_608 = vector.broadcast %div3A : f32 to vector<16xf32>
      %div3A_609 = arith.divf %div3A_608, %add3A_607 : vector<16xf32>
      %swap3A = arith.index_cast %add3A_191 : i32 to index
      %swap3A_610 = tpu.vector_load %arg13[%swap3A] {strides = array<i32>} : memref<512xf32, #tpu.memory_space<vmem>>, vector<16xf32>,
      tpu.vector_store %arg13[%swap3A], %div3A_609 {strides = array<i32>} : memref<512xf32, #tpu.memory_space<vmem>>, vector<16xf32>,
    }
    %scan3A_132 = arith.constant 8 : i32
    %dma_wait3A_133 = arith.constant 2 : i32
    %dma_wait3A_134 = arith.constant 256 : i32
    %dma_wait3A_135 = arith.constant 0 : i32
    %dma_wait3A_136 = tpu.memref_slice %arg11[%dma_wait3A_134, %dma_wait3A_135] : memref<512x32xf32, #tpu.memory_space<vmem>> -> memref<128x32xf32, #tpu.memory_space<vmem>>
    %dma_wait3A_137 = arith.constant 0 : i32
    %dma_wait3A_138 = tpu.memref_slice %arg9[%dma_wait3A_133, %dma_wait3A_137] : memref<4x128xi32, #tpu.memory_space<vmem>> -> memref<1x128xi32, #tpu.memory_space<vmem>>
    %dma_wait3A_139 = tpu.memref_squeeze %dma_wait3A_138 : memref<1x128xi32, #tpu.memory_space<vmem>> -> memref<128xi32, #tpu.memory_space<vmem>>
    %dma_wait3A_140 = arith.constant 0 : i32
    %dma_wait3A_141 = arith.constant 0 : i32
    %dma_wait3A_142 = tpu.memref_slice %arg4[%dma_wait3A_140, %dma_wait3A_141] : memref<100000x32xf32, #tpu.memory_space<hbm>> -> memref<100000x32xf32, #tpu.memory_space<hbm>>
    tpu.wait_indirect_dma semaphore(%arg18 : memref<!tpu.dma_semaphore, #tpu.memory_space<semaphore_mem>>) src(%dma_wait3A_142 : memref<100000x32xf32, #tpu.memory_space<hbm>>) dst(%dma_wait3A_136 : memref<128x32xf32, #tpu.memory_space<vmem>>)
    %dma_wait3A_143 = arith.constant 2 : i32
    %dma_wait3A_144 = arith.constant 256 : i32
    %dma_wait3A_145 = arith.constant 0 : i32
    %dma_wait3A_146 = tpu.memref_slice %arg12[%dma_wait3A_144, %dma_wait3A_145] : memref<512x32xf32, #tpu.memory_space<vmem>> -> memref<128x32xf32, #tpu.memory_space<vmem>>
    %dma_wait3A_147 = arith.constant 0 : i32
    %dma_wait3A_148 = tpu.memref_slice %arg10[%dma_wait3A_143, %dma_wait3A_147] : memref<4x128xi32, #tpu.memory_space<vmem>> -> memref<1x128xi32, #tpu.memory_space<vmem>>
    %dma_wait3A_149 = tpu.memref_squeeze %dma_wait3A_148 : memref<1x128xi32, #tpu.memory_space<vmem>> -> memref<128xi32, #tpu.memory_space<vmem>>
    %dma_wait3A_150 = arith.constant 0 : i32
    %dma_wait3A_151 = arith.constant 0 : i32
    %dma_wait3A_152 = tpu.memref_slice %arg5[%dma_wait3A_150, %dma_wait3A_151] : memref<100000x32xf32, #tpu.memory_space<hbm>> -> memref<100000x32xf32, #tpu.memory_space<hbm>>
    tpu.wait_indirect_dma semaphore(%arg22 : memref<!tpu.dma_semaphore, #tpu.memory_space<semaphore_mem>>) src(%dma_wait3A_152 : memref<100000x32xf32, #tpu.memory_space<hbm>>) dst(%dma_wait3A_146 : memref<128x32xf32, #tpu.memory_space<vmem>>)
    %scan3A_153 = arith.constant 0 : i32
    %scan3A_154 = arith.constant 0 : i32
    %scan3A_155 = arith.constant 8 : i32
    %scan3A_156 = arith.addi %scan3A_154, %scan3A_155 : i32
    %scan3A_157 = arith.constant 1 : i32
    scf.for %scan3A_187 = %scan3A_154 to %scan3A_156 step %scan3A_157  : i32 {
      %mul3A_188 = arith.constant 16 : i32
      %mul3A_189 = arith.muli %scan3A_187, %mul3A_188 : i32
      %add3A_190 = arith.constant 256 : i32
      %add3A_191 = arith.addi %add3A_190, %mul3A_189 : i32
      %add3A_192 = vector.broadcast %add3A_191 : i32 to vector<16xi32>
      %add3A_193 = arith.addi %add3A_192, %iota3A : vector<16xi32>
      %broadcast_in_dim3A = arith.constant 0.000000e+00 : f32
      %broadcast_in_dim3A_194 = vector.broadcast %broadcast_in_dim3A : f32 to vector<16xf32>
      %broadcast_in_dim3A_195 = arith.constant 0.000000e+00 : f32
      %broadcast_in_dim3A_196 = vector.broadcast %broadcast_in_dim3A_195 : f32 to vector<16xf32>
      %broadcast_in_dim3A_197 = arith.constant 0.000000e+00 : f32
      %broadcast_in_dim3A_198 = vector.broadcast %broadcast_in_dim3A_197 : f32 to vector<16xf32>
      %broadcast_in_dim3A_199 = arith.constant 0.000000e+00 : f32
      %broadcast_in_dim3A_200 = vector.broadcast %broadcast_in_dim3A_199 : f32 to vector<16xf32>
      %broadcast_in_dim3A_201 = arith.constant 0.000000e+00 : f32
      %broadcast_in_dim3A_202 = vector.broadcast %broadcast_in_dim3A_201 : f32 to vector<16xf32>
      %broadcast_in_dim3A_203 = arith.constant 0.000000e+00 : f32
      %broadcast_in_dim3A_204 = vector.broadcast %broadcast_in_dim3A_203 : f32 to vector<16xf32>
      %broadcast_in_dim3A_205 = arith.constant 0 : i32
      %broadcast_in_dim3A_206 = vector.broadcast %broadcast_in_dim3A_205 : i32 to vector<16xi32>
      %broadcast_in_dim3A_207 = arith.constant 1 : i32
      %broadcast_in_dim3A_208 = vector.broadcast %broadcast_in_dim3A_207 : i32 to vector<16xi32>
      %gather3A = tpu.vector_load_idx %arg11[%add3A_193, %broadcast_in_dim3A_206] : memref<512x32xf32, #tpu.memory_space<vmem>>[vector<16xi32>, vector<16xi32>], vector<16xf32>,
      %gather3A_209 = tpu.vector_load_idx %arg12[%add3A_193, %broadcast_in_dim3A_206] : memref<512x32xf32, #tpu.memory_space<vmem>>[vector<16xi32>, vector<16xi32>], vector<16xf32>,
      %gather3A_210 = tpu.vector_load_idx %arg11[%add3A_193, %broadcast_in_dim3A_208] : memref<512x32xf32, #tpu.memory_space<vmem>>[vector<16xi32>, vector<16xi32>], vector<16xf32>,
      %gather3A_211 = tpu.vector_load_idx %arg12[%add3A_193, %broadcast_in_dim3A_208] : memref<512x32xf32, #tpu.memory_space<vmem>>[vector<16xi32>, vector<16xi32>], vector<16xf32>,
      %mul3A_212 = arith.mulf %gather3A, %gather3A_209 : vector<16xf32>
      %add3A_213 = arith.addf %broadcast_in_dim3A_194, %mul3A_212 : vector<16xf32>
      %mul3A_214 = arith.mulf %gather3A, %gather3A : vector<16xf32>
      %add3A_215 = arith.addf %broadcast_in_dim3A_196, %mul3A_214 : vector<16xf32>
      %mul3A_216 = arith.mulf %gather3A_209, %gather3A_209 : vector<16xf32>
      %add3A_217 = arith.addf %broadcast_in_dim3A_198, %mul3A_216 : vector<16xf32>
      %mul3A_218 = arith.mulf %gather3A_210, %gather3A_211 : vector<16xf32>
      %add3A_219 = arith.addf %broadcast_in_dim3A_200, %mul3A_218 : vector<16xf32>
      %mul3A_220 = arith.mulf %gather3A_210, %gather3A_210 : vector<16xf32>
      %add3A_221 = arith.addf %broadcast_in_dim3A_202, %mul3A_220 : vector<16xf32>
      %mul3A_222 = arith.mulf %gather3A_211, %gather3A_211 : vector<16xf32>
      %add3A_223 = arith.addf %broadcast_in_dim3A_204, %mul3A_222 : vector<16xf32>
      %broadcast_in_dim3A_224 = arith.constant 2 : i32
      %broadcast_in_dim3A_225 = vector.broadcast %broadcast_in_dim3A_224 : i32 to vector<16xi32>
      %broadcast_in_dim3A_226 = arith.constant 3 : i32
      %broadcast_in_dim3A_227 = vector.broadcast %broadcast_in_dim3A_226 : i32 to vector<16xi32>
      %gather3A_228 = tpu.vector_load_idx %arg11[%add3A_193, %broadcast_in_dim3A_225] : memref<512x32xf32, #tpu.memory_space<vmem>>[vector<16xi32>, vector<16xi32>], vector<16xf32>,
      %gather3A_229 = tpu.vector_load_idx %arg12[%add3A_193, %broadcast_in_dim3A_225] : memref<512x32xf32, #tpu.memory_space<vmem>>[vector<16xi32>, vector<16xi32>], vector<16xf32>,
      %gather3A_230 = tpu.vector_load_idx %arg11[%add3A_193, %broadcast_in_dim3A_227] : memref<512x32xf32, #tpu.memory_space<vmem>>[vector<16xi32>, vector<16xi32>], vector<16xf32>,
      %gather3A_231 = tpu.vector_load_idx %arg12[%add3A_193, %broadcast_in_dim3A_227] : memref<512x32xf32, #tpu.memory_space<vmem>>[vector<16xi32>, vector<16xi32>], vector<16xf32>,
      %mul3A_232 = arith.mulf %gather3A_228, %gather3A_229 : vector<16xf32>
      %add3A_233 = arith.addf %add3A_213, %mul3A_232 : vector<16xf32>
      %mul3A_234 = arith.mulf %gather3A_228, %gather3A_228 : vector<16xf32>
      %add3A_235 = arith.addf %add3A_215, %mul3A_234 : vector<16xf32>
      %mul3A_236 = arith.mulf %gather3A_229, %gather3A_229 : vector<16xf32>
      %add3A_237 = arith.addf %add3A_217, %mul3A_236 : vector<16xf32>
      %mul3A_238 = arith.mulf %gather3A_230, %gather3A_231 : vector<16xf32>
      %add3A_239 = arith.addf %add3A_219, %mul3A_238 : vector<16xf32>
      %mul3A_240 = arith.mulf %gather3A_230, %gather3A_230 : vector<16xf32>
      %add3A_241 = arith.addf %add3A_221, %mul3A_240 : vector<16xf32>
      %mul3A_242 = arith.mulf %gather3A_231, %gather3A_231 : vector<16xf32>
      %add3A_243 = arith.addf %add3A_223, %mul3A_242 : vector<16xf32>
      %broadcast_in_dim3A_244 = arith.constant 4 : i32
      %broadcast_in_dim3A_245 = vector.broadcast %broadcast_in_dim3A_244 : i32 to vector<16xi32>
      %broadcast_in_dim3A_246 = arith.constant 5 : i32
      %broadcast_in_dim3A_247 = vector.broadcast %broadcast_in_dim3A_246 : i32 to vector<16xi32>
      %gather3A_248 = tpu.vector_load_idx %arg11[%add3A_193, %broadcast_in_dim3A_245] : memref<512x32xf32, #tpu.memory_space<vmem>>[vector<16xi32>, vector<16xi32>], vector<16xf32>,
      %gather3A_249 = tpu.vector_load_idx %arg12[%add3A_193, %broadcast_in_dim3A_245] : memref<512x32xf32, #tpu.memory_space<vmem>>[vector<16xi32>, vector<16xi32>], vector<16xf32>,
      %gather3A_250 = tpu.vector_load_idx %arg11[%add3A_193, %broadcast_in_dim3A_247] : memref<512x32xf32, #tpu.memory_space<vmem>>[vector<16xi32>, vector<16xi32>], vector<16xf32>,
      %gather3A_251 = tpu.vector_load_idx %arg12[%add3A_193, %broadcast_in_dim3A_247] : memref<512x32xf32, #tpu.memory_space<vmem>>[vector<16xi32>, vector<16xi32>], vector<16xf32>,
      %mul3A_252 = arith.mulf %gather3A_248, %gather3A_249 : vector<16xf32>
      %add3A_253 = arith.addf %add3A_233, %mul3A_252 : vector<16xf32>
      %mul3A_254 = arith.mulf %gather3A_248, %gather3A_248 : vector<16xf32>
      %add3A_255 = arith.addf %add3A_235, %mul3A_254 : vector<16xf32>
      %mul3A_256 = arith.mulf %gather3A_249, %gather3A_249 : vector<16xf32>
      %add3A_257 = arith.addf %add3A_237, %mul3A_256 : vector<16xf32>
      %mul3A_258 = arith.mulf %gather3A_250, %gather3A_251 : vector<16xf32>
      %add3A_259 = arith.addf %add3A_239, %mul3A_258 : vector<16xf32>
      %mul3A_260 = arith.mulf %gather3A_250, %gather3A_250 : vector<16xf32>
      %add3A_261 = arith.addf %add3A_241, %mul3A_260 : vector<16xf32>
      %mul3A_262 = arith.mulf %gather3A_251, %gather3A_251 : vector<16xf32>
      %add3A_263 = arith.addf %add3A_243, %mul3A_262 : vector<16xf32>
      %broadcast_in_dim3A_264 = arith.constant 6 : i32
      %broadcast_in_dim3A_265 = vector.broadcast %broadcast_in_dim3A_264 : i32 to vector<16xi32>
      %broadcast_in_dim3A_266 = arith.constant 7 : i32
      %broadcast_in_dim3A_267 = vector.broadcast %broadcast_in_dim3A_266 : i32 to vector<16xi32>
      %gather3A_268 = tpu.vector_load_idx %arg11[%add3A_193, %broadcast_in_dim3A_265] : memref<512x32xf32, #tpu.memory_space<vmem>>[vector<16xi32>, vector<16xi32>], vector<16xf32>,
      %gather3A_269 = tpu.vector_load_idx %arg12[%add3A_193, %broadcast_in_dim3A_265] : memref<512x32xf32, #tpu.memory_space<vmem>>[vector<16xi32>, vector<16xi32>], vector<16xf32>,
      %gather3A_270 = tpu.vector_load_idx %arg11[%add3A_193, %broadcast_in_dim3A_267] : memref<512x32xf32, #tpu.memory_space<vmem>>[vector<16xi32>, vector<16xi32>], vector<16xf32>,
      %gather3A_271 = tpu.vector_load_idx %arg12[%add3A_193, %broadcast_in_dim3A_267] : memref<512x32xf32, #tpu.memory_space<vmem>>[vector<16xi32>, vector<16xi32>], vector<16xf32>,
      %mul3A_272 = arith.mulf %gather3A_268, %gather3A_269 : vector<16xf32>
      %add3A_273 = arith.addf %add3A_253, %mul3A_272 : vector<16xf32>
      %mul3A_274 = arith.mulf %gather3A_268, %gather3A_268 : vector<16xf32>
      %add3A_275 = arith.addf %add3A_255, %mul3A_274 : vector<16xf32>
      %mul3A_276 = arith.mulf %gather3A_269, %gather3A_269 : vector<16xf32>
      %add3A_277 = arith.addf %add3A_257, %mul3A_276 : vector<16xf32>
      %mul3A_278 = arith.mulf %gather3A_270, %gather3A_271 : vector<16xf32>
      %add3A_279 = arith.addf %add3A_259, %mul3A_278 : vector<16xf32>
      %mul3A_280 = arith.mulf %gather3A_270, %gather3A_270 : vector<16xf32>
      %add3A_281 = arith.addf %add3A_261, %mul3A_280 : vector<16xf32>
      %mul3A_282 = arith.mulf %gather3A_271, %gather3A_271 : vector<16xf32>
      %add3A_283 = arith.addf %add3A_263, %mul3A_282 : vector<16xf32>
      %broadcast_in_dim3A_284 = arith.constant 8 : i32
      %broadcast_in_dim3A_285 = vector.broadcast %broadcast_in_dim3A_284 : i32 to vector<16xi32>
      %broadcast_in_dim3A_286 = arith.constant 9 : i32
      %broadcast_in_dim3A_287 = vector.broadcast %broadcast_in_dim3A_286 : i32 to vector<16xi32>
      %gather3A_288 = tpu.vector_load_idx %arg11[%add3A_193, %broadcast_in_dim3A_285] : memref<512x32xf32, #tpu.memory_space<vmem>>[vector<16xi32>, vector<16xi32>], vector<16xf32>,
      %gather3A_289 = tpu.vector_load_idx %arg12[%add3A_193, %broadcast_in_dim3A_285] : memref<512x32xf32, #tpu.memory_space<vmem>>[vector<16xi32>, vector<16xi32>], vector<16xf32>,
      %gather3A_290 = tpu.vector_load_idx %arg11[%add3A_193, %broadcast_in_dim3A_287] : memref<512x32xf32, #tpu.memory_space<vmem>>[vector<16xi32>, vector<16xi32>], vector<16xf32>,
      %gather3A_291 = tpu.vector_load_idx %arg12[%add3A_193, %broadcast_in_dim3A_287] : memref<512x32xf32, #tpu.memory_space<vmem>>[vector<16xi32>, vector<16xi32>], vector<16xf32>,
      %mul3A_292 = arith.mulf %gather3A_288, %gather3A_289 : vector<16xf32>
      %add3A_293 = arith.addf %add3A_273, %mul3A_292 : vector<16xf32>
      %mul3A_294 = arith.mulf %gather3A_288, %gather3A_288 : vector<16xf32>
      %add3A_295 = arith.addf %add3A_275, %mul3A_294 : vector<16xf32>
      %mul3A_296 = arith.mulf %gather3A_289, %gather3A_289 : vector<16xf32>
      %add3A_297 = arith.addf %add3A_277, %mul3A_296 : vector<16xf32>
      %mul3A_298 = arith.mulf %gather3A_290, %gather3A_291 : vector<16xf32>
      %add3A_299 = arith.addf %add3A_279, %mul3A_298 : vector<16xf32>
      %mul3A_300 = arith.mulf %gather3A_290, %gather3A_290 : vector<16xf32>
      %add3A_301 = arith.addf %add3A_281, %mul3A_300 : vector<16xf32>
      %mul3A_302 = arith.mulf %gather3A_291, %gather3A_291 : vector<16xf32>
      %add3A_303 = arith.addf %add3A_283, %mul3A_302 : vector<16xf32>
      %broadcast_in_dim3A_304 = arith.constant 10 : i32
      %broadcast_in_dim3A_305 = vector.broadcast %broadcast_in_dim3A_304 : i32 to vector<16xi32>
      %broadcast_in_dim3A_306 = arith.constant 11 : i32
      %broadcast_in_dim3A_307 = vector.broadcast %broadcast_in_dim3A_306 : i32 to vector<16xi32>
      %gather3A_308 = tpu.vector_load_idx %arg11[%add3A_193, %broadcast_in_dim3A_305] : memref<512x32xf32, #tpu.memory_space<vmem>>[vector<16xi32>, vector<16xi32>], vector<16xf32>,
      %gather3A_309 = tpu.vector_load_idx %arg12[%add3A_193, %broadcast_in_dim3A_305] : memref<512x32xf32, #tpu.memory_space<vmem>>[vector<16xi32>, vector<16xi32>], vector<16xf32>,
      %gather3A_310 = tpu.vector_load_idx %arg11[%add3A_193, %broadcast_in_dim3A_307] : memref<512x32xf32, #tpu.memory_space<vmem>>[vector<16xi32>, vector<16xi32>], vector<16xf32>,
      %gather3A_311 = tpu.vector_load_idx %arg12[%add3A_193, %broadcast_in_dim3A_307] : memref<512x32xf32, #tpu.memory_space<vmem>>[vector<16xi32>, vector<16xi32>], vector<16xf32>,
      %mul3A_312 = arith.mulf %gather3A_308, %gather3A_309 : vector<16xf32>
      %add3A_313 = arith.addf %add3A_293, %mul3A_312 : vector<16xf32>
      %mul3A_314 = arith.mulf %gather3A_308, %gather3A_308 : vector<16xf32>
      %add3A_315 = arith.addf %add3A_295, %mul3A_314 : vector<16xf32>
      %mul3A_316 = arith.mulf %gather3A_309, %gather3A_309 : vector<16xf32>
      %add3A_317 = arith.addf %add3A_297, %mul3A_316 : vector<16xf32>
      %mul3A_318 = arith.mulf %gather3A_310, %gather3A_311 : vector<16xf32>
      %add3A_319 = arith.addf %add3A_299, %mul3A_318 : vector<16xf32>
      %mul3A_320 = arith.mulf %gather3A_310, %gather3A_310 : vector<16xf32>
      %add3A_321 = arith.addf %add3A_301, %mul3A_320 : vector<16xf32>
      %mul3A_322 = arith.mulf %gather3A_311, %gather3A_311 : vector<16xf32>
      %add3A_323 = arith.addf %add3A_303, %mul3A_322 : vector<16xf32>
      %broadcast_in_dim3A_324 = arith.constant 12 : i32
      %broadcast_in_dim3A_325 = vector.broadcast %broadcast_in_dim3A_324 : i32 to vector<16xi32>
      %broadcast_in_dim3A_326 = arith.constant 13 : i32
      %broadcast_in_dim3A_327 = vector.broadcast %broadcast_in_dim3A_326 : i32 to vector<16xi32>
      %gather3A_328 = tpu.vector_load_idx %arg11[%add3A_193, %broadcast_in_dim3A_325] : memref<512x32xf32, #tpu.memory_space<vmem>>[vector<16xi32>, vector<16xi32>], vector<16xf32>,
      %gather3A_329 = tpu.vector_load_idx %arg12[%add3A_193, %broadcast_in_dim3A_325] : memref<512x32xf32, #tpu.memory_space<vmem>>[vector<16xi32>, vector<16xi32>], vector<16xf32>,
      %gather3A_330 = tpu.vector_load_idx %arg11[%add3A_193, %broadcast_in_dim3A_327] : memref<512x32xf32, #tpu.memory_space<vmem>>[vector<16xi32>, vector<16xi32>], vector<16xf32>,
      %gather3A_331 = tpu.vector_load_idx %arg12[%add3A_193, %broadcast_in_dim3A_327] : memref<512x32xf32, #tpu.memory_space<vmem>>[vector<16xi32>, vector<16xi32>], vector<16xf32>,
      %mul3A_332 = arith.mulf %gather3A_328, %gather3A_329 : vector<16xf32>
      %add3A_333 = arith.addf %add3A_313, %mul3A_332 : vector<16xf32>
      %mul3A_334 = arith.mulf %gather3A_328, %gather3A_328 : vector<16xf32>
      %add3A_335 = arith.addf %add3A_315, %mul3A_334 : vector<16xf32>
      %mul3A_336 = arith.mulf %gather3A_329, %gather3A_329 : vector<16xf32>
      %add3A_337 = arith.addf %add3A_317, %mul3A_336 : vector<16xf32>
      %mul3A_338 = arith.mulf %gather3A_330, %gather3A_331 : vector<16xf32>
      %add3A_339 = arith.addf %add3A_319, %mul3A_338 : vector<16xf32>
      %mul3A_340 = arith.mulf %gather3A_330, %gather3A_330 : vector<16xf32>
      %add3A_341 = arith.addf %add3A_321, %mul3A_340 : vector<16xf32>
      %mul3A_342 = arith.mulf %gather3A_331, %gather3A_331 : vector<16xf32>
      %add3A_343 = arith.addf %add3A_323, %mul3A_342 : vector<16xf32>
      %broadcast_in_dim3A_344 = arith.constant 14 : i32
      %broadcast_in_dim3A_345 = vector.broadcast %broadcast_in_dim3A_344 : i32 to vector<16xi32>
      %broadcast_in_dim3A_346 = arith.constant 15 : i32
      %broadcast_in_dim3A_347 = vector.broadcast %broadcast_in_dim3A_346 : i32 to vector<16xi32>
      %gather3A_348 = tpu.vector_load_idx %arg11[%add3A_193, %broadcast_in_dim3A_345] : memref<512x32xf32, #tpu.memory_space<vmem>>[vector<16xi32>, vector<16xi32>], vector<16xf32>,
      %gather3A_349 = tpu.vector_load_idx %arg12[%add3A_193, %broadcast_in_dim3A_345] : memref<512x32xf32, #tpu.memory_space<vmem>>[vector<16xi32>, vector<16xi32>], vector<16xf32>,
      %gather3A_350 = tpu.vector_load_idx %arg11[%add3A_193, %broadcast_in_dim3A_347] : memref<512x32xf32, #tpu.memory_space<vmem>>[vector<16xi32>, vector<16xi32>], vector<16xf32>,
      %gather3A_351 = tpu.vector_load_idx %arg12[%add3A_193, %broadcast_in_dim3A_347] : memref<512x32xf32, #tpu.memory_space<vmem>>[vector<16xi32>, vector<16xi32>], vector<16xf32>,
      %mul3A_352 = arith.mulf %gather3A_348, %gather3A_349 : vector<16xf32>
      %add3A_353 = arith.addf %add3A_333, %mul3A_352 : vector<16xf32>
      %mul3A_354 = arith.mulf %gather3A_348, %gather3A_348 : vector<16xf32>
      %add3A_355 = arith.addf %add3A_335, %mul3A_354 : vector<16xf32>
      %mul3A_356 = arith.mulf %gather3A_349, %gather3A_349 : vector<16xf32>
      %add3A_357 = arith.addf %add3A_337, %mul3A_356 : vector<16xf32>
      %mul3A_358 = arith.mulf %gather3A_350, %gather3A_351 : vector<16xf32>
      %add3A_359 = arith.addf %add3A_339, %mul3A_358 : vector<16xf32>
      %mul3A_360 = arith.mulf %gather3A_350, %gather3A_350 : vector<16xf32>
      %add3A_361 = arith.addf %add3A_341, %mul3A_360 : vector<16xf32>
      %mul3A_362 = arith.mulf %gather3A_351, %gather3A_351 : vector<16xf32>
      %add3A_363 = arith.addf %add3A_343, %mul3A_362 : vector<16xf32>
      %broadcast_in_dim3A_364 = arith.constant 16 : i32
      %broadcast_in_dim3A_365 = vector.broadcast %broadcast_in_dim3A_364 : i32 to vector<16xi32>
      %broadcast_in_dim3A_366 = arith.constant 17 : i32
      %broadcast_in_dim3A_367 = vector.broadcast %broadcast_in_dim3A_366 : i32 to vector<16xi32>
      %gather3A_368 = tpu.vector_load_idx %arg11[%add3A_193, %broadcast_in_dim3A_365] : memref<512x32xf32, #tpu.memory_space<vmem>>[vector<16xi32>, vector<16xi32>], vector<16xf32>,
      %gather3A_369 = tpu.vector_load_idx %arg12[%add3A_193, %broadcast_in_dim3A_365] : memref<512x32xf32, #tpu.memory_space<vmem>>[vector<16xi32>, vector<16xi32>], vector<16xf32>,
      %gather3A_370 = tpu.vector_load_idx %arg11[%add3A_193, %broadcast_in_dim3A_367] : memref<512x32xf32, #tpu.memory_space<vmem>>[vector<16xi32>, vector<16xi32>], vector<16xf32>,
      %gather3A_371 = tpu.vector_load_idx %arg12[%add3A_193, %broadcast_in_dim3A_367] : memref<512x32xf32, #tpu.memory_space<vmem>>[vector<16xi32>, vector<16xi32>], vector<16xf32>,
      %mul3A_372 = arith.mulf %gather3A_368, %gather3A_369 : vector<16xf32>
      %add3A_373 = arith.addf %add3A_353, %mul3A_372 : vector<16xf32>
      %mul3A_374 = arith.mulf %gather3A_368, %gather3A_368 : vector<16xf32>
      %add3A_375 = arith.addf %add3A_355, %mul3A_374 : vector<16xf32>
      %mul3A_376 = arith.mulf %gather3A_369, %gather3A_369 : vector<16xf32>
      %add3A_377 = arith.addf %add3A_357, %mul3A_376 : vector<16xf32>
      %mul3A_378 = arith.mulf %gather3A_370, %gather3A_371 : vector<16xf32>
      %add3A_379 = arith.addf %add3A_359, %mul3A_378 : vector<16xf32>
      %mul3A_380 = arith.mulf %gather3A_370, %gather3A_370 : vector<16xf32>
      %add3A_381 = arith.addf %add3A_361, %mul3A_380 : vector<16xf32>
      %mul3A_382 = arith.mulf %gather3A_371, %gather3A_371 : vector<16xf32>
      %add3A_383 = arith.addf %add3A_363, %mul3A_382 : vector<16xf32>
      %broadcast_in_dim3A_384 = arith.constant 18 : i32
      %broadcast_in_dim3A_385 = vector.broadcast %broadcast_in_dim3A_384 : i32 to vector<16xi32>
      %broadcast_in_dim3A_386 = arith.constant 19 : i32
      %broadcast_in_dim3A_387 = vector.broadcast %broadcast_in_dim3A_386 : i32 to vector<16xi32>
      %gather3A_388 = tpu.vector_load_idx %arg11[%add3A_193, %broadcast_in_dim3A_385] : memref<512x32xf32, #tpu.memory_space<vmem>>[vector<16xi32>, vector<16xi32>], vector<16xf32>,
      %gather3A_389 = tpu.vector_load_idx %arg12[%add3A_193, %broadcast_in_dim3A_385] : memref<512x32xf32, #tpu.memory_space<vmem>>[vector<16xi32>, vector<16xi32>], vector<16xf32>,
      %gather3A_390 = tpu.vector_load_idx %arg11[%add3A_193, %broadcast_in_dim3A_387] : memref<512x32xf32, #tpu.memory_space<vmem>>[vector<16xi32>, vector<16xi32>], vector<16xf32>,
      %gather3A_391 = tpu.vector_load_idx %arg12[%add3A_193, %broadcast_in_dim3A_387] : memref<512x32xf32, #tpu.memory_space<vmem>>[vector<16xi32>, vector<16xi32>], vector<16xf32>,
      %mul3A_392 = arith.mulf %gather3A_388, %gather3A_389 : vector<16xf32>
      %add3A_393 = arith.addf %add3A_373, %mul3A_392 : vector<16xf32>
      %mul3A_394 = arith.mulf %gather3A_388, %gather3A_388 : vector<16xf32>
      %add3A_395 = arith.addf %add3A_375, %mul3A_394 : vector<16xf32>
      %mul3A_396 = arith.mulf %gather3A_389, %gather3A_389 : vector<16xf32>
      %add3A_397 = arith.addf %add3A_377, %mul3A_396 : vector<16xf32>
      %mul3A_398 = arith.mulf %gather3A_390, %gather3A_391 : vector<16xf32>
      %add3A_399 = arith.addf %add3A_379, %mul3A_398 : vector<16xf32>
      %mul3A_400 = arith.mulf %gather3A_390, %gather3A_390 : vector<16xf32>
      %add3A_401 = arith.addf %add3A_381, %mul3A_400 : vector<16xf32>
      %mul3A_402 = arith.mulf %gather3A_391, %gather3A_391 : vector<16xf32>
      %add3A_403 = arith.addf %add3A_383, %mul3A_402 : vector<16xf32>
      %broadcast_in_dim3A_404 = arith.constant 20 : i32
      %broadcast_in_dim3A_405 = vector.broadcast %broadcast_in_dim3A_404 : i32 to vector<16xi32>
      %broadcast_in_dim3A_406 = arith.constant 21 : i32
      %broadcast_in_dim3A_407 = vector.broadcast %broadcast_in_dim3A_406 : i32 to vector<16xi32>
      %gather3A_408 = tpu.vector_load_idx %arg11[%add3A_193, %broadcast_in_dim3A_405] : memref<512x32xf32, #tpu.memory_space<vmem>>[vector<16xi32>, vector<16xi32>], vector<16xf32>,
      %gather3A_409 = tpu.vector_load_idx %arg12[%add3A_193, %broadcast_in_dim3A_405] : memref<512x32xf32, #tpu.memory_space<vmem>>[vector<16xi32>, vector<16xi32>], vector<16xf32>,
      %gather3A_410 = tpu.vector_load_idx %arg11[%add3A_193, %broadcast_in_dim3A_407] : memref<512x32xf32, #tpu.memory_space<vmem>>[vector<16xi32>, vector<16xi32>], vector<16xf32>,
      %gather3A_411 = tpu.vector_load_idx %arg12[%add3A_193, %broadcast_in_dim3A_407] : memref<512x32xf32, #tpu.memory_space<vmem>>[vector<16xi32>, vector<16xi32>], vector<16xf32>,
      %mul3A_412 = arith.mulf %gather3A_408, %gather3A_409 : vector<16xf32>
      %add3A_413 = arith.addf %add3A_393, %mul3A_412 : vector<16xf32>
      %mul3A_414 = arith.mulf %gather3A_408, %gather3A_408 : vector<16xf32>
      %add3A_415 = arith.addf %add3A_395, %mul3A_414 : vector<16xf32>
      %mul3A_416 = arith.mulf %gather3A_409, %gather3A_409 : vector<16xf32>
      %add3A_417 = arith.addf %add3A_397, %mul3A_416 : vector<16xf32>
      %mul3A_418 = arith.mulf %gather3A_410, %gather3A_411 : vector<16xf32>
      %add3A_419 = arith.addf %add3A_399, %mul3A_418 : vector<16xf32>
      %mul3A_420 = arith.mulf %gather3A_410, %gather3A_410 : vector<16xf32>
      %add3A_421 = arith.addf %add3A_401, %mul3A_420 : vector<16xf32>
      %mul3A_422 = arith.mulf %gather3A_411, %gather3A_411 : vector<16xf32>
      %add3A_423 = arith.addf %add3A_403, %mul3A_422 : vector<16xf32>
      %broadcast_in_dim3A_424 = arith.constant 22 : i32
      %broadcast_in_dim3A_425 = vector.broadcast %broadcast_in_dim3A_424 : i32 to vector<16xi32>
      %broadcast_in_dim3A_426 = arith.constant 23 : i32
      %broadcast_in_dim3A_427 = vector.broadcast %broadcast_in_dim3A_426 : i32 to vector<16xi32>
      %gather3A_428 = tpu.vector_load_idx %arg11[%add3A_193, %broadcast_in_dim3A_425] : memref<512x32xf32, #tpu.memory_space<vmem>>[vector<16xi32>, vector<16xi32>], vector<16xf32>,
      %gather3A_429 = tpu.vector_load_idx %arg12[%add3A_193, %broadcast_in_dim3A_425] : memref<512x32xf32, #tpu.memory_space<vmem>>[vector<16xi32>, vector<16xi32>], vector<16xf32>,
      %gather3A_430 = tpu.vector_load_idx %arg11[%add3A_193, %broadcast_in_dim3A_427] : memref<512x32xf32, #tpu.memory_space<vmem>>[vector<16xi32>, vector<16xi32>], vector<16xf32>,
      %gather3A_431 = tpu.vector_load_idx %arg12[%add3A_193, %broadcast_in_dim3A_427] : memref<512x32xf32, #tpu.memory_space<vmem>>[vector<16xi32>, vector<16xi32>], vector<16xf32>,
      %mul3A_432 = arith.mulf %gather3A_428, %gather3A_429 : vector<16xf32>
      %add3A_433 = arith.addf %add3A_413, %mul3A_432 : vector<16xf32>
      %mul3A_434 = arith.mulf %gather3A_428, %gather3A_428 : vector<16xf32>
      %add3A_435 = arith.addf %add3A_415, %mul3A_434 : vector<16xf32>
      %mul3A_436 = arith.mulf %gather3A_429, %gather3A_429 : vector<16xf32>
      %add3A_437 = arith.addf %add3A_417, %mul3A_436 : vector<16xf32>
      %mul3A_438 = arith.mulf %gather3A_430, %gather3A_431 : vector<16xf32>
      %add3A_439 = arith.addf %add3A_419, %mul3A_438 : vector<16xf32>
      %mul3A_440 = arith.mulf %gather3A_430, %gather3A_430 : vector<16xf32>
      %add3A_441 = arith.addf %add3A_421, %mul3A_440 : vector<16xf32>
      %mul3A_442 = arith.mulf %gather3A_431, %gather3A_431 : vector<16xf32>
      %add3A_443 = arith.addf %add3A_423, %mul3A_442 : vector<16xf32>
      %broadcast_in_dim3A_444 = arith.constant 24 : i32
      %broadcast_in_dim3A_445 = vector.broadcast %broadcast_in_dim3A_444 : i32 to vector<16xi32>
      %broadcast_in_dim3A_446 = arith.constant 25 : i32
      %broadcast_in_dim3A_447 = vector.broadcast %broadcast_in_dim3A_446 : i32 to vector<16xi32>
      %gather3A_448 = tpu.vector_load_idx %arg11[%add3A_193, %broadcast_in_dim3A_445] : memref<512x32xf32, #tpu.memory_space<vmem>>[vector<16xi32>, vector<16xi32>], vector<16xf32>,
      %gather3A_449 = tpu.vector_load_idx %arg12[%add3A_193, %broadcast_in_dim3A_445] : memref<512x32xf32, #tpu.memory_space<vmem>>[vector<16xi32>, vector<16xi32>], vector<16xf32>,
      %gather3A_450 = tpu.vector_load_idx %arg11[%add3A_193, %broadcast_in_dim3A_447] : memref<512x32xf32, #tpu.memory_space<vmem>>[vector<16xi32>, vector<16xi32>], vector<16xf32>,
      %gather3A_451 = tpu.vector_load_idx %arg12[%add3A_193, %broadcast_in_dim3A_447] : memref<512x32xf32, #tpu.memory_space<vmem>>[vector<16xi32>, vector<16xi32>], vector<16xf32>,
      %mul3A_452 = arith.mulf %gather3A_448, %gather3A_449 : vector<16xf32>
      %add3A_453 = arith.addf %add3A_433, %mul3A_452 : vector<16xf32>
      %mul3A_454 = arith.mulf %gather3A_448, %gather3A_448 : vector<16xf32>
      %add3A_455 = arith.addf %add3A_435, %mul3A_454 : vector<16xf32>
      %mul3A_456 = arith.mulf %gather3A_449, %gather3A_449 : vector<16xf32>
      %add3A_457 = arith.addf %add3A_437, %mul3A_456 : vector<16xf32>
      %mul3A_458 = arith.mulf %gather3A_450, %gather3A_451 : vector<16xf32>
      %add3A_459 = arith.addf %add3A_439, %mul3A_458 : vector<16xf32>
      %mul3A_460 = arith.mulf %gather3A_450, %gather3A_450 : vector<16xf32>
      %add3A_461 = arith.addf %add3A_441, %mul3A_460 : vector<16xf32>
      %mul3A_462 = arith.mulf %gather3A_451, %gather3A_451 : vector<16xf32>
      %add3A_463 = arith.addf %add3A_443, %mul3A_462 : vector<16xf32>
      %broadcast_in_dim3A_464 = arith.constant 26 : i32
      %broadcast_in_dim3A_465 = vector.broadcast %broadcast_in_dim3A_464 : i32 to vector<16xi32>
      %broadcast_in_dim3A_466 = arith.constant 27 : i32
      %broadcast_in_dim3A_467 = vector.broadcast %broadcast_in_dim3A_466 : i32 to vector<16xi32>
      %gather3A_468 = tpu.vector_load_idx %arg11[%add3A_193, %broadcast_in_dim3A_465] : memref<512x32xf32, #tpu.memory_space<vmem>>[vector<16xi32>, vector<16xi32>], vector<16xf32>,
      %gather3A_469 = tpu.vector_load_idx %arg12[%add3A_193, %broadcast_in_dim3A_465] : memref<512x32xf32, #tpu.memory_space<vmem>>[vector<16xi32>, vector<16xi32>], vector<16xf32>,
      %gather3A_470 = tpu.vector_load_idx %arg11[%add3A_193, %broadcast_in_dim3A_467] : memref<512x32xf32, #tpu.memory_space<vmem>>[vector<16xi32>, vector<16xi32>], vector<16xf32>,
      %gather3A_471 = tpu.vector_load_idx %arg12[%add3A_193, %broadcast_in_dim3A_467] : memref<512x32xf32, #tpu.memory_space<vmem>>[vector<16xi32>, vector<16xi32>], vector<16xf32>,
      %mul3A_472 = arith.mulf %gather3A_468, %gather3A_469 : vector<16xf32>
      %add3A_473 = arith.addf %add3A_453, %mul3A_472 : vector<16xf32>
      %mul3A_474 = arith.mulf %gather3A_468, %gather3A_468 : vector<16xf32>
      %add3A_475 = arith.addf %add3A_455, %mul3A_474 : vector<16xf32>
      %mul3A_476 = arith.mulf %gather3A_469, %gather3A_469 : vector<16xf32>
      %add3A_477 = arith.addf %add3A_457, %mul3A_476 : vector<16xf32>
      %mul3A_478 = arith.mulf %gather3A_470, %gather3A_471 : vector<16xf32>
      %add3A_479 = arith.addf %add3A_459, %mul3A_478 : vector<16xf32>
      %mul3A_480 = arith.mulf %gather3A_470, %gather3A_470 : vector<16xf32>
      %add3A_481 = arith.addf %add3A_461, %mul3A_480 : vector<16xf32>
      %mul3A_482 = arith.mulf %gather3A_471, %gather3A_471 : vector<16xf32>
      %add3A_483 = arith.addf %add3A_463, %mul3A_482 : vector<16xf32>
      %broadcast_in_dim3A_484 = arith.constant 28 : i32
      %broadcast_in_dim3A_485 = vector.broadcast %broadcast_in_dim3A_484 : i32 to vector<16xi32>
      %broadcast_in_dim3A_486 = arith.constant 29 : i32
      %broadcast_in_dim3A_487 = vector.broadcast %broadcast_in_dim3A_486 : i32 to vector<16xi32>
      %gather3A_488 = tpu.vector_load_idx %arg11[%add3A_193, %broadcast_in_dim3A_485] : memref<512x32xf32, #tpu.memory_space<vmem>>[vector<16xi32>, vector<16xi32>], vector<16xf32>,
      %gather3A_489 = tpu.vector_load_idx %arg12[%add3A_193, %broadcast_in_dim3A_485] : memref<512x32xf32, #tpu.memory_space<vmem>>[vector<16xi32>, vector<16xi32>], vector<16xf32>,
      %gather3A_490 = tpu.vector_load_idx %arg11[%add3A_193, %broadcast_in_dim3A_487] : memref<512x32xf32, #tpu.memory_space<vmem>>[vector<16xi32>, vector<16xi32>], vector<16xf32>,
      %gather3A_491 = tpu.vector_load_idx %arg12[%add3A_193, %broadcast_in_dim3A_487] : memref<512x32xf32, #tpu.memory_space<vmem>>[vector<16xi32>, vector<16xi32>], vector<16xf32>,
      %mul3A_492 = arith.mulf %gather3A_488, %gather3A_489 : vector<16xf32>
      %add3A_493 = arith.addf %add3A_473, %mul3A_492 : vector<16xf32>
      %mul3A_494 = arith.mulf %gather3A_488, %gather3A_488 : vector<16xf32>
      %add3A_495 = arith.addf %add3A_475, %mul3A_494 : vector<16xf32>
      %mul3A_496 = arith.mulf %gather3A_489, %gather3A_489 : vector<16xf32>
      %add3A_497 = arith.addf %add3A_477, %mul3A_496 : vector<16xf32>
      %mul3A_498 = arith.mulf %gather3A_490, %gather3A_491 : vector<16xf32>
      %add3A_499 = arith.addf %add3A_479, %mul3A_498 : vector<16xf32>
      %mul3A_500 = arith.mulf %gather3A_490, %gather3A_490 : vector<16xf32>
      %add3A_501 = arith.addf %add3A_481, %mul3A_500 : vector<16xf32>
      %mul3A_502 = arith.mulf %gather3A_491, %gather3A_491 : vector<16xf32>
      %add3A_503 = arith.addf %add3A_483, %mul3A_502 : vector<16xf32>
      %broadcast_in_dim3A_504 = arith.constant 30 : i32
      %broadcast_in_dim3A_505 = vector.broadcast %broadcast_in_dim3A_504 : i32 to vector<16xi32>
      %broadcast_in_dim3A_506 = arith.constant 31 : i32
      %broadcast_in_dim3A_507 = vector.broadcast %broadcast_in_dim3A_506 : i32 to vector<16xi32>
      %gather3A_508 = tpu.vector_load_idx %arg11[%add3A_193, %broadcast_in_dim3A_505] : memref<512x32xf32, #tpu.memory_space<vmem>>[vector<16xi32>, vector<16xi32>], vector<16xf32>,
      %gather3A_509 = tpu.vector_load_idx %arg12[%add3A_193, %broadcast_in_dim3A_505] : memref<512x32xf32, #tpu.memory_space<vmem>>[vector<16xi32>, vector<16xi32>], vector<16xf32>,
      %gather3A_510 = tpu.vector_load_idx %arg11[%add3A_193, %broadcast_in_dim3A_507] : memref<512x32xf32, #tpu.memory_space<vmem>>[vector<16xi32>, vector<16xi32>], vector<16xf32>,
      %gather3A_511 = tpu.vector_load_idx %arg12[%add3A_193, %broadcast_in_dim3A_507] : memref<512x32xf32, #tpu.memory_space<vmem>>[vector<16xi32>, vector<16xi32>], vector<16xf32>,
      %mul3A_512 = arith.mulf %gather3A_508, %gather3A_509 : vector<16xf32>
      %add3A_513 = arith.addf %add3A_493, %mul3A_512 : vector<16xf32>
      %mul3A_514 = arith.mulf %gather3A_508, %gather3A_508 : vector<16xf32>
      %add3A_515 = arith.addf %add3A_495, %mul3A_514 : vector<16xf32>
      %mul3A_516 = arith.mulf %gather3A_509, %gather3A_509 : vector<16xf32>
      %add3A_517 = arith.addf %add3A_497, %mul3A_516 : vector<16xf32>
      %mul3A_518 = arith.mulf %gather3A_510, %gather3A_511 : vector<16xf32>
      %add3A_519 = arith.addf %add3A_499, %mul3A_518 : vector<16xf32>
      %mul3A_520 = arith.mulf %gather3A_510, %gather3A_510 : vector<16xf32>
      %add3A_521 = arith.addf %add3A_501, %mul3A_520 : vector<16xf32>
      %mul3A_522 = arith.mulf %gather3A_511, %gather3A_511 : vector<16xf32>
      %add3A_523 = arith.addf %add3A_503, %mul3A_522 : vector<16xf32>
      %add3A_524 = arith.addf %add3A_513, %add3A_519 : vector<16xf32>
      %add3A_525 = arith.addf %add3A_515, %add3A_521 : vector<16xf32>
      %add3A_526 = arith.addf %add3A_517, %add3A_523 : vector<16xf32>
      %max3A = arith.constant 9.99999996E-13 : f32
      %max3A_527 = vector.broadcast %max3A : f32 to vector<16xf32>
      %max3A_528 = arith.maximumf %add3A_525, %max3A_527 : vector<16xf32>
      %bitcast3A = vector.bitcast %max3A_528 : vector<16xf32> to vector<16xi32>
      %shift_right_arithmetic3A = arith.constant 1 : i32
      %shift_right_arithmetic3A_529 = vector.broadcast %shift_right_arithmetic3A : i32 to vector<16xi32>
      %shift_right_arithmetic3A_530 = arith.shrsi %bitcast3A, %shift_right_arithmetic3A_529 : vector<16xi32>
      %sub3A = arith.constant 1597463007 : i32
      %sub3A_531 = vector.broadcast %sub3A : i32 to vector<16xi32>
      %sub3A_532 = arith.subi %sub3A_531, %shift_right_arithmetic3A_530 : vector<16xi32>
      %bitcast3A_533 = vector.bitcast %sub3A_532 : vector<16xi32> to vector<16xf32>
      %mul3A_534 = arith.constant 5.000000e-01 : f32
      %mul3A_535 = vector.broadcast %mul3A_534 : f32 to vector<16xf32>
      %mul3A_536 = arith.mulf %mul3A_535, %max3A_528 : vector<16xf32>
      %mul3A_537 = arith.mulf %mul3A_536, %bitcast3A_533 : vector<16xf32>
      %mul3A_538 = arith.mulf %mul3A_537, %bitcast3A_533 : vector<16xf32>
      %sub3A_539 = arith.constant 1.500000e+00 : f32
      %sub3A_540 = vector.broadcast %sub3A_539 : f32 to vector<16xf32>
      %sub3A_541 = arith.subf %sub3A_540, %mul3A_538 : vector<16xf32>
      %mul3A_542 = arith.mulf %bitcast3A_533, %sub3A_541 : vector<16xf32>
      %mul3A_543 = arith.constant 5.000000e-01 : f32
      %mul3A_544 = vector.broadcast %mul3A_543 : f32 to vector<16xf32>
      %mul3A_545 = arith.mulf %mul3A_544, %max3A_528 : vector<16xf32>
      %mul3A_546 = arith.mulf %mul3A_545, %mul3A_542 : vector<16xf32>
      %mul3A_547 = arith.mulf %mul3A_546, %mul3A_542 : vector<16xf32>
      %sub3A_548 = arith.constant 1.500000e+00 : f32
      %sub3A_549 = vector.broadcast %sub3A_548 : f32 to vector<16xf32>
      %sub3A_550 = arith.subf %sub3A_549, %mul3A_547 : vector<16xf32>
      %mul3A_551 = arith.mulf %mul3A_542, %sub3A_550 : vector<16xf32>
      %mul3A_552 = arith.constant 5.000000e-01 : f32
      %mul3A_553 = vector.broadcast %mul3A_552 : f32 to vector<16xf32>
      %mul3A_554 = arith.mulf %mul3A_553, %max3A_528 : vector<16xf32>
      %mul3A_555 = arith.mulf %mul3A_554, %mul3A_551 : vector<16xf32>
      %mul3A_556 = arith.mulf %mul3A_555, %mul3A_551 : vector<16xf32>
      %sub3A_557 = arith.constant 1.500000e+00 : f32
      %sub3A_558 = vector.broadcast %sub3A_557 : f32 to vector<16xf32>
      %sub3A_559 = arith.subf %sub3A_558, %mul3A_556 : vector<16xf32>
      %mul3A_560 = arith.mulf %mul3A_551, %sub3A_559 : vector<16xf32>
      %mul3A_561 = arith.mulf %add3A_524, %mul3A_560 : vector<16xf32>
      %max3A_562 = arith.constant 9.99999996E-13 : f32
      %max3A_563 = vector.broadcast %max3A_562 : f32 to vector<16xf32>
      %max3A_564 = arith.maximumf %add3A_526, %max3A_563 : vector<16xf32>
      %bitcast3A_565 = vector.bitcast %max3A_564 : vector<16xf32> to vector<16xi32>
      %shift_right_arithmetic3A_566 = arith.constant 1 : i32
      %shift_right_arithmetic3A_567 = vector.broadcast %shift_right_arithmetic3A_566 : i32 to vector<16xi32>
      %shift_right_arithmetic3A_568 = arith.shrsi %bitcast3A_565, %shift_right_arithmetic3A_567 : vector<16xi32>
      %sub3A_569 = arith.constant 1597463007 : i32
      %sub3A_570 = vector.broadcast %sub3A_569 : i32 to vector<16xi32>
      %sub3A_571 = arith.subi %sub3A_570, %shift_right_arithmetic3A_568 : vector<16xi32>
      %bitcast3A_572 = vector.bitcast %sub3A_571 : vector<16xi32> to vector<16xf32>
      %mul3A_573 = arith.constant 5.000000e-01 : f32
      %mul3A_574 = vector.broadcast %mul3A_573 : f32 to vector<16xf32>
      %mul3A_575 = arith.mulf %mul3A_574, %max3A_564 : vector<16xf32>
      %mul3A_576 = arith.mulf %mul3A_575, %bitcast3A_572 : vector<16xf32>
      %mul3A_577 = arith.mulf %mul3A_576, %bitcast3A_572 : vector<16xf32>
      %sub3A_578 = arith.constant 1.500000e+00 : f32
      %sub3A_579 = vector.broadcast %sub3A_578 : f32 to vector<16xf32>
      %sub3A_580 = arith.subf %sub3A_579, %mul3A_577 : vector<16xf32>
      %mul3A_581 = arith.mulf %bitcast3A_572, %sub3A_580 : vector<16xf32>
      %mul3A_582 = arith.constant 5.000000e-01 : f32
      %mul3A_583 = vector.broadcast %mul3A_582 : f32 to vector<16xf32>
      %mul3A_584 = arith.mulf %mul3A_583, %max3A_564 : vector<16xf32>
      %mul3A_585 = arith.mulf %mul3A_584, %mul3A_581 : vector<16xf32>
      %mul3A_586 = arith.mulf %mul3A_585, %mul3A_581 : vector<16xf32>
      %sub3A_587 = arith.constant 1.500000e+00 : f32
      %sub3A_588 = vector.broadcast %sub3A_587 : f32 to vector<16xf32>
      %sub3A_589 = arith.subf %sub3A_588, %mul3A_586 : vector<16xf32>
      %mul3A_590 = arith.mulf %mul3A_581, %sub3A_589 : vector<16xf32>
      %mul3A_591 = arith.constant 5.000000e-01 : f32
      %mul3A_592 = vector.broadcast %mul3A_591 : f32 to vector<16xf32>
      %mul3A_593 = arith.mulf %mul3A_592, %max3A_564 : vector<16xf32>
      %mul3A_594 = arith.mulf %mul3A_593, %mul3A_590 : vector<16xf32>
      %mul3A_595 = arith.mulf %mul3A_594, %mul3A_590 : vector<16xf32>
      %sub3A_596 = arith.constant 1.500000e+00 : f32
      %sub3A_597 = vector.broadcast %sub3A_596 : f32 to vector<16xf32>
      %sub3A_598 = arith.subf %sub3A_597, %mul3A_595 : vector<16xf32>
      %mul3A_599 = arith.mulf %mul3A_590, %sub3A_598 : vector<16xf32>
      %mul3A_600 = arith.mulf %mul3A_561, %mul3A_599 : vector<16xf32>
      %mul3A_601 = arith.mulf %mul3A_600, %get3A_80 : vector<16xf32>
      %add3A_602 = arith.addf %mul3A_601, %get3A_82 : vector<16xf32>
      %neg3A = arith.constant 0.000000e+00 : f32
      %neg3A_603 = vector.broadcast %neg3A : f32 to vector<16xf32>
      %neg3A_604 = arith.subf %neg3A_603, %add3A_602 : vector<16xf32>
      %exp3A = math.exp %neg3A_604 : vector<16xf32>
      %add3A_605 = arith.constant 1.000000e+00 : f32
      %add3A_606 = vector.broadcast %add3A_605 : f32 to vector<16xf32>
      %add3A_607 = arith.addf %add3A_606, %exp3A : vector<16xf32>
      %div3A = arith.constant 1.000000e+00 : f32
      %div3A_608 = vector.broadcast %div3A : f32 to vector<16xf32>
      %div3A_609 = arith.divf %div3A_608, %add3A_607 : vector<16xf32>
      %swap3A = arith.index_cast %add3A_191 : i32 to index
      %swap3A_610 = tpu.vector_load %arg13[%swap3A] {strides = array<i32>} : memref<512xf32, #tpu.memory_space<vmem>>, vector<16xf32>,
      tpu.vector_store %arg13[%swap3A], %div3A_609 {strides = array<i32>} : memref<512xf32, #tpu.memory_space<vmem>>, vector<16xf32>,
    }
    %scan3A_158 = arith.constant 8 : i32
    %dma_wait3A_159 = arith.constant 3 : i32
    %dma_wait3A_160 = arith.constant 384 : i32
    %dma_wait3A_161 = arith.constant 0 : i32
    %dma_wait3A_162 = tpu.memref_slice %arg11[%dma_wait3A_160, %dma_wait3A_161] : memref<512x32xf32, #tpu.memory_space<vmem>> -> memref<128x32xf32, #tpu.memory_space<vmem>>
    %dma_wait3A_163 = arith.constant 0 : i32
    %dma_wait3A_164 = tpu.memref_slice %arg9[%dma_wait3A_159, %dma_wait3A_163] : memref<4x128xi32, #tpu.memory_space<vmem>> -> memref<1x128xi32, #tpu.memory_space<vmem>>
    %dma_wait3A_165 = tpu.memref_squeeze %dma_wait3A_164 : memref<1x128xi32, #tpu.memory_space<vmem>> -> memref<128xi32, #tpu.memory_space<vmem>>
    %dma_wait3A_166 = arith.constant 0 : i32
    %dma_wait3A_167 = arith.constant 0 : i32
    %dma_wait3A_168 = tpu.memref_slice %arg4[%dma_wait3A_166, %dma_wait3A_167] : memref<100000x32xf32, #tpu.memory_space<hbm>> -> memref<100000x32xf32, #tpu.memory_space<hbm>>
    tpu.wait_indirect_dma semaphore(%arg19 : memref<!tpu.dma_semaphore, #tpu.memory_space<semaphore_mem>>) src(%dma_wait3A_168 : memref<100000x32xf32, #tpu.memory_space<hbm>>) dst(%dma_wait3A_162 : memref<128x32xf32, #tpu.memory_space<vmem>>)
    %dma_wait3A_169 = arith.constant 3 : i32
    %dma_wait3A_170 = arith.constant 384 : i32
    %dma_wait3A_171 = arith.constant 0 : i32
    %dma_wait3A_172 = tpu.memref_slice %arg12[%dma_wait3A_170, %dma_wait3A_171] : memref<512x32xf32, #tpu.memory_space<vmem>> -> memref<128x32xf32, #tpu.memory_space<vmem>>
    %dma_wait3A_173 = arith.constant 0 : i32
    %dma_wait3A_174 = tpu.memref_slice %arg10[%dma_wait3A_169, %dma_wait3A_173] : memref<4x128xi32, #tpu.memory_space<vmem>> -> memref<1x128xi32, #tpu.memory_space<vmem>>
    %dma_wait3A_175 = tpu.memref_squeeze %dma_wait3A_174 : memref<1x128xi32, #tpu.memory_space<vmem>> -> memref<128xi32, #tpu.memory_space<vmem>>
    %dma_wait3A_176 = arith.constant 0 : i32
    %dma_wait3A_177 = arith.constant 0 : i32
    %dma_wait3A_178 = tpu.memref_slice %arg5[%dma_wait3A_176, %dma_wait3A_177] : memref<100000x32xf32, #tpu.memory_space<hbm>> -> memref<100000x32xf32, #tpu.memory_space<hbm>>
    tpu.wait_indirect_dma semaphore(%arg23 : memref<!tpu.dma_semaphore, #tpu.memory_space<semaphore_mem>>) src(%dma_wait3A_178 : memref<100000x32xf32, #tpu.memory_space<hbm>>) dst(%dma_wait3A_172 : memref<128x32xf32, #tpu.memory_space<vmem>>)
    %scan3A_179 = arith.constant 0 : i32
    %scan3A_180 = arith.constant 0 : i32
    %scan3A_181 = arith.constant 8 : i32
    %scan3A_182 = arith.addi %scan3A_180, %scan3A_181 : i32
    %scan3A_183 = arith.constant 1 : i32
    scf.for %scan3A_187 = %scan3A_180 to %scan3A_182 step %scan3A_183  : i32 {
      %mul3A_188 = arith.constant 16 : i32
      %mul3A_189 = arith.muli %scan3A_187, %mul3A_188 : i32
      %add3A_190 = arith.constant 384 : i32
      %add3A_191 = arith.addi %add3A_190, %mul3A_189 : i32
      %add3A_192 = vector.broadcast %add3A_191 : i32 to vector<16xi32>
      %add3A_193 = arith.addi %add3A_192, %iota3A : vector<16xi32>
      %broadcast_in_dim3A = arith.constant 0.000000e+00 : f32
      %broadcast_in_dim3A_194 = vector.broadcast %broadcast_in_dim3A : f32 to vector<16xf32>
      %broadcast_in_dim3A_195 = arith.constant 0.000000e+00 : f32
      %broadcast_in_dim3A_196 = vector.broadcast %broadcast_in_dim3A_195 : f32 to vector<16xf32>
      %broadcast_in_dim3A_197 = arith.constant 0.000000e+00 : f32
      %broadcast_in_dim3A_198 = vector.broadcast %broadcast_in_dim3A_197 : f32 to vector<16xf32>
      %broadcast_in_dim3A_199 = arith.constant 0.000000e+00 : f32
      %broadcast_in_dim3A_200 = vector.broadcast %broadcast_in_dim3A_199 : f32 to vector<16xf32>
      %broadcast_in_dim3A_201 = arith.constant 0.000000e+00 : f32
      %broadcast_in_dim3A_202 = vector.broadcast %broadcast_in_dim3A_201 : f32 to vector<16xf32>
      %broadcast_in_dim3A_203 = arith.constant 0.000000e+00 : f32
      %broadcast_in_dim3A_204 = vector.broadcast %broadcast_in_dim3A_203 : f32 to vector<16xf32>
      %broadcast_in_dim3A_205 = arith.constant 0 : i32
      %broadcast_in_dim3A_206 = vector.broadcast %broadcast_in_dim3A_205 : i32 to vector<16xi32>
      %broadcast_in_dim3A_207 = arith.constant 1 : i32
      %broadcast_in_dim3A_208 = vector.broadcast %broadcast_in_dim3A_207 : i32 to vector<16xi32>
      %gather3A = tpu.vector_load_idx %arg11[%add3A_193, %broadcast_in_dim3A_206] : memref<512x32xf32, #tpu.memory_space<vmem>>[vector<16xi32>, vector<16xi32>], vector<16xf32>,
      %gather3A_209 = tpu.vector_load_idx %arg12[%add3A_193, %broadcast_in_dim3A_206] : memref<512x32xf32, #tpu.memory_space<vmem>>[vector<16xi32>, vector<16xi32>], vector<16xf32>,
      %gather3A_210 = tpu.vector_load_idx %arg11[%add3A_193, %broadcast_in_dim3A_208] : memref<512x32xf32, #tpu.memory_space<vmem>>[vector<16xi32>, vector<16xi32>], vector<16xf32>,
      %gather3A_211 = tpu.vector_load_idx %arg12[%add3A_193, %broadcast_in_dim3A_208] : memref<512x32xf32, #tpu.memory_space<vmem>>[vector<16xi32>, vector<16xi32>], vector<16xf32>,
      %mul3A_212 = arith.mulf %gather3A, %gather3A_209 : vector<16xf32>
      %add3A_213 = arith.addf %broadcast_in_dim3A_194, %mul3A_212 : vector<16xf32>
      %mul3A_214 = arith.mulf %gather3A, %gather3A : vector<16xf32>
      %add3A_215 = arith.addf %broadcast_in_dim3A_196, %mul3A_214 : vector<16xf32>
      %mul3A_216 = arith.mulf %gather3A_209, %gather3A_209 : vector<16xf32>
      %add3A_217 = arith.addf %broadcast_in_dim3A_198, %mul3A_216 : vector<16xf32>
      %mul3A_218 = arith.mulf %gather3A_210, %gather3A_211 : vector<16xf32>
      %add3A_219 = arith.addf %broadcast_in_dim3A_200, %mul3A_218 : vector<16xf32>
      %mul3A_220 = arith.mulf %gather3A_210, %gather3A_210 : vector<16xf32>
      %add3A_221 = arith.addf %broadcast_in_dim3A_202, %mul3A_220 : vector<16xf32>
      %mul3A_222 = arith.mulf %gather3A_211, %gather3A_211 : vector<16xf32>
      %add3A_223 = arith.addf %broadcast_in_dim3A_204, %mul3A_222 : vector<16xf32>
      %broadcast_in_dim3A_224 = arith.constant 2 : i32
      %broadcast_in_dim3A_225 = vector.broadcast %broadcast_in_dim3A_224 : i32 to vector<16xi32>
      %broadcast_in_dim3A_226 = arith.constant 3 : i32
      %broadcast_in_dim3A_227 = vector.broadcast %broadcast_in_dim3A_226 : i32 to vector<16xi32>
      %gather3A_228 = tpu.vector_load_idx %arg11[%add3A_193, %broadcast_in_dim3A_225] : memref<512x32xf32, #tpu.memory_space<vmem>>[vector<16xi32>, vector<16xi32>], vector<16xf32>,
      %gather3A_229 = tpu.vector_load_idx %arg12[%add3A_193, %broadcast_in_dim3A_225] : memref<512x32xf32, #tpu.memory_space<vmem>>[vector<16xi32>, vector<16xi32>], vector<16xf32>,
      %gather3A_230 = tpu.vector_load_idx %arg11[%add3A_193, %broadcast_in_dim3A_227] : memref<512x32xf32, #tpu.memory_space<vmem>>[vector<16xi32>, vector<16xi32>], vector<16xf32>,
      %gather3A_231 = tpu.vector_load_idx %arg12[%add3A_193, %broadcast_in_dim3A_227] : memref<512x32xf32, #tpu.memory_space<vmem>>[vector<16xi32>, vector<16xi32>], vector<16xf32>,
      %mul3A_232 = arith.mulf %gather3A_228, %gather3A_229 : vector<16xf32>
      %add3A_233 = arith.addf %add3A_213, %mul3A_232 : vector<16xf32>
      %mul3A_234 = arith.mulf %gather3A_228, %gather3A_228 : vector<16xf32>
      %add3A_235 = arith.addf %add3A_215, %mul3A_234 : vector<16xf32>
      %mul3A_236 = arith.mulf %gather3A_229, %gather3A_229 : vector<16xf32>
      %add3A_237 = arith.addf %add3A_217, %mul3A_236 : vector<16xf32>
      %mul3A_238 = arith.mulf %gather3A_230, %gather3A_231 : vector<16xf32>
      %add3A_239 = arith.addf %add3A_219, %mul3A_238 : vector<16xf32>
      %mul3A_240 = arith.mulf %gather3A_230, %gather3A_230 : vector<16xf32>
      %add3A_241 = arith.addf %add3A_221, %mul3A_240 : vector<16xf32>
      %mul3A_242 = arith.mulf %gather3A_231, %gather3A_231 : vector<16xf32>
      %add3A_243 = arith.addf %add3A_223, %mul3A_242 : vector<16xf32>
      %broadcast_in_dim3A_244 = arith.constant 4 : i32
      %broadcast_in_dim3A_245 = vector.broadcast %broadcast_in_dim3A_244 : i32 to vector<16xi32>
      %broadcast_in_dim3A_246 = arith.constant 5 : i32
      %broadcast_in_dim3A_247 = vector.broadcast %broadcast_in_dim3A_246 : i32 to vector<16xi32>
      %gather3A_248 = tpu.vector_load_idx %arg11[%add3A_193, %broadcast_in_dim3A_245] : memref<512x32xf32, #tpu.memory_space<vmem>>[vector<16xi32>, vector<16xi32>], vector<16xf32>,
      %gather3A_249 = tpu.vector_load_idx %arg12[%add3A_193, %broadcast_in_dim3A_245] : memref<512x32xf32, #tpu.memory_space<vmem>>[vector<16xi32>, vector<16xi32>], vector<16xf32>,
      %gather3A_250 = tpu.vector_load_idx %arg11[%add3A_193, %broadcast_in_dim3A_247] : memref<512x32xf32, #tpu.memory_space<vmem>>[vector<16xi32>, vector<16xi32>], vector<16xf32>,
      %gather3A_251 = tpu.vector_load_idx %arg12[%add3A_193, %broadcast_in_dim3A_247] : memref<512x32xf32, #tpu.memory_space<vmem>>[vector<16xi32>, vector<16xi32>], vector<16xf32>,
      %mul3A_252 = arith.mulf %gather3A_248, %gather3A_249 : vector<16xf32>
      %add3A_253 = arith.addf %add3A_233, %mul3A_252 : vector<16xf32>
      %mul3A_254 = arith.mulf %gather3A_248, %gather3A_248 : vector<16xf32>
      %add3A_255 = arith.addf %add3A_235, %mul3A_254 : vector<16xf32>
      %mul3A_256 = arith.mulf %gather3A_249, %gather3A_249 : vector<16xf32>
      %add3A_257 = arith.addf %add3A_237, %mul3A_256 : vector<16xf32>
      %mul3A_258 = arith.mulf %gather3A_250, %gather3A_251 : vector<16xf32>
      %add3A_259 = arith.addf %add3A_239, %mul3A_258 : vector<16xf32>
      %mul3A_260 = arith.mulf %gather3A_250, %gather3A_250 : vector<16xf32>
      %add3A_261 = arith.addf %add3A_241, %mul3A_260 : vector<16xf32>
      %mul3A_262 = arith.mulf %gather3A_251, %gather3A_251 : vector<16xf32>
      %add3A_263 = arith.addf %add3A_243, %mul3A_262 : vector<16xf32>
      %broadcast_in_dim3A_264 = arith.constant 6 : i32
      %broadcast_in_dim3A_265 = vector.broadcast %broadcast_in_dim3A_264 : i32 to vector<16xi32>
      %broadcast_in_dim3A_266 = arith.constant 7 : i32
      %broadcast_in_dim3A_267 = vector.broadcast %broadcast_in_dim3A_266 : i32 to vector<16xi32>
      %gather3A_268 = tpu.vector_load_idx %arg11[%add3A_193, %broadcast_in_dim3A_265] : memref<512x32xf32, #tpu.memory_space<vmem>>[vector<16xi32>, vector<16xi32>], vector<16xf32>,
      %gather3A_269 = tpu.vector_load_idx %arg12[%add3A_193, %broadcast_in_dim3A_265] : memref<512x32xf32, #tpu.memory_space<vmem>>[vector<16xi32>, vector<16xi32>], vector<16xf32>,
      %gather3A_270 = tpu.vector_load_idx %arg11[%add3A_193, %broadcast_in_dim3A_267] : memref<512x32xf32, #tpu.memory_space<vmem>>[vector<16xi32>, vector<16xi32>], vector<16xf32>,
      %gather3A_271 = tpu.vector_load_idx %arg12[%add3A_193, %broadcast_in_dim3A_267] : memref<512x32xf32, #tpu.memory_space<vmem>>[vector<16xi32>, vector<16xi32>], vector<16xf32>,
      %mul3A_272 = arith.mulf %gather3A_268, %gather3A_269 : vector<16xf32>
      %add3A_273 = arith.addf %add3A_253, %mul3A_272 : vector<16xf32>
      %mul3A_274 = arith.mulf %gather3A_268, %gather3A_268 : vector<16xf32>
      %add3A_275 = arith.addf %add3A_255, %mul3A_274 : vector<16xf32>
      %mul3A_276 = arith.mulf %gather3A_269, %gather3A_269 : vector<16xf32>
      %add3A_277 = arith.addf %add3A_257, %mul3A_276 : vector<16xf32>
      %mul3A_278 = arith.mulf %gather3A_270, %gather3A_271 : vector<16xf32>
      %add3A_279 = arith.addf %add3A_259, %mul3A_278 : vector<16xf32>
      %mul3A_280 = arith.mulf %gather3A_270, %gather3A_270 : vector<16xf32>
      %add3A_281 = arith.addf %add3A_261, %mul3A_280 : vector<16xf32>
      %mul3A_282 = arith.mulf %gather3A_271, %gather3A_271 : vector<16xf32>
      %add3A_283 = arith.addf %add3A_263, %mul3A_282 : vector<16xf32>
      %broadcast_in_dim3A_284 = arith.constant 8 : i32
      %broadcast_in_dim3A_285 = vector.broadcast %broadcast_in_dim3A_284 : i32 to vector<16xi32>
      %broadcast_in_dim3A_286 = arith.constant 9 : i32
      %broadcast_in_dim3A_287 = vector.broadcast %broadcast_in_dim3A_286 : i32 to vector<16xi32>
      %gather3A_288 = tpu.vector_load_idx %arg11[%add3A_193, %broadcast_in_dim3A_285] : memref<512x32xf32, #tpu.memory_space<vmem>>[vector<16xi32>, vector<16xi32>], vector<16xf32>,
      %gather3A_289 = tpu.vector_load_idx %arg12[%add3A_193, %broadcast_in_dim3A_285] : memref<512x32xf32, #tpu.memory_space<vmem>>[vector<16xi32>, vector<16xi32>], vector<16xf32>,
      %gather3A_290 = tpu.vector_load_idx %arg11[%add3A_193, %broadcast_in_dim3A_287] : memref<512x32xf32, #tpu.memory_space<vmem>>[vector<16xi32>, vector<16xi32>], vector<16xf32>,
      %gather3A_291 = tpu.vector_load_idx %arg12[%add3A_193, %broadcast_in_dim3A_287] : memref<512x32xf32, #tpu.memory_space<vmem>>[vector<16xi32>, vector<16xi32>], vector<16xf32>,
      %mul3A_292 = arith.mulf %gather3A_288, %gather3A_289 : vector<16xf32>
      %add3A_293 = arith.addf %add3A_273, %mul3A_292 : vector<16xf32>
      %mul3A_294 = arith.mulf %gather3A_288, %gather3A_288 : vector<16xf32>
      %add3A_295 = arith.addf %add3A_275, %mul3A_294 : vector<16xf32>
      %mul3A_296 = arith.mulf %gather3A_289, %gather3A_289 : vector<16xf32>
      %add3A_297 = arith.addf %add3A_277, %mul3A_296 : vector<16xf32>
      %mul3A_298 = arith.mulf %gather3A_290, %gather3A_291 : vector<16xf32>
      %add3A_299 = arith.addf %add3A_279, %mul3A_298 : vector<16xf32>
      %mul3A_300 = arith.mulf %gather3A_290, %gather3A_290 : vector<16xf32>
      %add3A_301 = arith.addf %add3A_281, %mul3A_300 : vector<16xf32>
      %mul3A_302 = arith.mulf %gather3A_291, %gather3A_291 : vector<16xf32>
      %add3A_303 = arith.addf %add3A_283, %mul3A_302 : vector<16xf32>
      %broadcast_in_dim3A_304 = arith.constant 10 : i32
      %broadcast_in_dim3A_305 = vector.broadcast %broadcast_in_dim3A_304 : i32 to vector<16xi32>
      %broadcast_in_dim3A_306 = arith.constant 11 : i32
      %broadcast_in_dim3A_307 = vector.broadcast %broadcast_in_dim3A_306 : i32 to vector<16xi32>
      %gather3A_308 = tpu.vector_load_idx %arg11[%add3A_193, %broadcast_in_dim3A_305] : memref<512x32xf32, #tpu.memory_space<vmem>>[vector<16xi32>, vector<16xi32>], vector<16xf32>,
      %gather3A_309 = tpu.vector_load_idx %arg12[%add3A_193, %broadcast_in_dim3A_305] : memref<512x32xf32, #tpu.memory_space<vmem>>[vector<16xi32>, vector<16xi32>], vector<16xf32>,
      %gather3A_310 = tpu.vector_load_idx %arg11[%add3A_193, %broadcast_in_dim3A_307] : memref<512x32xf32, #tpu.memory_space<vmem>>[vector<16xi32>, vector<16xi32>], vector<16xf32>,
      %gather3A_311 = tpu.vector_load_idx %arg12[%add3A_193, %broadcast_in_dim3A_307] : memref<512x32xf32, #tpu.memory_space<vmem>>[vector<16xi32>, vector<16xi32>], vector<16xf32>,
      %mul3A_312 = arith.mulf %gather3A_308, %gather3A_309 : vector<16xf32>
      %add3A_313 = arith.addf %add3A_293, %mul3A_312 : vector<16xf32>
      %mul3A_314 = arith.mulf %gather3A_308, %gather3A_308 : vector<16xf32>
      %add3A_315 = arith.addf %add3A_295, %mul3A_314 : vector<16xf32>
      %mul3A_316 = arith.mulf %gather3A_309, %gather3A_309 : vector<16xf32>
      %add3A_317 = arith.addf %add3A_297, %mul3A_316 : vector<16xf32>
      %mul3A_318 = arith.mulf %gather3A_310, %gather3A_311 : vector<16xf32>
      %add3A_319 = arith.addf %add3A_299, %mul3A_318 : vector<16xf32>
      %mul3A_320 = arith.mulf %gather3A_310, %gather3A_310 : vector<16xf32>
      %add3A_321 = arith.addf %add3A_301, %mul3A_320 : vector<16xf32>
      %mul3A_322 = arith.mulf %gather3A_311, %gather3A_311 : vector<16xf32>
      %add3A_323 = arith.addf %add3A_303, %mul3A_322 : vector<16xf32>
      %broadcast_in_dim3A_324 = arith.constant 12 : i32
      %broadcast_in_dim3A_325 = vector.broadcast %broadcast_in_dim3A_324 : i32 to vector<16xi32>
      %broadcast_in_dim3A_326 = arith.constant 13 : i32
      %broadcast_in_dim3A_327 = vector.broadcast %broadcast_in_dim3A_326 : i32 to vector<16xi32>
      %gather3A_328 = tpu.vector_load_idx %arg11[%add3A_193, %broadcast_in_dim3A_325] : memref<512x32xf32, #tpu.memory_space<vmem>>[vector<16xi32>, vector<16xi32>], vector<16xf32>,
      %gather3A_329 = tpu.vector_load_idx %arg12[%add3A_193, %broadcast_in_dim3A_325] : memref<512x32xf32, #tpu.memory_space<vmem>>[vector<16xi32>, vector<16xi32>], vector<16xf32>,
      %gather3A_330 = tpu.vector_load_idx %arg11[%add3A_193, %broadcast_in_dim3A_327] : memref<512x32xf32, #tpu.memory_space<vmem>>[vector<16xi32>, vector<16xi32>], vector<16xf32>,
      %gather3A_331 = tpu.vector_load_idx %arg12[%add3A_193, %broadcast_in_dim3A_327] : memref<512x32xf32, #tpu.memory_space<vmem>>[vector<16xi32>, vector<16xi32>], vector<16xf32>,
      %mul3A_332 = arith.mulf %gather3A_328, %gather3A_329 : vector<16xf32>
      %add3A_333 = arith.addf %add3A_313, %mul3A_332 : vector<16xf32>
      %mul3A_334 = arith.mulf %gather3A_328, %gather3A_328 : vector<16xf32>
      %add3A_335 = arith.addf %add3A_315, %mul3A_334 : vector<16xf32>
      %mul3A_336 = arith.mulf %gather3A_329, %gather3A_329 : vector<16xf32>
      %add3A_337 = arith.addf %add3A_317, %mul3A_336 : vector<16xf32>
      %mul3A_338 = arith.mulf %gather3A_330, %gather3A_331 : vector<16xf32>
      %add3A_339 = arith.addf %add3A_319, %mul3A_338 : vector<16xf32>
      %mul3A_340 = arith.mulf %gather3A_330, %gather3A_330 : vector<16xf32>
      %add3A_341 = arith.addf %add3A_321, %mul3A_340 : vector<16xf32>
      %mul3A_342 = arith.mulf %gather3A_331, %gather3A_331 : vector<16xf32>
      %add3A_343 = arith.addf %add3A_323, %mul3A_342 : vector<16xf32>
      %broadcast_in_dim3A_344 = arith.constant 14 : i32
      %broadcast_in_dim3A_345 = vector.broadcast %broadcast_in_dim3A_344 : i32 to vector<16xi32>
      %broadcast_in_dim3A_346 = arith.constant 15 : i32
      %broadcast_in_dim3A_347 = vector.broadcast %broadcast_in_dim3A_346 : i32 to vector<16xi32>
      %gather3A_348 = tpu.vector_load_idx %arg11[%add3A_193, %broadcast_in_dim3A_345] : memref<512x32xf32, #tpu.memory_space<vmem>>[vector<16xi32>, vector<16xi32>], vector<16xf32>,
      %gather3A_349 = tpu.vector_load_idx %arg12[%add3A_193, %broadcast_in_dim3A_345] : memref<512x32xf32, #tpu.memory_space<vmem>>[vector<16xi32>, vector<16xi32>], vector<16xf32>,
      %gather3A_350 = tpu.vector_load_idx %arg11[%add3A_193, %broadcast_in_dim3A_347] : memref<512x32xf32, #tpu.memory_space<vmem>>[vector<16xi32>, vector<16xi32>], vector<16xf32>,
      %gather3A_351 = tpu.vector_load_idx %arg12[%add3A_193, %broadcast_in_dim3A_347] : memref<512x32xf32, #tpu.memory_space<vmem>>[vector<16xi32>, vector<16xi32>], vector<16xf32>,
      %mul3A_352 = arith.mulf %gather3A_348, %gather3A_349 : vector<16xf32>
      %add3A_353 = arith.addf %add3A_333, %mul3A_352 : vector<16xf32>
      %mul3A_354 = arith.mulf %gather3A_348, %gather3A_348 : vector<16xf32>
      %add3A_355 = arith.addf %add3A_335, %mul3A_354 : vector<16xf32>
      %mul3A_356 = arith.mulf %gather3A_349, %gather3A_349 : vector<16xf32>
      %add3A_357 = arith.addf %add3A_337, %mul3A_356 : vector<16xf32>
      %mul3A_358 = arith.mulf %gather3A_350, %gather3A_351 : vector<16xf32>
      %add3A_359 = arith.addf %add3A_339, %mul3A_358 : vector<16xf32>
      %mul3A_360 = arith.mulf %gather3A_350, %gather3A_350 : vector<16xf32>
      %add3A_361 = arith.addf %add3A_341, %mul3A_360 : vector<16xf32>
      %mul3A_362 = arith.mulf %gather3A_351, %gather3A_351 : vector<16xf32>
      %add3A_363 = arith.addf %add3A_343, %mul3A_362 : vector<16xf32>
      %broadcast_in_dim3A_364 = arith.constant 16 : i32
      %broadcast_in_dim3A_365 = vector.broadcast %broadcast_in_dim3A_364 : i32 to vector<16xi32>
      %broadcast_in_dim3A_366 = arith.constant 17 : i32
      %broadcast_in_dim3A_367 = vector.broadcast %broadcast_in_dim3A_366 : i32 to vector<16xi32>
      %gather3A_368 = tpu.vector_load_idx %arg11[%add3A_193, %broadcast_in_dim3A_365] : memref<512x32xf32, #tpu.memory_space<vmem>>[vector<16xi32>, vector<16xi32>], vector<16xf32>,
      %gather3A_369 = tpu.vector_load_idx %arg12[%add3A_193, %broadcast_in_dim3A_365] : memref<512x32xf32, #tpu.memory_space<vmem>>[vector<16xi32>, vector<16xi32>], vector<16xf32>,
      %gather3A_370 = tpu.vector_load_idx %arg11[%add3A_193, %broadcast_in_dim3A_367] : memref<512x32xf32, #tpu.memory_space<vmem>>[vector<16xi32>, vector<16xi32>], vector<16xf32>,
      %gather3A_371 = tpu.vector_load_idx %arg12[%add3A_193, %broadcast_in_dim3A_367] : memref<512x32xf32, #tpu.memory_space<vmem>>[vector<16xi32>, vector<16xi32>], vector<16xf32>,
      %mul3A_372 = arith.mulf %gather3A_368, %gather3A_369 : vector<16xf32>
      %add3A_373 = arith.addf %add3A_353, %mul3A_372 : vector<16xf32>
      %mul3A_374 = arith.mulf %gather3A_368, %gather3A_368 : vector<16xf32>
      %add3A_375 = arith.addf %add3A_355, %mul3A_374 : vector<16xf32>
      %mul3A_376 = arith.mulf %gather3A_369, %gather3A_369 : vector<16xf32>
      %add3A_377 = arith.addf %add3A_357, %mul3A_376 : vector<16xf32>
      %mul3A_378 = arith.mulf %gather3A_370, %gather3A_371 : vector<16xf32>
      %add3A_379 = arith.addf %add3A_359, %mul3A_378 : vector<16xf32>
      %mul3A_380 = arith.mulf %gather3A_370, %gather3A_370 : vector<16xf32>
      %add3A_381 = arith.addf %add3A_361, %mul3A_380 : vector<16xf32>
      %mul3A_382 = arith.mulf %gather3A_371, %gather3A_371 : vector<16xf32>
      %add3A_383 = arith.addf %add3A_363, %mul3A_382 : vector<16xf32>
      %broadcast_in_dim3A_384 = arith.constant 18 : i32
      %broadcast_in_dim3A_385 = vector.broadcast %broadcast_in_dim3A_384 : i32 to vector<16xi32>
      %broadcast_in_dim3A_386 = arith.constant 19 : i32
      %broadcast_in_dim3A_387 = vector.broadcast %broadcast_in_dim3A_386 : i32 to vector<16xi32>
      %gather3A_388 = tpu.vector_load_idx %arg11[%add3A_193, %broadcast_in_dim3A_385] : memref<512x32xf32, #tpu.memory_space<vmem>>[vector<16xi32>, vector<16xi32>], vector<16xf32>,
      %gather3A_389 = tpu.vector_load_idx %arg12[%add3A_193, %broadcast_in_dim3A_385] : memref<512x32xf32, #tpu.memory_space<vmem>>[vector<16xi32>, vector<16xi32>], vector<16xf32>,
      %gather3A_390 = tpu.vector_load_idx %arg11[%add3A_193, %broadcast_in_dim3A_387] : memref<512x32xf32, #tpu.memory_space<vmem>>[vector<16xi32>, vector<16xi32>], vector<16xf32>,
      %gather3A_391 = tpu.vector_load_idx %arg12[%add3A_193, %broadcast_in_dim3A_387] : memref<512x32xf32, #tpu.memory_space<vmem>>[vector<16xi32>, vector<16xi32>], vector<16xf32>,
      %mul3A_392 = arith.mulf %gather3A_388, %gather3A_389 : vector<16xf32>
      %add3A_393 = arith.addf %add3A_373, %mul3A_392 : vector<16xf32>
      %mul3A_394 = arith.mulf %gather3A_388, %gather3A_388 : vector<16xf32>
      %add3A_395 = arith.addf %add3A_375, %mul3A_394 : vector<16xf32>
      %mul3A_396 = arith.mulf %gather3A_389, %gather3A_389 : vector<16xf32>
      %add3A_397 = arith.addf %add3A_377, %mul3A_396 : vector<16xf32>
      %mul3A_398 = arith.mulf %gather3A_390, %gather3A_391 : vector<16xf32>
      %add3A_399 = arith.addf %add3A_379, %mul3A_398 : vector<16xf32>
      %mul3A_400 = arith.mulf %gather3A_390, %gather3A_390 : vector<16xf32>
      %add3A_401 = arith.addf %add3A_381, %mul3A_400 : vector<16xf32>
      %mul3A_402 = arith.mulf %gather3A_391, %gather3A_391 : vector<16xf32>
      %add3A_403 = arith.addf %add3A_383, %mul3A_402 : vector<16xf32>
      %broadcast_in_dim3A_404 = arith.constant 20 : i32
      %broadcast_in_dim3A_405 = vector.broadcast %broadcast_in_dim3A_404 : i32 to vector<16xi32>
      %broadcast_in_dim3A_406 = arith.constant 21 : i32
      %broadcast_in_dim3A_407 = vector.broadcast %broadcast_in_dim3A_406 : i32 to vector<16xi32>
      %gather3A_408 = tpu.vector_load_idx %arg11[%add3A_193, %broadcast_in_dim3A_405] : memref<512x32xf32, #tpu.memory_space<vmem>>[vector<16xi32>, vector<16xi32>], vector<16xf32>,
      %gather3A_409 = tpu.vector_load_idx %arg12[%add3A_193, %broadcast_in_dim3A_405] : memref<512x32xf32, #tpu.memory_space<vmem>>[vector<16xi32>, vector<16xi32>], vector<16xf32>,
      %gather3A_410 = tpu.vector_load_idx %arg11[%add3A_193, %broadcast_in_dim3A_407] : memref<512x32xf32, #tpu.memory_space<vmem>>[vector<16xi32>, vector<16xi32>], vector<16xf32>,
      %gather3A_411 = tpu.vector_load_idx %arg12[%add3A_193, %broadcast_in_dim3A_407] : memref<512x32xf32, #tpu.memory_space<vmem>>[vector<16xi32>, vector<16xi32>], vector<16xf32>,
      %mul3A_412 = arith.mulf %gather3A_408, %gather3A_409 : vector<16xf32>
      %add3A_413 = arith.addf %add3A_393, %mul3A_412 : vector<16xf32>
      %mul3A_414 = arith.mulf %gather3A_408, %gather3A_408 : vector<16xf32>
      %add3A_415 = arith.addf %add3A_395, %mul3A_414 : vector<16xf32>
      %mul3A_416 = arith.mulf %gather3A_409, %gather3A_409 : vector<16xf32>
      %add3A_417 = arith.addf %add3A_397, %mul3A_416 : vector<16xf32>
      %mul3A_418 = arith.mulf %gather3A_410, %gather3A_411 : vector<16xf32>
      %add3A_419 = arith.addf %add3A_399, %mul3A_418 : vector<16xf32>
      %mul3A_420 = arith.mulf %gather3A_410, %gather3A_410 : vector<16xf32>
      %add3A_421 = arith.addf %add3A_401, %mul3A_420 : vector<16xf32>
      %mul3A_422 = arith.mulf %gather3A_411, %gather3A_411 : vector<16xf32>
      %add3A_423 = arith.addf %add3A_403, %mul3A_422 : vector<16xf32>
      %broadcast_in_dim3A_424 = arith.constant 22 : i32
      %broadcast_in_dim3A_425 = vector.broadcast %broadcast_in_dim3A_424 : i32 to vector<16xi32>
      %broadcast_in_dim3A_426 = arith.constant 23 : i32
      %broadcast_in_dim3A_427 = vector.broadcast %broadcast_in_dim3A_426 : i32 to vector<16xi32>
      %gather3A_428 = tpu.vector_load_idx %arg11[%add3A_193, %broadcast_in_dim3A_425] : memref<512x32xf32, #tpu.memory_space<vmem>>[vector<16xi32>, vector<16xi32>], vector<16xf32>,
      %gather3A_429 = tpu.vector_load_idx %arg12[%add3A_193, %broadcast_in_dim3A_425] : memref<512x32xf32, #tpu.memory_space<vmem>>[vector<16xi32>, vector<16xi32>], vector<16xf32>,
      %gather3A_430 = tpu.vector_load_idx %arg11[%add3A_193, %broadcast_in_dim3A_427] : memref<512x32xf32, #tpu.memory_space<vmem>>[vector<16xi32>, vector<16xi32>], vector<16xf32>,
      %gather3A_431 = tpu.vector_load_idx %arg12[%add3A_193, %broadcast_in_dim3A_427] : memref<512x32xf32, #tpu.memory_space<vmem>>[vector<16xi32>, vector<16xi32>], vector<16xf32>,
      %mul3A_432 = arith.mulf %gather3A_428, %gather3A_429 : vector<16xf32>
      %add3A_433 = arith.addf %add3A_413, %mul3A_432 : vector<16xf32>
      %mul3A_434 = arith.mulf %gather3A_428, %gather3A_428 : vector<16xf32>
      %add3A_435 = arith.addf %add3A_415, %mul3A_434 : vector<16xf32>
      %mul3A_436 = arith.mulf %gather3A_429, %gather3A_429 : vector<16xf32>
      %add3A_437 = arith.addf %add3A_417, %mul3A_436 : vector<16xf32>
      %mul3A_438 = arith.mulf %gather3A_430, %gather3A_431 : vector<16xf32>
      %add3A_439 = arith.addf %add3A_419, %mul3A_438 : vector<16xf32>
      %mul3A_440 = arith.mulf %gather3A_430, %gather3A_430 : vector<16xf32>
      %add3A_441 = arith.addf %add3A_421, %mul3A_440 : vector<16xf32>
      %mul3A_442 = arith.mulf %gather3A_431, %gather3A_431 : vector<16xf32>
      %add3A_443 = arith.addf %add3A_423, %mul3A_442 : vector<16xf32>
      %broadcast_in_dim3A_444 = arith.constant 24 : i32
      %broadcast_in_dim3A_445 = vector.broadcast %broadcast_in_dim3A_444 : i32 to vector<16xi32>
      %broadcast_in_dim3A_446 = arith.constant 25 : i32
      %broadcast_in_dim3A_447 = vector.broadcast %broadcast_in_dim3A_446 : i32 to vector<16xi32>
      %gather3A_448 = tpu.vector_load_idx %arg11[%add3A_193, %broadcast_in_dim3A_445] : memref<512x32xf32, #tpu.memory_space<vmem>>[vector<16xi32>, vector<16xi32>], vector<16xf32>,
      %gather3A_449 = tpu.vector_load_idx %arg12[%add3A_193, %broadcast_in_dim3A_445] : memref<512x32xf32, #tpu.memory_space<vmem>>[vector<16xi32>, vector<16xi32>], vector<16xf32>,
      %gather3A_450 = tpu.vector_load_idx %arg11[%add3A_193, %broadcast_in_dim3A_447] : memref<512x32xf32, #tpu.memory_space<vmem>>[vector<16xi32>, vector<16xi32>], vector<16xf32>,
      %gather3A_451 = tpu.vector_load_idx %arg12[%add3A_193, %broadcast_in_dim3A_447] : memref<512x32xf32, #tpu.memory_space<vmem>>[vector<16xi32>, vector<16xi32>], vector<16xf32>,
      %mul3A_452 = arith.mulf %gather3A_448, %gather3A_449 : vector<16xf32>
      %add3A_453 = arith.addf %add3A_433, %mul3A_452 : vector<16xf32>
      %mul3A_454 = arith.mulf %gather3A_448, %gather3A_448 : vector<16xf32>
      %add3A_455 = arith.addf %add3A_435, %mul3A_454 : vector<16xf32>
      %mul3A_456 = arith.mulf %gather3A_449, %gather3A_449 : vector<16xf32>
      %add3A_457 = arith.addf %add3A_437, %mul3A_456 : vector<16xf32>
      %mul3A_458 = arith.mulf %gather3A_450, %gather3A_451 : vector<16xf32>
      %add3A_459 = arith.addf %add3A_439, %mul3A_458 : vector<16xf32>
      %mul3A_460 = arith.mulf %gather3A_450, %gather3A_450 : vector<16xf32>
      %add3A_461 = arith.addf %add3A_441, %mul3A_460 : vector<16xf32>
      %mul3A_462 = arith.mulf %gather3A_451, %gather3A_451 : vector<16xf32>
      %add3A_463 = arith.addf %add3A_443, %mul3A_462 : vector<16xf32>
      %broadcast_in_dim3A_464 = arith.constant 26 : i32
      %broadcast_in_dim3A_465 = vector.broadcast %broadcast_in_dim3A_464 : i32 to vector<16xi32>
      %broadcast_in_dim3A_466 = arith.constant 27 : i32
      %broadcast_in_dim3A_467 = vector.broadcast %broadcast_in_dim3A_466 : i32 to vector<16xi32>
      %gather3A_468 = tpu.vector_load_idx %arg11[%add3A_193, %broadcast_in_dim3A_465] : memref<512x32xf32, #tpu.memory_space<vmem>>[vector<16xi32>, vector<16xi32>], vector<16xf32>,
      %gather3A_469 = tpu.vector_load_idx %arg12[%add3A_193, %broadcast_in_dim3A_465] : memref<512x32xf32, #tpu.memory_space<vmem>>[vector<16xi32>, vector<16xi32>], vector<16xf32>,
      %gather3A_470 = tpu.vector_load_idx %arg11[%add3A_193, %broadcast_in_dim3A_467] : memref<512x32xf32, #tpu.memory_space<vmem>>[vector<16xi32>, vector<16xi32>], vector<16xf32>,
      %gather3A_471 = tpu.vector_load_idx %arg12[%add3A_193, %broadcast_in_dim3A_467] : memref<512x32xf32, #tpu.memory_space<vmem>>[vector<16xi32>, vector<16xi32>], vector<16xf32>,
      %mul3A_472 = arith.mulf %gather3A_468, %gather3A_469 : vector<16xf32>
      %add3A_473 = arith.addf %add3A_453, %mul3A_472 : vector<16xf32>
      %mul3A_474 = arith.mulf %gather3A_468, %gather3A_468 : vector<16xf32>
      %add3A_475 = arith.addf %add3A_455, %mul3A_474 : vector<16xf32>
      %mul3A_476 = arith.mulf %gather3A_469, %gather3A_469 : vector<16xf32>
      %add3A_477 = arith.addf %add3A_457, %mul3A_476 : vector<16xf32>
      %mul3A_478 = arith.mulf %gather3A_470, %gather3A_471 : vector<16xf32>
      %add3A_479 = arith.addf %add3A_459, %mul3A_478 : vector<16xf32>
      %mul3A_480 = arith.mulf %gather3A_470, %gather3A_470 : vector<16xf32>
      %add3A_481 = arith.addf %add3A_461, %mul3A_480 : vector<16xf32>
      %mul3A_482 = arith.mulf %gather3A_471, %gather3A_471 : vector<16xf32>
      %add3A_483 = arith.addf %add3A_463, %mul3A_482 : vector<16xf32>
      %broadcast_in_dim3A_484 = arith.constant 28 : i32
      %broadcast_in_dim3A_485 = vector.broadcast %broadcast_in_dim3A_484 : i32 to vector<16xi32>
      %broadcast_in_dim3A_486 = arith.constant 29 : i32
      %broadcast_in_dim3A_487 = vector.broadcast %broadcast_in_dim3A_486 : i32 to vector<16xi32>
      %gather3A_488 = tpu.vector_load_idx %arg11[%add3A_193, %broadcast_in_dim3A_485] : memref<512x32xf32, #tpu.memory_space<vmem>>[vector<16xi32>, vector<16xi32>], vector<16xf32>,
      %gather3A_489 = tpu.vector_load_idx %arg12[%add3A_193, %broadcast_in_dim3A_485] : memref<512x32xf32, #tpu.memory_space<vmem>>[vector<16xi32>, vector<16xi32>], vector<16xf32>,
      %gather3A_490 = tpu.vector_load_idx %arg11[%add3A_193, %broadcast_in_dim3A_487] : memref<512x32xf32, #tpu.memory_space<vmem>>[vector<16xi32>, vector<16xi32>], vector<16xf32>,
      %gather3A_491 = tpu.vector_load_idx %arg12[%add3A_193, %broadcast_in_dim3A_487] : memref<512x32xf32, #tpu.memory_space<vmem>>[vector<16xi32>, vector<16xi32>], vector<16xf32>,
      %mul3A_492 = arith.mulf %gather3A_488, %gather3A_489 : vector<16xf32>
      %add3A_493 = arith.addf %add3A_473, %mul3A_492 : vector<16xf32>
      %mul3A_494 = arith.mulf %gather3A_488, %gather3A_488 : vector<16xf32>
      %add3A_495 = arith.addf %add3A_475, %mul3A_494 : vector<16xf32>
      %mul3A_496 = arith.mulf %gather3A_489, %gather3A_489 : vector<16xf32>
      %add3A_497 = arith.addf %add3A_477, %mul3A_496 : vector<16xf32>
      %mul3A_498 = arith.mulf %gather3A_490, %gather3A_491 : vector<16xf32>
      %add3A_499 = arith.addf %add3A_479, %mul3A_498 : vector<16xf32>
      %mul3A_500 = arith.mulf %gather3A_490, %gather3A_490 : vector<16xf32>
      %add3A_501 = arith.addf %add3A_481, %mul3A_500 : vector<16xf32>
      %mul3A_502 = arith.mulf %gather3A_491, %gather3A_491 : vector<16xf32>
      %add3A_503 = arith.addf %add3A_483, %mul3A_502 : vector<16xf32>
      %broadcast_in_dim3A_504 = arith.constant 30 : i32
      %broadcast_in_dim3A_505 = vector.broadcast %broadcast_in_dim3A_504 : i32 to vector<16xi32>
      %broadcast_in_dim3A_506 = arith.constant 31 : i32
      %broadcast_in_dim3A_507 = vector.broadcast %broadcast_in_dim3A_506 : i32 to vector<16xi32>
      %gather3A_508 = tpu.vector_load_idx %arg11[%add3A_193, %broadcast_in_dim3A_505] : memref<512x32xf32, #tpu.memory_space<vmem>>[vector<16xi32>, vector<16xi32>], vector<16xf32>,
      %gather3A_509 = tpu.vector_load_idx %arg12[%add3A_193, %broadcast_in_dim3A_505] : memref<512x32xf32, #tpu.memory_space<vmem>>[vector<16xi32>, vector<16xi32>], vector<16xf32>,
      %gather3A_510 = tpu.vector_load_idx %arg11[%add3A_193, %broadcast_in_dim3A_507] : memref<512x32xf32, #tpu.memory_space<vmem>>[vector<16xi32>, vector<16xi32>], vector<16xf32>,
      %gather3A_511 = tpu.vector_load_idx %arg12[%add3A_193, %broadcast_in_dim3A_507] : memref<512x32xf32, #tpu.memory_space<vmem>>[vector<16xi32>, vector<16xi32>], vector<16xf32>,
      %mul3A_512 = arith.mulf %gather3A_508, %gather3A_509 : vector<16xf32>
      %add3A_513 = arith.addf %add3A_493, %mul3A_512 : vector<16xf32>
      %mul3A_514 = arith.mulf %gather3A_508, %gather3A_508 : vector<16xf32>
      %add3A_515 = arith.addf %add3A_495, %mul3A_514 : vector<16xf32>
      %mul3A_516 = arith.mulf %gather3A_509, %gather3A_509 : vector<16xf32>
      %add3A_517 = arith.addf %add3A_497, %mul3A_516 : vector<16xf32>
      %mul3A_518 = arith.mulf %gather3A_510, %gather3A_511 : vector<16xf32>
      %add3A_519 = arith.addf %add3A_499, %mul3A_518 : vector<16xf32>
      %mul3A_520 = arith.mulf %gather3A_510, %gather3A_510 : vector<16xf32>
      %add3A_521 = arith.addf %add3A_501, %mul3A_520 : vector<16xf32>
      %mul3A_522 = arith.mulf %gather3A_511, %gather3A_511 : vector<16xf32>
      %add3A_523 = arith.addf %add3A_503, %mul3A_522 : vector<16xf32>
      %add3A_524 = arith.addf %add3A_513, %add3A_519 : vector<16xf32>
      %add3A_525 = arith.addf %add3A_515, %add3A_521 : vector<16xf32>
      %add3A_526 = arith.addf %add3A_517, %add3A_523 : vector<16xf32>
      %max3A = arith.constant 9.99999996E-13 : f32
      %max3A_527 = vector.broadcast %max3A : f32 to vector<16xf32>
      %max3A_528 = arith.maximumf %add3A_525, %max3A_527 : vector<16xf32>
      %bitcast3A = vector.bitcast %max3A_528 : vector<16xf32> to vector<16xi32>
      %shift_right_arithmetic3A = arith.constant 1 : i32
      %shift_right_arithmetic3A_529 = vector.broadcast %shift_right_arithmetic3A : i32 to vector<16xi32>
      %shift_right_arithmetic3A_530 = arith.shrsi %bitcast3A, %shift_right_arithmetic3A_529 : vector<16xi32>
      %sub3A = arith.constant 1597463007 : i32
      %sub3A_531 = vector.broadcast %sub3A : i32 to vector<16xi32>
      %sub3A_532 = arith.subi %sub3A_531, %shift_right_arithmetic3A_530 : vector<16xi32>
      %bitcast3A_533 = vector.bitcast %sub3A_532 : vector<16xi32> to vector<16xf32>
      %mul3A_534 = arith.constant 5.000000e-01 : f32
      %mul3A_535 = vector.broadcast %mul3A_534 : f32 to vector<16xf32>
      %mul3A_536 = arith.mulf %mul3A_535, %max3A_528 : vector<16xf32>
      %mul3A_537 = arith.mulf %mul3A_536, %bitcast3A_533 : vector<16xf32>
      %mul3A_538 = arith.mulf %mul3A_537, %bitcast3A_533 : vector<16xf32>
      %sub3A_539 = arith.constant 1.500000e+00 : f32
      %sub3A_540 = vector.broadcast %sub3A_539 : f32 to vector<16xf32>
      %sub3A_541 = arith.subf %sub3A_540, %mul3A_538 : vector<16xf32>
      %mul3A_542 = arith.mulf %bitcast3A_533, %sub3A_541 : vector<16xf32>
      %mul3A_543 = arith.constant 5.000000e-01 : f32
      %mul3A_544 = vector.broadcast %mul3A_543 : f32 to vector<16xf32>
      %mul3A_545 = arith.mulf %mul3A_544, %max3A_528 : vector<16xf32>
      %mul3A_546 = arith.mulf %mul3A_545, %mul3A_542 : vector<16xf32>
      %mul3A_547 = arith.mulf %mul3A_546, %mul3A_542 : vector<16xf32>
      %sub3A_548 = arith.constant 1.500000e+00 : f32
      %sub3A_549 = vector.broadcast %sub3A_548 : f32 to vector<16xf32>
      %sub3A_550 = arith.subf %sub3A_549, %mul3A_547 : vector<16xf32>
      %mul3A_551 = arith.mulf %mul3A_542, %sub3A_550 : vector<16xf32>
      %mul3A_552 = arith.constant 5.000000e-01 : f32
      %mul3A_553 = vector.broadcast %mul3A_552 : f32 to vector<16xf32>
      %mul3A_554 = arith.mulf %mul3A_553, %max3A_528 : vector<16xf32>
      %mul3A_555 = arith.mulf %mul3A_554, %mul3A_551 : vector<16xf32>
      %mul3A_556 = arith.mulf %mul3A_555, %mul3A_551 : vector<16xf32>
      %sub3A_557 = arith.constant 1.500000e+00 : f32
      %sub3A_558 = vector.broadcast %sub3A_557 : f32 to vector<16xf32>
      %sub3A_559 = arith.subf %sub3A_558, %mul3A_556 : vector<16xf32>
      %mul3A_560 = arith.mulf %mul3A_551, %sub3A_559 : vector<16xf32>
      %mul3A_561 = arith.mulf %add3A_524, %mul3A_560 : vector<16xf32>
      %max3A_562 = arith.constant 9.99999996E-13 : f32
      %max3A_563 = vector.broadcast %max3A_562 : f32 to vector<16xf32>
      %max3A_564 = arith.maximumf %add3A_526, %max3A_563 : vector<16xf32>
      %bitcast3A_565 = vector.bitcast %max3A_564 : vector<16xf32> to vector<16xi32>
      %shift_right_arithmetic3A_566 = arith.constant 1 : i32
      %shift_right_arithmetic3A_567 = vector.broadcast %shift_right_arithmetic3A_566 : i32 to vector<16xi32>
      %shift_right_arithmetic3A_568 = arith.shrsi %bitcast3A_565, %shift_right_arithmetic3A_567 : vector<16xi32>
      %sub3A_569 = arith.constant 1597463007 : i32
      %sub3A_570 = vector.broadcast %sub3A_569 : i32 to vector<16xi32>
      %sub3A_571 = arith.subi %sub3A_570, %shift_right_arithmetic3A_568 : vector<16xi32>
      %bitcast3A_572 = vector.bitcast %sub3A_571 : vector<16xi32> to vector<16xf32>
      %mul3A_573 = arith.constant 5.000000e-01 : f32
      %mul3A_574 = vector.broadcast %mul3A_573 : f32 to vector<16xf32>
      %mul3A_575 = arith.mulf %mul3A_574, %max3A_564 : vector<16xf32>
      %mul3A_576 = arith.mulf %mul3A_575, %bitcast3A_572 : vector<16xf32>
      %mul3A_577 = arith.mulf %mul3A_576, %bitcast3A_572 : vector<16xf32>
      %sub3A_578 = arith.constant 1.500000e+00 : f32
      %sub3A_579 = vector.broadcast %sub3A_578 : f32 to vector<16xf32>
      %sub3A_580 = arith.subf %sub3A_579, %mul3A_577 : vector<16xf32>
      %mul3A_581 = arith.mulf %bitcast3A_572, %sub3A_580 : vector<16xf32>
      %mul3A_582 = arith.constant 5.000000e-01 : f32
      %mul3A_583 = vector.broadcast %mul3A_582 : f32 to vector<16xf32>
      %mul3A_584 = arith.mulf %mul3A_583, %max3A_564 : vector<16xf32>
      %mul3A_585 = arith.mulf %mul3A_584, %mul3A_581 : vector<16xf32>
      %mul3A_586 = arith.mulf %mul3A_585, %mul3A_581 : vector<16xf32>
      %sub3A_587 = arith.constant 1.500000e+00 : f32
      %sub3A_588 = vector.broadcast %sub3A_587 : f32 to vector<16xf32>
      %sub3A_589 = arith.subf %sub3A_588, %mul3A_586 : vector<16xf32>
      %mul3A_590 = arith.mulf %mul3A_581, %sub3A_589 : vector<16xf32>
      %mul3A_591 = arith.constant 5.000000e-01 : f32
      %mul3A_592 = vector.broadcast %mul3A_591 : f32 to vector<16xf32>
      %mul3A_593 = arith.mulf %mul3A_592, %max3A_564 : vector<16xf32>
      %mul3A_594 = arith.mulf %mul3A_593, %mul3A_590 : vector<16xf32>
      %mul3A_595 = arith.mulf %mul3A_594, %mul3A_590 : vector<16xf32>
      %sub3A_596 = arith.constant 1.500000e+00 : f32
      %sub3A_597 = vector.broadcast %sub3A_596 : f32 to vector<16xf32>
      %sub3A_598 = arith.subf %sub3A_597, %mul3A_595 : vector<16xf32>
      %mul3A_599 = arith.mulf %mul3A_590, %sub3A_598 : vector<16xf32>
      %mul3A_600 = arith.mulf %mul3A_561, %mul3A_599 : vector<16xf32>
      %mul3A_601 = arith.mulf %mul3A_600, %get3A_80 : vector<16xf32>
      %add3A_602 = arith.addf %mul3A_601, %get3A_82 : vector<16xf32>
      %neg3A = arith.constant 0.000000e+00 : f32
      %neg3A_603 = vector.broadcast %neg3A : f32 to vector<16xf32>
      %neg3A_604 = arith.subf %neg3A_603, %add3A_602 : vector<16xf32>
      %exp3A = math.exp %neg3A_604 : vector<16xf32>
      %add3A_605 = arith.constant 1.000000e+00 : f32
      %add3A_606 = vector.broadcast %add3A_605 : f32 to vector<16xf32>
      %add3A_607 = arith.addf %add3A_606, %exp3A : vector<16xf32>
      %div3A = arith.constant 1.000000e+00 : f32
      %div3A_608 = vector.broadcast %div3A : f32 to vector<16xf32>
      %div3A_609 = arith.divf %div3A_608, %add3A_607 : vector<16xf32>
      %swap3A = arith.index_cast %add3A_191 : i32 to index
      %swap3A_610 = tpu.vector_load %arg13[%swap3A] {strides = array<i32>} : memref<512xf32, #tpu.memory_space<vmem>>, vector<16xf32>,
      tpu.vector_store %arg13[%swap3A], %div3A_609 {strides = array<i32>} : memref<512xf32, #tpu.memory_space<vmem>>, vector<16xf32>,
    }
    %scan3A_184 = arith.constant 8 : i32
    %mul3A_185 = arith.constant 512 : i32
    %mul3A_186 = arith.muli %add3A, %mul3A_185 : i32
    %multiple_of3A = tpu.assume_multiple %mul3A_186, 8 : i32
    "tpu.region"() ({
      %run_scoped3A = tpu.sem_alloc : memref<!tpu.dma_semaphore, #tpu.memory_space<semaphore_mem>>
      %dma_start3A_187 = tpu.memref_slice %arg8[%multiple_of3A] : memref<16384xf32, #tpu.memory_space<hbm>> -> memref<512xf32, #tpu.memory_space<hbm>>
      %dma_start3A_188 = tpu.memref_slice %arg8[%multiple_of3A] : memref<16384xf32, #tpu.memory_space<hbm>> -> memref<512xf32, #tpu.memory_space<hbm>>
      tpu.enqueue_dma source(%arg13 : memref<512xf32, #tpu.memory_space<vmem>>) target(%dma_start3A_188 : memref<512xf32, #tpu.memory_space<hbm>>) target_semaphore(%run_scoped3A : memref<!tpu.dma_semaphore, #tpu.memory_space<semaphore_mem>>)
      %dma_wait3A_189 = tpu.memref_slice %arg8[%multiple_of3A] : memref<16384xf32, #tpu.memory_space<hbm>> -> memref<512xf32, #tpu.memory_space<hbm>>
      %dma_wait3A_190 = tpu.memref_slice %arg8[%multiple_of3A] : memref<16384xf32, #tpu.memory_space<hbm>> -> memref<512xf32, #tpu.memory_space<hbm>>
      tpu.wait_dma2 semaphore(%run_scoped3A : memref<!tpu.dma_semaphore, #tpu.memory_space<semaphore_mem>>) src(%arg13 : memref<512xf32, #tpu.memory_space<vmem>>) dst(%dma_wait3A_190 : memref<512xf32, #tpu.memory_space<hbm>>)
      tpu.yield
    }) : () -> ()
    return
  }
}

</mosaic_0001>

<sc_bundles>
// kernel: _run.3.cloned.1.call-start
scs
__scs_entry_jumppad:
0x0: {  	(pc) =	sbr.rel $0x88, $3  }
0x1: {  	(tag) =	ssettag $0x0;
	lr =	simm.s32 $0x1  }
0x2: {  	[smem:$0x3F9B] =	sst lr;
	_ =	strace $0xD0000000  }
0x3: {  	_ = 	snop  }
0x4: {  	_ = 	snop  }
0x5: {  	_ = 	snop  }
0x6: {  	_ = 	snop  }
0x7: {  	_ = 	snop  }
__scs_overlays_trampoline_lowered:
0x8: {  	[smem:$0x3FAA] =	sst s0  }
0x9: {  	[smem:$0x3FAB] =	sst s1  }
0xa: {  	[smem:$0x3FAC] =	sst s2  }
0xb: {  	[smem:$0x3FAD] =	sst s3  }
0xc: {  	[smem:$0x3FAE] =	sst s4  }
0xd: {  	[smem:$0x3FAF] =	sst s5  }
0xe: {  	[smem:$0x3FB0] =	sst s6  }
0xf: {  	[smem:$0x3FB1] =	sst s7  }
0x10: {  	[smem:$0x3FB2] =	sst s8  }
0x11: {  	[smem:$0x3FB3] =	sst s9;
	s0 =	simm.s32 @!p0 $0x0  }
0x12: {  	s1 =	sld [smem:$0x3F99];
	s0 =	simm.s32 @p0 $0x1  }
0x13: {  	[smem:$0x3FB4] =	sst s0;
	s0 =	simm.s32 @!p1 $0x0  }
0x14: {  	s2 =	sld [smem:$0x3F98];
	s0 =	simm.s32 @p1 $0x1  }
0x15: {  	[smem:$0x3FB5] =	sst s0;
	s0 =	simm.s32 @!p2 $0x0  }
0x16: {  	s3 =	sld [smem:$0x3FDB];
	s0 =	simm.s32 @p2 $0x1  }
0x17: {  	s4 =	simm.s32 $0x1BF5;
	[smem:$0x3FB7] =	sst s0  }
0x18: {  	s0 =	sld [smem:$0x3F9A];
	_ =	swait.ge [sflag:s4], $0x0  }
0x19: {  	s7 =	sld [smem:$0x3F9B]  }
0x1a: {  	s8 =	sadd.s32 $0xFFFFE003, lr  }
0x1b: {  	s9 =	sadd.s32 $0xFFFFFEF7, lr;
	s5 =	simm.s32 $0xFFFFFFFF;
	p2 =	slt.u32 s8, $0xFFFFF086  }
0x1c: {  	p1 =	slt.u32 s9, $0xF7A;
	s5 =	simm.s32 @!p2 $0x0  }
0x1d: {  	s5 =	simm.s32 @p1 $0x1;
	p0 =	seq.s32 s7, s2  }
0x1e: {  	s7 =	smul.u32 @!p0 $0xF7A, s2;
	p2 =	seq.s32 @!p0 s5, $0x0  }
0x1f: {  	s9 =	smul.u32 $0xF7A, s1;
	s8 =	simm.s32 @!p0 $0x1BF5;
	p2 =	por !p2, p0  }
0x20: {  	[sflag:s8] =	ssyncset.s32 @!p0 $0xFFFFF086;
	s6 =	sadd.s32 @!p0 s3, s7;
	s7 =	simm.s32 @!p0 $0x108  }
0x21: {  	s3 =	sadd.s32 s3, s9;
	s6 =	sadd.s32 @!p0 $0x88, s6;
	s7 =	simm.s32 @p2 $0x1082  }
0x22: {  	[simem:s7], [sflag:s8] =	dma.local @!p0 [hbm:s6], $0xF7A  }
0x23: {  	s9 =	sor.u32 $0xD0000000, s2;
	s6 =	simm.s32 $0x108;
	_ =	swait.ge @!p0 [sflag:s8], $0x0  }
0x24: {  	s3 =	sadd.s32 $0x88, s3;
	s6 =	simm.s32 @!p1 $0x1082;
	[sflag:s4] =	ssyncset.s32 $0xFFFFF086  }
0x25: {  	[simem:s6], [sflag:s4] =	dma.local [hbm:s3], $0xF7A  }
0x26: {  	[smem:$0x3F9B] =	sst s1;
	(tag) =	ssettag s2;
	_ =	strace s9  }
0x27: {  	s1 =	sld [smem:$0x3FAB]  }
0x28: {  	s2 =	sld [smem:$0x3FAC]  }
0x29: {  	s4 =	sld [smem:$0x3FAE]  }
0x2a: {  	p0 =	seq.s32 s5, $0x0;
	s5 =	sld [smem:$0x3FAF]  }
0x2b: {  	s6 =	sld [smem:$0x3FB0]  }
0x2c: {  	s7 =	sld [smem:$0x3FB1]  }
0x2d: {  	s3 =	simm.s32 $0x108;
	s8 =	sld [smem:$0x3FB2]  }
0x2e: {  	s3 =	simm.s32 @!p0 $0x1082;
	s9 =	sld [smem:$0x3FB3]  }
0x2f: {  	lr =	sadd.s32 s0, s3;
	s0 =	sld [smem:$0x3FAA]  }
0x30: {  	s3 =	sld [smem:$0x3FAD]  }
0x31: {  	[smem:$0x3FB6] =	sst s10  }
0x32: {  	s10 =	sld [smem:$0x3FB4];
	_ =	sdelay $0x3  }
0x33: {  	p0 =	seq.s32 s10, $0x1;
	s10 =	sld [smem:$0x3FB6];
	_ =	sdelay $0x3  }
0x34: {  	[smem:$0x3FB6] =	sst s10  }
0x35: {  	s10 =	sld [smem:$0x3FB5];
	_ =	sdelay $0x3  }
0x36: {  	p1 =	seq.s32 s10, $0x1;
	s10 =	sld [smem:$0x3FB6];
	_ =	sdelay $0x3  }
0x37: {  	[smem:$0x3FB6] =	sst s10  }
0x38: {  	s10 =	sld [smem:$0x3FB7]  }
0x39: {  	_ = 	snop;
	(pc) =	sbr.ind lr, $3  }
0x3a: {  	_ = 	snop  }
0x3b: {  	_ = 	snop  }
0x3c: {  	p2 =	seq.s32 s10, $0x1;
	s10 =	sld [smem:$0x3FB6]  }
0x3d: {  	_ =	shalt  }
0x3e: {  	_ =	shalt  }
0x3f: {  	_ =	shalt  }
0x40: {  	_ =	shalt  }
0x41: {  	_ =	shalt  }
0x42: {  	_ =	shalt  }
0x43: {  	_ =	shalt  }
0x44: {  	_ =	shalt  }
0x45: {  	_ =	shalt  }
0x46: {  	_ =	shalt  }
0x47: {  	_ =	shalt  }
0x48: {  	_ =	shalt  }
0x49: {  	_ =	shalt  }
0x4a: {  	_ =	shalt  }
0x4b: {  	_ =	shalt  }
0x4c: {  	_ =	shalt  }
0x4d: {  	_ =	shalt  }
0x4e: {  	_ =	shalt  }
0x4f: {  	_ =	shalt  }
0x50: {  	_ =	shalt  }
0x51: {  	_ =	shalt  }
0x52: {  	_ =	shalt  }
0x53: {  	_ =	shalt  }
0x54: {  	_ =	shalt  }
0x55: {  	_ =	shalt  }
0x56: {  	_ =	shalt  }
0x57: {  	_ =	shalt  }
0x58: {  	_ =	shalt  }
0x59: {  	_ =	shalt  }
0x5a: {  	_ =	shalt  }
0x5b: {  	_ =	shalt  }
0x5c: {  	_ =	shalt  }
0x5d: {  	_ =	shalt  }
0x5e: {  	_ =	shalt  }
0x5f: {  	_ =	shalt  }
0x60: {  	_ =	shalt  }
0x61: {  	_ =	shalt  }
0x62: {  	_ =	shalt  }
0x63: {  	_ =	shalt  }
0x64: {  	_ =	shalt  }
0x65: {  	_ =	shalt  }
0x66: {  	_ =	shalt  }
0x67: {  	_ =	shalt  }
0x68: {  	_ =	shalt  }
0x69: {  	_ =	shalt  }
0x6a: {  	_ =	shalt  }
0x6b: {  	_ =	shalt  }
0x6c: {  	_ =	shalt  }
0x6d: {  	_ =	shalt  }
0x6e: {  	_ =	shalt  }
0x6f: {  	_ =	shalt  }
0x70: {  	_ =	shalt  }
0x71: {  	_ =	shalt  }
0x72: {  	_ =	shalt  }
0x73: {  	_ =	shalt  }
0x74: {  	_ =	shalt  }
0x75: {  	_ =	shalt  }
0x76: {  	_ =	shalt  }
0x77: {  	_ =	shalt  }
0x78: {  	_ =	shalt  }
0x79: {  	_ =	shalt  }
0x7a: {  	_ =	shalt  }
0x7b: {  	_ =	shalt  }
0x7c: {  	_ =	shalt  }
0x7d: {  	_ =	shalt  }
0x7e: {  	_ =	shalt  }
0x7f: {  	_ =	shalt  }
0x80: {  	_ =	shalt  }
0x81: {  	_ =	shalt  }
0x82: {  	_ =	shalt  }
0x83: {  	_ =	shalt  }
0x84: {  	_ =	shalt  }
0x85: {  	_ =	shalt  }
0x86: {  	_ =	shalt  }
0x87: {  	_ =	shalt  }
.Lfunc_end0:
.L_simem_size_0:
called_computation_lowered:
.L_overlay_start_0:
0x88: {  	s2 =	sld [smem:$0x3FD9]  }
0x89: {  	s3 =	sld [smem:$0x3FFE];
	_ =	sdelay $0x1  }
0x8a: {  	s1 =	srdreg.scid  }
0x8b: {  	s0 =	sand.u32 $0x1, s1  }
0x8c: {  	s17 =	sshll.u32 s0, $0xA;
	s2 =	sadd.s32 s3, s2  }
0x8d: {  	s2 =	sadd.s32 s2, s17  }
0x8e: {  	[smem:$0x3FC2] =	sst s2  }
0x8f: {  	_ = 	snop  }
0x90: {  	s2 =	sld [smem:$0x3FC9]  }
0x91: {  	s18 =	sld [smem:$0x3FC8]  }
0x92: {  	s4 =	sld [smem:$0x3FC5]  }
0x93: {  	s5 =	sld [smem:$0x3FC4]  }
0x94: {  	s6 =	sld [smem:$0x3FD0];
	(tm) =	ssettm $0x1  }
0x95: {  	s7 =	sld [smem:$0x3FFB];
	_ =	sdelay $0x3  }
0x96: {  	_ =	strace s7  }
0x97: {  	s7 =	sld [smem:$0x3FFC];
	_ =	sdelay $0x3  }
0x98: {  	_ =	strace s7  }
0x99: {  	s7 =	sld [smem:$0x3FFD];
	_ =	sdelay $0x3  }
0x9a: {  	_ =	strace s7  }
0x9b: {  	_ =	strace $0x8FFFFFFF  }
0x9c: {  	s19 =	sld [smem:$0x3FDB];
	_ =	sdelay $0x1  }
0x9d: {  	s8 =	simm.s32 $_scs_section_size  }
0x9e: {  	s9 =	simm.s32 $_size__tile_overlayer_lowered;
	s10 =	simm.s32 $_tile_overlayer_lowered  }
0x9f: {  	s22 =	simm.s32 $0x1BFF;
	s21 =	sshll.u32 s10, $0x1;
	s7 =	sadd.s32 s8, s19  }
0xa0: {  	s11 =	simm.s32 $0x0;
	s20 =	sshll.u32 s9, $0x1;
	s9 =	sadd.s32 s21, s7  }
0xa1: {  	[timem:s11], [sflag:s22] =	dma.local [hbm:s9], s20  }
0xa2: {  	_ =	swait.ge [sflag:s22], s20  }
0xa3: {  	s8 =	ssub.s32 $0x0, s20;
	[sflag:s22] =	ssyncset.done $0x0  }
0xa4: {  	[sflag:s22] =	ssyncadd.s32 s8;
	_ =	sdelay $0x1  }
0xa5: {  	s23 =	simm.s32 $0x1B8B  }
0xa6: {  	_ =	swait.ge [sflag:s23], $0x1  }
0xa7: {  	[sflag:s23] =	ssyncset.done $0x0  }
0xa8: {  	s25 =	simm.s32 $0x1B8E;
	s24 =	sld [smem:$0x3FFE];
	[sflag:s23] =	ssyncadd.s32 $0xFFFFFFFF  }
0xa9: {  	s26 =	simm.s32 $execute0_lowered;
	[smem:$0x3FD2] =	sst s25  }
0xaa: {  	s9 =	sshll.u32 s26, $0x1;
	_ =	strace $0x80000046;
	[dreg:$0x1] =	wrdreg $0xFFFFFFFF  }
0xab: {  	s28 =	simm.s32 $_size_execute0_lowered;
	s7 =	sadd.s32 s7, s9;
	[dreg:$0x0] =	wrdreg $0x0  }
0xac: {  	s9 =	sshll.u32 s28, $0x1;
	[dreg:$0x2] =	wrdreg s7  }
0xad: {  	[dreg:$0x3] =	wrdreg s9  }
0xae: {  	[dreg:$0x4] =	wrdreg $0xC0  }
0xaf: {  	_ =	task [dreg:s11], $0x5FFFF  }
0xb0: {  	[dreg:$0x1] =	wrdreg $0xFFFFFFFF  }
0xb1: {  	[dreg:$0x0] =	wrdreg $0x60  }
0xb2: {  	[dreg:$0x2] =	wrdreg s2  }
0xb3: {  	[dreg:$0x3] =	wrdreg s18  }
0xb4: {  	[dreg:$0x4] =	wrdreg s24  }
0xb5: {  	[dreg:$0x5] =	wrdreg s4  }
0xb6: {  	[dreg:$0x6] =	wrdreg s5  }
0xb7: {  	[dreg:$0x7] =	wrdreg s6  }
0xb8: {  	[dreg:$0x8] =	wrdreg $0x9  }
0xb9: {  	_ =	task.clear_ibuf [dreg:s11], $0x9FFFF;
	_ =	strace $0x90000046  }
0xba: {  	s29 =	simm.s32 $0x9;
	_ =	strace $0x80000048  }
0xbb: {  	_ =	swait.ge [sflag:s29], $0x1  }
0xbc: {  	[sflag:s29] =	ssyncadd.s32 $0xFFFFFFFF  }
0xbd: {  	_ =	strace $0x90000048  }
0xbe: {  	_ =	sfence  }
0xbf: {  	s30 =	sld [smem:$0x0];
	_ =	sdelay $0x2  }
0xc0: {  	s31 =	sshll.u32 s1, $0xD;
	s1 =	sshrl.u32 s1, $0x2  }
0xc1: {  	s3 =	sand.u32 $0x4000, s31;
	s1 =	sadd.s32 s1, s30  }
0xc2: {  	s0 =	sor.u32 s3, s0;
	s1 =	sshll.u32 s1, $0x11  }
0xc3: {  	s0 =	sor.u32 s1, s0  }
0xc4: {  	s0 =	sadd.s32 $0x8F2B, s0  }
0xc5: {  	[sflag:s0] =	ssyncadd.remote.s32 $0x1  }
0xc6: {  	_ =	sfence.sel $0xFFFF  }
0xc7: {  	[dreg:$0x0] =	wrdreg $0xFFFFFFFF;
	(pc) =	sbr.abs _section_cstart, $3  }
0xc8: {  	[dreg:$0x1] =	wrdreg $0xFFFFFFFF  }
0xc9: {  	_ =	task.clear_ibuf [dreg:s11], $0x2FFFF;
	_ =	strace $0x9FFFFFFF  }
0xca: {  	(tm) =	ssettm $0x7FFFFFFF  }
0xcb: {  	_ =	shalt  }
tec
execute0_lowered:
.L_overlay_start_1:
0x0: {  	(tag) =	ssettag $0x1  }
0x1: {  	s0 =	rddreg [dreg:$0x0]  }
0x2: {  	s1 =	rddreg [dreg:$0x1]  }
0x3: {  	s2 =	rddreg [dreg:$0x2]  }
0x4: {  	s4 =	rddreg [dreg:$0x5];
	s3 =	simm.s32 $0x0  }
0x5: {  	s6 =	srdreg.scid;
	s8 =	stileid.u32;
	s11 =	simm.s32 $0x9  }
0x6: {  	s12 =	simm.s32 $0x200;
	s15 =	simm.s32 $0x80;
	s16 =	simm.s32 $0x400  }
0x7: {  	s17 =	simm.s32 $0x4400;
	s22 =	simm.s32 $0x2400;
	s23 =	simm.s32 $0x300  }
0x8: {  	s24 =	simm.s32 $0x6400;
	s25 =	simm.s32 $0x180;
	s28 =	simm.s32 $0x380  }
0x9: {  	s29 =	simm.s32 $0x7400;
	s30 =	simm.s32 $0x1;
	s31 =	simm.s32 $0x5  }
0xa: {  	s13 =	simm.s32 $0x4;
	s14 =	simm.s32 $0x8;
	s18 =	simm.s32 $0x8400  }
0xb: {  	s19 =	simm.s32 $0x0;
	[smem:$0x7FF] =	sst s3;
	s6 =	sand.u32 $0x1, s6  }
0xc: {  	s5 =	sadd.s32 $0x187E00, s2;
	s8 =	sshll.u32 s8, $0x7;
	s7 =	ssub.s32 $0x2, s6  }
0xd: {  	_ =	strace $0x80000047;
	s9 =	sshll.u32 s6, $0x6;
	s26 =	sshrl.u32 s7, $0x1  }
0xe: {  	s6 =	sadd.s32 $0x1E9A00, s2;
	s9 =	sor.u32 s9, s8;
	s2 =	ssub.s32 s7, s26  }
0xf: {  	s7 =	sadd.s32 s0, s9;
	s8 =	sadd.s32 s1, s9;
	s9 =	sadd.s32 s4, s9  }
0x10: {  	v0 =	vlaneseq.u32;
	s26 =	simm.s32 $0x3400;
	s0 =	simm.s32 $0x2;
	s4 =	simm.s32 $0x6  }
0x11: {  	v0 =	vmul.u32 $0x20, v0;
	s1 =	simm.s32 $0x3;
	s10 =	smax.u32 s2, $0x1;
	s2 =	simm.s32 $0x7  }
.LBB2_1:
0x12: {  	[tilespmem:s3], [sflag:$0x9] =	stream.linear.gather [hbm4b:s7+s3], $0x200, $0x38;
	[tilespmem:$0x8620] =	vst v63  }
0x13: {  	_ =	swait.ge [sflag:s11], $0x200  }
0x14: {  	[sflag:s11] =	ssyncset.done $0x0  }
0x15: {  	[sflag:s11] =	ssyncadd.s32 $0xFFFFFE00  }
0x16: {  	[tilespmem:s12], [sflag:$0x9] =	stream.linear.gather [hbm4b:s8+s3], $0x200, $0x38;
	[tilespmem:$0x8620] =	vst v63  }
0x17: {  	_ =	swait.ge [sflag:s11], $0x200  }
0x18: {  	[sflag:s11] =	ssyncset.done $0x0  }
0x19: {  	[sflag:s11] =	ssyncadd.s32 $0xFFFFFE00  }
0x1a: {  	s21 =	simm.s32 $0x8600;
	s20 =	rddreg [dreg:$0x3]  }
0x1b: {  	[tilespmem:s21], [sflag:$0x9] =	stream.linear.gather [hbm4b:s20+s3], $0x10, $0x38;
	[tilespmem:$0x8620] =	vst v63  }
0x1c: {  	_ =	swait.ge [sflag:s11], $0x10  }
0x1d: {  	[sflag:s11] =	ssyncset.done $0x0  }
0x1e: {  	[sflag:s11] =	ssyncadd.s32 $0xFFFFFFF0  }
0x1f: {  	s21 =	simm.s32 $0x8610;
	s20 =	rddreg [dreg:$0x4]  }
0x20: {  	[tilespmem:s21], [sflag:$0x9] =	stream.linear.gather [hbm4b:s20+s3], $0x10, $0x38;
	[tilespmem:$0x8620] =	vst v63  }
0x21: {  	_ =	swait.ge [sflag:s11], $0x10  }
0x22: {  	[sflag:s11] =	ssyncset.done $0x0  }
0x23: {  	[sflag:s11] =	ssyncadd.s32 $0xFFFFFFF0  }
0x24: {  	[tilespmem:s16], [sflag:$0x1] =	stream.indirect.gather [hbm4b:s5+s15], $0x20, s3, s15, $0xb8;
	[tilespmem:$0x8620] =	vst v63  }
0x25: {  	_ = 	snop  }
0x26: {  	[tilespmem:s17], [sflag:$0x5] =	stream.indirect.gather [hbm4b:s6+s15], $0x20, s12, s15, $0xb8;
	[tilespmem:$0x8620] =	vst v63  }
0x27: {  	s21 =	simm.s32 $0x1400  }
0x28: {  	[tilespmem:s21], [sflag:$0x2] =	stream.indirect.gather [hbm4b:s5+s15], $0x20, s15, s15, $0xb8;
	[tilespmem:$0x8620] =	vst v63  }
0x29: {  	s20 =	simm.s32 $0x280;
	s21 =	simm.s32 $0x5400  }
0x2a: {  	[tilespmem:s21], [sflag:$0x6] =	stream.indirect.gather [hbm4b:s6+s15], $0x20, s20, s15, $0xb8;
	[tilespmem:$0x8620] =	vst v63  }
0x2b: {  	s21 =	simm.s32 $0x100  }
0x2c: {  	[tilespmem:s22], [sflag:$0x3] =	stream.indirect.gather [hbm4b:s5+s15], $0x20, s21, s15, $0xb8;
	[tilespmem:$0x8620] =	vst v63  }
0x2d: {  	_ = 	snop  }
0x2e: {  	[tilespmem:s24], [sflag:$0x7] =	stream.indirect.gather [hbm4b:s6+s15], $0x20, s23, s15, $0xb8;
	[tilespmem:$0x8620] =	vst v63  }
0x2f: {  	_ = 	snop  }
0x30: {  	[tilespmem:s26], [sflag:$0x4] =	stream.indirect.gather [hbm4b:s5+s15], $0x20, s25, s15, $0xb8;
	[tilespmem:$0x8620] =	vst v63  }
0x31: {  	_ = 	snop  }
0x32: {  	[tilespmem:s29], [sflag:$0x8] =	stream.indirect.gather [hbm4b:s6+s15], $0x20, s28, s15, $0xb8;
	[tilespmem:$0x8620] =	vst v63  }
0x33: {  	v1 =	vld [tilespmem:$0x8600]  }
0x34: {  	v2 =	vld [tilespmem:$0x8610];
	_ =	swait.ge [sflag:s30], $0x1000  }
0x35: {  	[sflag:s30] =	ssyncset.done $0x0  }
0x36: {  	[sflag:s30] =	ssyncadd.s32 $0xFFFFF000  }
0x37: {  	_ =	swait.ge [sflag:s31], $0x1000  }
0x38: {  	[sflag:s31] =	ssyncset.done $0x0  }
0x39: {  	s20 =	simm.s32 $0x8400;
	s21 =	simm.s32 $0x0;
	[sflag:s31] =	ssyncadd.s32 $0xFFFFF000  }
.LBB2_2:
0x3a: {  	v3 =	vmov s21  }
0x3b: {  	v3 =	vshll.u32 v3, $0x5  }
0x3c: {  	v3 =	vor.u32 v0, v3;
	_ =	sdelay $0x1  }
0x3d: {  	v4 =	vor.u32 $0x1, v3;
	_ =	sdelay $0x1  }
0x3e: {  	v5 =	vor.u32 $0x2, v3  }
0x3f: {  	v6 =	vld.idx.msk [tilespmem:v3+s16+$0x0], $0xffff  }
0x40: {  	v8 =	vor.u32 $0x3, v3;
	v7 =	vld.idx.msk [tilespmem:v3+s17+$0x0], $0xffff  }
0x41: {  	v9 =	vld.idx.msk [tilespmem:v4+s16+$0x0], $0xffff  }
0x42: {  	v10 =	vor.u32 $0x4, v3;
	v4 =	vld.idx.msk [tilespmem:v4+s17+$0x0], $0xffff  }
0x43: {  	v11 =	vld.idx.msk [tilespmem:v5+s16+$0x0], $0xffff  }
0x44: {  	v12 =	vor.u32 $0x5, v3;
	v5 =	vld.idx.msk [tilespmem:v5+s17+$0x0], $0xffff  }
0x45: {  	v13 =	vld.idx.msk [tilespmem:v8+s16+$0x0], $0xffff  }
0x46: {  	v14 =	vor.u32 $0x6, v3;
	v8 =	vld.idx.msk [tilespmem:v8+s17+$0x0], $0xffff  }
0x47: {  	v15 =	vld.idx.msk [tilespmem:v10+s16+$0x0], $0xffff  }
0x48: {  	v16 =	vor.u32 $0x7, v3;
	v10 =	vld.idx.msk [tilespmem:v10+s17+$0x0], $0xffff  }
0x49: {  	v17 =	vld.idx.msk [tilespmem:v12+s16+$0x0], $0xffff  }
0x4a: {  	v18 =	vor.u32 $0x8, v3;
	v12 =	vld.idx.msk [tilespmem:v12+s17+$0x0], $0xffff  }
0x4b: {  	v20 =	vld.idx.msk [tilespmem:v14+s16+$0x0], $0xffff;
	v19 =	vmul.f32 v7, v6  }
0x4c: {  	v21 =	vor.u32 $0x9, v3;
	v14 =	vld.idx.msk [tilespmem:v14+s17+$0x0], $0xffff;
	v6 =	vmul.f32 v6, v6;
	v7 =	vmul.f32 v7, v7  }
0x4d: {  	v23 =	vld.idx.msk [tilespmem:v16+s16+$0x0], $0xffff;
	v22 =	vmul.f32 v4, v9;
	v9 =	vmul.f32 v9, v9  }
0x4e: {  	v25 =	vor.u32 $0xA, v3;
	v16 =	vld.idx.msk [tilespmem:v16+s17+$0x0], $0xffff;
	v24 =	vmul.f32 v5, v11;
	v4 =	vmul.f32 v4, v4  }
0x4f: {  	v33 =	vor.u32 $0xB, v3;
	v26 =	vld.idx.msk [tilespmem:v18+s16+$0x0], $0xffff;
	v11 =	vmul.f32 v11, v11;
	v5 =	vmul.f32 v5, v5  }
0x50: {  	v36 =	vor.u32 $0xC, v3;
	v18 =	vld.idx.msk [tilespmem:v18+s17+$0x0], $0xffff;
	v34 =	vmul.f32 v8, v13;
	v13 =	vmul.f32 v13, v13  }
0x51: {  	v40 =	vor.u32 $0xD, v3;
	v27 =	vld.idx.msk [tilespmem:v21+s16+$0x0], $0xffff;
	v35 =	vmul.f32 v8, v8;
	v37 =	vmul.f32 v10, v15  }
0x52: {  	v53 =	vor.u32 $0x11, v3;
	v21 =	vld.idx.msk [tilespmem:v21+s17+$0x0], $0xffff;
	v39 =	vmul.f32 v15, v15;
	v10 =	vmul.f32 v10, v10  }
0x53: {  	v58 =	vor.u32 $0x12, v3;
	v38 =	vld.idx.msk [tilespmem:v25+s16+$0x0], $0xffff;
	v41 =	vmul.f32 v12, v17;
	v43 =	vmul.f32 v17, v17  }
0x54: {  	v44 =	vor.u32 $0xE, v3;
	v28 =	vld.idx.msk [tilespmem:v25+s17+$0x0], $0xffff;
	v12 =	vmul.f32 v12, v12;
	v46 =	vmul.f32 v14, v20  }
0x55: {  	v30 =	vor.u32 $0xF, v3;
	v29 =	vld.idx.msk [tilespmem:v33+s16+$0x0], $0xffff;
	v47 =	vmul.f32 v20, v20;
	v14 =	vmul.f32 v14, v14  }
0x56: {  	v49 =	vor.u32 $0x10, v3;
	v48 =	vmul.f32 v16, v23;
	v8 =	vld.idx.msk [tilespmem:v40+s17+$0x0], $0xffff;
	v50 =	vmul.f32 v23, v23  }
0x57: {  	v61 =	vor.u32 $0x13, v3;
	v52 =	vmul.f32 v16, v16;
	v55 =	vmul.f32 v18, v26;
	v15 =	vld.idx.msk [tilespmem:v53+s17+$0x0], $0xffff  }
0x58: {  	v63 =	vor.u32 $0x14, v3;
	v56 =	vmul.f32 v26, v26;
	v18 =	vmul.f32 v18, v18;
	v16 =	vld.idx.msk [tilespmem:v58+s16+$0x0], $0xffff  }
0x59: {  	v31 =	vmul.f32 v28, v38;
	v17 =	vld.idx.msk [tilespmem:v58+s17+$0x0], $0xffff;
	v19 =	vadd.f32 $0.0e+00, v19;
	v22 =	vadd.f32 $0.0e+00, v22  }
0x5a: {  	v62 =	vmul.f32 v38, v38;
	v5 =	vadd.f32 v5, v7;
	v7 =	vadd.f32 v35, v4;
	v4 =	vld.idx.msk [tilespmem:v36+s16+$0x0], $0xffff  }
0x5b: {  	v38 =	vor.u32 $0x15, v3;
	v6 =	vadd.f32 v11, v6;
	v19 =	vadd.f32 v24, v19;
	v24 =	vld.idx.msk [tilespmem:v33+s17+$0x0], $0xffff  }
0x5c: {  	v59 =	vmul.f32 v21, v27;
	v9 =	vadd.f32 v13, v9;
	v10 =	vadd.f32 v10, v5;
	v5 =	vld.idx.msk [tilespmem:v36+s17+$0x0], $0xffff  }
0x5d: {  	v60 =	vmul.f32 v27, v27;
	v11 =	vadd.f32 v34, v22;
	v42 =	vadd.f32 v39, v6;
	v6 =	vld.idx.msk [tilespmem:v40+s16+$0x0], $0xffff  }
0x5e: {  	v21 =	vmul.f32 v21, v21;
	v45 =	vadd.f32 v43, v9;
	v12 =	vadd.f32 v12, v7;
	v7 =	vld.idx.msk [tilespmem:v44+s16+$0x0], $0xffff  }
0x5f: {  	v35 =	vmul.f32 v28, v28;
	v9 =	vld.idx.msk [tilespmem:v44+s17+$0x0], $0xffff;
	v13 =	vadd.f32 v37, v19;
	v11 =	vadd.f32 v41, v11  }
0x60: {  	v37 =	vmul.f32 v29, v29;
	v22 =	vld.idx.msk [tilespmem:v38+s16+$0x0], $0xffff;
	v20 =	vadd.f32 v47, v42;
	v14 =	vadd.f32 v14, v10  }
0x61: {  	v43 =	vmul.f32 v8, v8;
	v54 =	vadd.f32 v50, v45;
	v10 =	vld.idx.msk [tilespmem:v30+s16+$0x0], $0xffff;
	v57 =	vadd.f32 v52, v12  }
0x62: {  	v12 =	vld.idx.msk [tilespmem:v30+s17+$0x0], $0xffff;
	v42 =	vor.u32 $0x16, v3;
	v50 =	vmul.f32 v15, v15;
	v13 =	vadd.f32 v46, v13  }
0x63: {  	v41 =	vmul.f32 v4, v4;
	v51 =	vadd.f32 v48, v11;
	v20 =	vadd.f32 v56, v20;
	v11 =	vld.idx.msk [tilespmem:v49+s16+$0x0], $0xffff  }
0x64: {  	v46 =	vor.u32 $0x18, v3;
	v18 =	vadd.f32 v18, v14;
	v14 =	vld.idx.msk [tilespmem:v49+s17+$0x0], $0xffff;
	v32 =	vadd.f32 v60, v54  }
0x65: {  	v21 =	vadd.f32 v21, v57;
	v29 =	vmul.f32 v24, v29;
	v19 =	vadd.f32 v55, v13;
	v13 =	vld.idx.msk [tilespmem:v53+s16+$0x0], $0xffff  }
0x66: {  	v24 =	vmul.f32 v24, v24;
	v33 =	vmul.f32 v5, v5;
	v39 =	vadd.f32 v35, v18;
	v18 =	vld.idx.msk [tilespmem:v61+s16+$0x0], $0xffff  }
0x67: {  	v34 =	vmul.f32 v6, v6;
	v44 =	vmul.f32 v7, v7;
	v36 =	vadd.f32 v62, v20;
	v20 =	vld.idx.msk [tilespmem:v63+s16+$0x0], $0xffff  }
0x68: {  	v45 =	vmul.f32 v9, v9;
	v23 =	vadd.f32 v59, v51;
	v24 =	vadd.f32 v24, v21;
	v21 =	vld.idx.msk [tilespmem:v63+s17+$0x0], $0xffff  }
0x69: {  	v40 =	vadd.f32 v37, v32;
	v35 =	vor.u32 $0x17, v3;
	v25 =	vadd.f32 v31, v19;
	v19 =	vld.idx.msk [tilespmem:v61+s17+$0x0], $0xffff  }
0x6a: {  	v51 =	vmul.f32 v17, v17;
	v55 =	vmul.f32 v22, v22;
	v27 =	vld.idx.msk [tilespmem:v42+s17+$0x0], $0xffff;
	v26 =	vadd.f32 v41, v36  }
0x6b: {  	v37 =	vmul.f32 v12, v12;
	v30 =	vadd.f32 v33, v39;
	v32 =	vadd.f32 v43, v24;
	v24 =	vld.idx.msk [tilespmem:v38+s17+$0x0], $0xffff  }
0x6c: {  	v31 =	vadd.f32 v34, v40;
	v36 =	vmul.f32 v10, v10;
	v39 =	vor.u32 $0x1A, v3;
	v41 =	vld.idx.msk [tilespmem:v46+s16+$0x0], $0xffff  }
0x6d: {  	v38 =	vor.u32 $0x19, v3;
	v40 =	vmul.f32 v16, v16;
	v28 =	vld.idx.msk [tilespmem:v46+s17+$0x0], $0xffff;
	v43 =	vor.u32 $0x1C, v3  }
0x6e: {  	v46 =	vor.u32 $0x1D, v3;
	v47 =	vmul.f32 v11, v11;
	v33 =	vadd.f32 v44, v26;
	v26 =	vld.idx.msk [tilespmem:v42+s16+$0x0], $0xffff  }
0x6f: {  	v48 =	vmul.f32 v14, v14;
	v30 =	vadd.f32 v45, v30;
	v32 =	vadd.f32 v37, v32;
	v37 =	vld.idx.msk [tilespmem:v35+s16+$0x0], $0xffff  }
0x70: {  	v31 =	vadd.f32 v36, v31;
	v49 =	vmul.f32 v13, v13;
	v42 =	vor.u32 $0x1B, v3;
	v35 =	vld.idx.msk [tilespmem:v35+s17+$0x0], $0xffff  }
0x71: {  	v52 =	vmul.f32 v18, v18;
	v54 =	vmul.f32 v20, v20;
	v33 =	vadd.f32 v47, v33;
	v45 =	vld.idx.msk [tilespmem:v39+s16+$0x0], $0xffff  }
0x72: {  	v44 =	vmul.f32 v21, v21;
	v30 =	vadd.f32 v48, v30;
	v31 =	vadd.f32 v49, v31;
	v39 =	vld.idx.msk [tilespmem:v39+s17+$0x0], $0xffff  }
0x73: {  	v32 =	vadd.f32 v50, v32;
	v53 =	vmul.f32 v19, v19;
	v47 =	vor.u32 $0x1E, v3;
	v48 =	vld.idx.msk [tilespmem:v43+s16+$0x0], $0xffff  }
0x74: {  	v58 =	vmul.f32 v27, v27;
	v3 =	vor.u32 $0x1F, v3;
	v56 =	vmul.f32 v24, v24;
	v43 =	vld.idx.msk [tilespmem:v43+s17+$0x0], $0xffff  }
0x75: {  	v60 =	vmul.f32 v41, v41;
	v33 =	vadd.f32 v40, v33;
	v40 =	vld.idx.msk [tilespmem:v38+s16+$0x0], $0xffff;
	v30 =	vadd.f32 v51, v30  }
0x76: {  	v50 =	vmul.f32 v28, v28;
	v38 =	vld.idx.msk [tilespmem:v38+s17+$0x0], $0xffff;
	v31 =	vadd.f32 v52, v31;
	v32 =	vadd.f32 v53, v32  }
0x77: {  	v51 =	vld.idx.msk [tilespmem:v46+s16+$0x0], $0xffff;
	v57 =	vmul.f32 v26, v26;
	v33 =	vadd.f32 v54, v33;
	v30 =	vadd.f32 v44, v30  }
0x78: {  	v44 =	vld.idx.msk [tilespmem:v42+s16+$0x0], $0xffff;
	v31 =	vadd.f32 v55, v31;
	v32 =	vadd.f32 v56, v32;
	v59 =	vmul.f32 v37, v37  }
0x79: {  	v42 =	vld.idx.msk [tilespmem:v42+s17+$0x0], $0xffff;
	v49 =	vmul.f32 v35, v35;
	v33 =	vadd.f32 v57, v33;
	v30 =	vadd.f32 v58, v30  }
0x7a: {  	v46 =	vld.idx.msk [tilespmem:v46+s17+$0x0], $0xffff;
	v31 =	vadd.f32 v59, v31;
	v63 =	vmul.f32 v45, v45;
	v56 =	vmul.f32 v39, v39  }
0x7b: {  	v52 =	vld.idx.msk [tilespmem:v3+s16+$0x0], $0xffff;
	v32 =	vadd.f32 v49, v32;
	v58 =	vmul.f32 v48, v48;
	v61 =	vmul.f32 v40, v40  }
0x7c: {  	v49 =	vld.idx.msk [tilespmem:v47+s16+$0x0], $0xffff;
	v62 =	vmul.f32 v38, v38;
	v59 =	vmul.f32 v51, v51;
	v33 =	vadd.f32 v60, v33  }
0x7d: {  	v47 =	vld.idx.msk [tilespmem:v47+s17+$0x0], $0xffff;
	v30 =	vadd.f32 v50, v30;
	v31 =	vadd.f32 v61, v31;
	v57 =	vmul.f32 v44, v44  }
0x7e: {  	v3 =	vld.idx.msk [tilespmem:v3+s17+$0x0], $0xffff;
	v60 =	vmul.f32 v43, v43;
	v32 =	vadd.f32 v62, v32;
	v53 =	vmul.f32 v42, v42  }
0x7f: {  	v61 =	vmul.f32 v46, v46;
	v33 =	vadd.f32 v63, v33;
	v31 =	vadd.f32 v57, v31  }
0x80: {  	v30 =	vadd.f32 v56, v30;
	v63 =	vmul.f32 v52, v52;
	v32 =	vadd.f32 v53, v32  }
0x81: {  	v62 =	vmul.f32 v49, v49;
	v33 =	vadd.f32 v58, v33;
	v31 =	vadd.f32 v59, v31  }
0x82: {  	v50 =	vmul.f32 v47, v47;
	v30 =	vadd.f32 v60, v30;
	v32 =	vadd.f32 v61, v32  }
0x83: {  	v53 =	vmul.f32 v3, v3;
	v33 =	vadd.f32 v62, v33;
	v31 =	vadd.f32 v63, v31  }
0x84: {  	v54 =	vadd.f32 v50, v30  }
0x85: {  	v4 =	vmul.f32 v5, v4;
	v55 =	vadd.f32 v53, v32;
	v56 =	vadd.f32 v31, v33  }
0x86: {  	v6 =	vmul.f32 v8, v6;
	v7 =	vmul.f32 v9, v7  }
0x87: {  	v23 =	vadd.f32 v29, v23;
	v5 =	vadd.f32 v55, v54;
	v57 =	vmax.f32 v56, $9.999999960e-13  }
0x88: {  	v10 =	vmul.f32 v12, v10;
	v58 =	vshra.s32 v57, $0x1;
	v8 =	vmul.f32 $5.000000000e-01, v57  }
0x89: {  	v4 =	vadd.f32 v4, v25;
	v5 =	vmax.f32 v5, $9.999999960e-13;
	v9 =	vsub.s32 $0x5F3759DF, v58  }
0x8a: {  	v60 =	vshra.s32 v5, $0x1;
	v5 =	vmul.f32 $5.000000000e-01, v5;
	v59 =	vmul.f32 v9, v8  }
0x8b: {  	v6 =	vadd.f32 v6, v23;
	v25 =	vmul.f32 v15, v13;
	v62 =	vsub.s32 $0x5F3759DF, v60  }
0x8c: {  	v23 =	vmul.f32 v62, v5;
	v63 =	vmul.f32 v9, v59  }
0x8d: {  	v4 =	vadd.f32 v7, v4;
	v6 =	vadd.f32 v10, v6;
	v61 =	vmul.f32 v14, v11  }
0x8e: {  	v12 =	vmul.f32 v62, v23;
	v10 =	vsub.f32 $1.500000000e+00, v63  }
0x8f: {  	v29 =	vmul.f32 v17, v16;
	v6 =	vadd.f32 v25, v6;
	v4 =	vadd.f32 v61, v4  }
0x90: {  	v30 =	vmul.f32 v19, v18;
	v32 =	vsub.f32 $1.500000000e+00, v12;
	v9 =	vmul.f32 v9, v10  }
0x91: {  	v4 =	vadd.f32 v29, v4;
	v31 =	vmul.f32 v21, v20;
	v33 =	vmul.f32 v24, v22  }
0x92: {  	v6 =	vadd.f32 v30, v6;
	v10 =	vmul.f32 v62, v32;
	v36 =	vmul.f32 v9, v8  }
0x93: {  	v34 =	vmul.f32 v27, v26;
	v37 =	vmul.f32 v35, v37;
	v4 =	vadd.f32 v31, v4  }
0x94: {  	v6 =	vadd.f32 v33, v6;
	v50 =	vmul.f32 v10, v5;
	v11 =	vmul.f32 v36, v9  }
0x95: {  	v53 =	vmul.f32 v28, v41;
	v54 =	vmul.f32 v38, v40;
	v4 =	vadd.f32 v34, v4  }
0x96: {  	v6 =	vadd.f32 v37, v6;
	v12 =	vmul.f32 v50, v10;
	v11 =	vsub.f32 $1.500000000e+00, v11  }
0x97: {  	v55 =	vmul.f32 v39, v45;
	v56 =	vmul.f32 v42, v44;
	v4 =	vadd.f32 v53, v4  }
0x98: {  	v6 =	vadd.f32 v54, v6;
	v57 =	vsub.f32 $1.500000000e+00, v12;
	v9 =	vmul.f32 v11, v9  }
0x99: {  	v58 =	vmul.f32 v43, v48;
	v59 =	vmul.f32 v46, v51;
	v4 =	vadd.f32 v55, v4  }
0x9a: {  	v6 =	vadd.f32 v56, v6;
	v10 =	vmul.f32 v57, v10;
	v8 =	vmul.f32 v9, v8  }
0x9b: {  	v3 =	vmul.f32 v3, v52;
	v60 =	vmul.f32 v47, v49;
	v4 =	vadd.f32 v58, v4  }
0x9c: {  	v6 =	vadd.f32 v59, v6;
	v5 =	vmul.f32 v10, v5;
	v8 =	vmul.f32 v8, v9  }
0x9d: {  	v4 =	vadd.f32 v60, v4  }
0x9e: {  	v3 =	vadd.f32 v3, v6;
	v5 =	vmul.f32 v5, v10;
	v61 =	vsub.f32 $1.500000000e+00, v8;
	_ =	sdelay $0x1  }
0x9f: {  	v3 =	vadd.f32 v3, v4;
	v5 =	vsub.f32 $1.500000000e+00, v5;
	v62 =	vmul.f32 v61, v9;
	_ =	sdelay $0x1  }
0xa0: {  	v63 =	vmul.f32 v5, v10;
	v3 =	vmul.f32 v62, v3;
	_ =	sdelay $0x1  }
0xa1: {  	v3 =	vmul.f32 v63, v3;
	_ =	sdelay $0x1  }
0xa2: {  	v3 =	vmul.f32 v3, v1;
	_ =	sdelay $0x1  }
0xa3: {  	v3 =	vadd.f32 v3, v2;
	_ =	sdelay $0x1  }
0xa4: {  	v3 =	vsub.f32 $0.0e+00, v3;
	_ =	sdelay $0x1  }
0xa5: {  	v3 =	vmul.f32 $1.442695020e+00, v3;
	_ =	sdelay $0x1  }
0xa6: {  	(erf) = vpow2.f32 v3;
	_ =	sdelay $0x8  }
0xa7: {  	v3 =	vpop (erf)  }
0xa8: {  	v3 =	vadd.f32 $1.000000000e+00, v3;
	_ =	sdelay $0x1  }
0xa9: {  	(erf) = vrcp.f32 v3;
	_ =	sdelay $0x4  }
0xaa: {  	p0 =	sne.s32 s21, $0x70  }
.Ltmp0:
0xab: {  	_ = 	snop;
	(pc) =	sbr.rel @p0 .LBB2_2-.Ltmp0, $3  }
0xac: {  	_ =	sdelay $0x1  }
0xad: {  	v3 =	vpop (erf)  }
0xae: {  	s21 =	sadd.s32 $0x10, s21;
	[tilespmem:s20+$0x0] =	vst v3;
	s20 =	sadd.s32 $0x10, s20  }
0xaf: {  	_ =	swait.ge [sflag:s0], $0x1000  }
0xb0: {  	[sflag:s0] =	ssyncset.done $0x0  }
0xb1: {  	[sflag:s0] =	ssyncadd.s32 $0xFFFFF000  }
0xb2: {  	_ =	swait.ge [sflag:s4], $0x1000  }
0xb3: {  	[sflag:s4] =	ssyncset.done $0x0  }
0xb4: {  	s20 =	simm.s32 $0x80;
	s21 =	simm.s32 $0x8480;
	[sflag:s4] =	ssyncadd.s32 $0xFFFFF000  }
.LBB2_4:
0xb5: {  	v3 =	vmov s20  }
0xb6: {  	v3 =	vshll.u32 v3, $0x5  }
0xb7: {  	v3 =	vor.u32 v0, v3;
	_ =	sdelay $0x1  }
0xb8: {  	v4 =	vor.u32 $0x1, v3;
	_ =	sdelay $0x1  }
0xb9: {  	v5 =	vor.u32 $0x2, v3  }
0xba: {  	v6 =	vld.idx.msk [tilespmem:v3+s16+$0x0], $0xffff  }
0xbb: {  	v8 =	vor.u32 $0x3, v3;
	v7 =	vld.idx.msk [tilespmem:v3+s17+$0x0], $0xffff  }
0xbc: {  	v9 =	vld.idx.msk [tilespmem:v4+s16+$0x0], $0xffff  }
0xbd: {  	v10 =	vor.u32 $0x4, v3;
	v4 =	vld.idx.msk [tilespmem:v4+s17+$0x0], $0xffff  }
0xbe: {  	v11 =	vld.idx.msk [tilespmem:v5+s16+$0x0], $0xffff  }
0xbf: {  	v12 =	vor.u32 $0x5, v3;
	v5 =	vld.idx.msk [tilespmem:v5+s17+$0x0], $0xffff  }
0xc0: {  	v13 =	vld.idx.msk [tilespmem:v8+s16+$0x0], $0xffff  }
0xc1: {  	v14 =	vor.u32 $0x6, v3;
	v8 =	vld.idx.msk [tilespmem:v8+s17+$0x0], $0xffff  }
0xc2: {  	v15 =	vld.idx.msk [tilespmem:v10+s16+$0x0], $0xffff  }
0xc3: {  	v16 =	vor.u32 $0x7, v3;
	v10 =	vld.idx.msk [tilespmem:v10+s17+$0x0], $0xffff  }
0xc4: {  	v17 =	vld.idx.msk [tilespmem:v12+s16+$0x0], $0xffff  }
0xc5: {  	v18 =	vor.u32 $0x8, v3;
	v12 =	vld.idx.msk [tilespmem:v12+s17+$0x0], $0xffff  }
0xc6: {  	v20 =	vld.idx.msk [tilespmem:v14+s16+$0x0], $0xffff;
	v19 =	vmul.f32 v7, v6  }
0xc7: {  	v21 =	vor.u32 $0x9, v3;
	v14 =	vld.idx.msk [tilespmem:v14+s17+$0x0], $0xffff;
	v6 =	vmul.f32 v6, v6;
	v7 =	vmul.f32 v7, v7  }
0xc8: {  	v23 =	vld.idx.msk [tilespmem:v16+s16+$0x0], $0xffff;
	v22 =	vmul.f32 v4, v9;
	v9 =	vmul.f32 v9, v9  }
0xc9: {  	v25 =	vor.u32 $0xA, v3;
	v16 =	vld.idx.msk [tilespmem:v16+s17+$0x0], $0xffff;
	v24 =	vmul.f32 v5, v11;
	v4 =	vmul.f32 v4, v4  }
0xca: {  	v33 =	vor.u32 $0xB, v3;
	v26 =	vld.idx.msk [tilespmem:v18+s16+$0x0], $0xffff;
	v11 =	vmul.f32 v11, v11;
	v5 =	vmul.f32 v5, v5  }
0xcb: {  	v36 =	vor.u32 $0xC, v3;
	v18 =	vld.idx.msk [tilespmem:v18+s17+$0x0], $0xffff;
	v34 =	vmul.f32 v8, v13;
	v13 =	vmul.f32 v13, v13  }
0xcc: {  	v40 =	vor.u32 $0xD, v3;
	v27 =	vld.idx.msk [tilespmem:v21+s16+$0x0], $0xffff;
	v35 =	vmul.f32 v8, v8;
	v37 =	vmul.f32 v10, v15  }
0xcd: {  	v53 =	vor.u32 $0x11, v3;
	v21 =	vld.idx.msk [tilespmem:v21+s17+$0x0], $0xffff;
	v39 =	vmul.f32 v15, v15;
	v10 =	vmul.f32 v10, v10  }
0xce: {  	v58 =	vor.u32 $0x12, v3;
	v38 =	vld.idx.msk [tilespmem:v25+s16+$0x0], $0xffff;
	v41 =	vmul.f32 v12, v17;
	v43 =	vmul.f32 v17, v17  }
0xcf: {  	v44 =	vor.u32 $0xE, v3;
	v28 =	vld.idx.msk [tilespmem:v25+s17+$0x0], $0xffff;
	v12 =	vmul.f32 v12, v12;
	v46 =	vmul.f32 v14, v20  }
0xd0: {  	v30 =	vor.u32 $0xF, v3;
	v29 =	vld.idx.msk [tilespmem:v33+s16+$0x0], $0xffff;
	v47 =	vmul.f32 v20, v20;
	v14 =	vmul.f32 v14, v14  }
0xd1: {  	v49 =	vor.u32 $0x10, v3;
	v48 =	vmul.f32 v16, v23;
	v8 =	vld.idx.msk [tilespmem:v40+s17+$0x0], $0xffff;
	v50 =	vmul.f32 v23, v23  }
0xd2: {  	v61 =	vor.u32 $0x13, v3;
	v52 =	vmul.f32 v16, v16;
	v55 =	vmul.f32 v18, v26;
	v15 =	vld.idx.msk [tilespmem:v53+s17+$0x0], $0xffff  }
0xd3: {  	v63 =	vor.u32 $0x14, v3;
	v56 =	vmul.f32 v26, v26;
	v18 =	vmul.f32 v18, v18;
	v16 =	vld.idx.msk [tilespmem:v58+s16+$0x0], $0xffff  }
0xd4: {  	v31 =	vmul.f32 v28, v38;
	v17 =	vld.idx.msk [tilespmem:v58+s17+$0x0], $0xffff;
	v19 =	vadd.f32 $0.0e+00, v19;
	v22 =	vadd.f32 $0.0e+00, v22  }
0xd5: {  	v62 =	vmul.f32 v38, v38;
	v5 =	vadd.f32 v5, v7;
	v7 =	vadd.f32 v35, v4;
	v4 =	vld.idx.msk [tilespmem:v36+s16+$0x0], $0xffff  }
0xd6: {  	v38 =	vor.u32 $0x15, v3;
	v6 =	vadd.f32 v11, v6;
	v19 =	vadd.f32 v24, v19;
	v24 =	vld.idx.msk [tilespmem:v33+s17+$0x0], $0xffff  }
0xd7: {  	v59 =	vmul.f32 v21, v27;
	v9 =	vadd.f32 v13, v9;
	v10 =	vadd.f32 v10, v5;
	v5 =	vld.idx.msk [tilespmem:v36+s17+$0x0], $0xffff  }
0xd8: {  	v60 =	vmul.f32 v27, v27;
	v11 =	vadd.f32 v34, v22;
	v42 =	vadd.f32 v39, v6;
	v6 =	vld.idx.msk [tilespmem:v40+s16+$0x0], $0xffff  }
0xd9: {  	v21 =	vmul.f32 v21, v21;
	v45 =	vadd.f32 v43, v9;
	v12 =	vadd.f32 v12, v7;
	v7 =	vld.idx.msk [tilespmem:v44+s16+$0x0], $0xffff  }
0xda: {  	v35 =	vmul.f32 v28, v28;
	v9 =	vld.idx.msk [tilespmem:v44+s17+$0x0], $0xffff;
	v13 =	vadd.f32 v37, v19;
	v11 =	vadd.f32 v41, v11  }
0xdb: {  	v37 =	vmul.f32 v29, v29;
	v22 =	vld.idx.msk [tilespmem:v38+s16+$0x0], $0xffff;
	v20 =	vadd.f32 v47, v42;
	v14 =	vadd.f32 v14, v10  }
0xdc: {  	v43 =	vmul.f32 v8, v8;
	v54 =	vadd.f32 v50, v45;
	v10 =	vld.idx.msk [tilespmem:v30+s16+$0x0], $0xffff;
	v57 =	vadd.f32 v52, v12  }
0xdd: {  	v12 =	vld.idx.msk [tilespmem:v30+s17+$0x0], $0xffff;
	v42 =	vor.u32 $0x16, v3;
	v50 =	vmul.f32 v15, v15;
	v13 =	vadd.f32 v46, v13  }
0xde: {  	v41 =	vmul.f32 v4, v4;
	v51 =	vadd.f32 v48, v11;
	v20 =	vadd.f32 v56, v20;
	v11 =	vld.idx.msk [tilespmem:v49+s16+$0x0], $0xffff  }
0xdf: {  	v46 =	vor.u32 $0x18, v3;
	v18 =	vadd.f32 v18, v14;
	v14 =	vld.idx.msk [tilespmem:v49+s17+$0x0], $0xffff;
	v32 =	vadd.f32 v60, v54  }
0xe0: {  	v21 =	vadd.f32 v21, v57;
	v29 =	vmul.f32 v24, v29;
	v19 =	vadd.f32 v55, v13;
	v13 =	vld.idx.msk [tilespmem:v53+s16+$0x0], $0xffff  }
0xe1: {  	v24 =	vmul.f32 v24, v24;
	v33 =	vmul.f32 v5, v5;
	v39 =	vadd.f32 v35, v18;
	v18 =	vld.idx.msk [tilespmem:v61+s16+$0x0], $0xffff  }
0xe2: {  	v34 =	vmul.f32 v6, v6;
	v44 =	vmul.f32 v7, v7;
	v36 =	vadd.f32 v62, v20;
	v20 =	vld.idx.msk [tilespmem:v63+s16+$0x0], $0xffff  }
0xe3: {  	v45 =	vmul.f32 v9, v9;
	v23 =	vadd.f32 v59, v51;
	v24 =	vadd.f32 v24, v21;
	v21 =	vld.idx.msk [tilespmem:v63+s17+$0x0], $0xffff  }
0xe4: {  	v40 =	vadd.f32 v37, v32;
	v35 =	vor.u32 $0x17, v3;
	v25 =	vadd.f32 v31, v19;
	v19 =	vld.idx.msk [tilespmem:v61+s17+$0x0], $0xffff  }
0xe5: {  	v51 =	vmul.f32 v17, v17;
	v55 =	vmul.f32 v22, v22;
	v27 =	vld.idx.msk [tilespmem:v42+s17+$0x0], $0xffff;
	v26 =	vadd.f32 v41, v36  }
0xe6: {  	v37 =	vmul.f32 v12, v12;
	v30 =	vadd.f32 v33, v39;
	v32 =	vadd.f32 v43, v24;
	v24 =	vld.idx.msk [tilespmem:v38+s17+$0x0], $0xffff  }
0xe7: {  	v31 =	vadd.f32 v34, v40;
	v36 =	vmul.f32 v10, v10;
	v39 =	vor.u32 $0x1A, v3;
	v41 =	vld.idx.msk [tilespmem:v46+s16+$0x0], $0xffff  }
0xe8: {  	v38 =	vor.u32 $0x19, v3;
	v40 =	vmul.f32 v16, v16;
	v28 =	vld.idx.msk [tilespmem:v46+s17+$0x0], $0xffff;
	v43 =	vor.u32 $0x1C, v3  }
0xe9: {  	v46 =	vor.u32 $0x1D, v3;
	v47 =	vmul.f32 v11, v11;
	v33 =	vadd.f32 v44, v26;
	v26 =	vld.idx.msk [tilespmem:v42+s16+$0x0], $0xffff  }
0xea: {  	v48 =	vmul.f32 v14, v14;
	v30 =	vadd.f32 v45, v30;
	v32 =	vadd.f32 v37, v32;
	v37 =	vld.idx.msk [tilespmem:v35+s16+$0x0], $0xffff  }
0xeb: {  	v31 =	vadd.f32 v36, v31;
	v49 =	vmul.f32 v13, v13;
	v42 =	vor.u32 $0x1B, v3;
	v35 =	vld.idx.msk [tilespmem:v35+s17+$0x0], $0xffff  }
0xec: {  	v52 =	vmul.f32 v18, v18;
	v54 =	vmul.f32 v20, v20;
	v33 =	vadd.f32 v47, v33;
	v45 =	vld.idx.msk [tilespmem:v39+s16+$0x0], $0xffff  }
0xed: {  	v44 =	vmul.f32 v21, v21;
	v30 =	vadd.f32 v48, v30;
	v31 =	vadd.f32 v49, v31;
	v39 =	vld.idx.msk [tilespmem:v39+s17+$0x0], $0xffff  }
0xee: {  	v32 =	vadd.f32 v50, v32;
	v53 =	vmul.f32 v19, v19;
	v47 =	vor.u32 $0x1E, v3;
	v48 =	vld.idx.msk [tilespmem:v43+s16+$0x0], $0xffff  }
0xef: {  	v58 =	vmul.f32 v27, v27;
	v3 =	vor.u32 $0x1F, v3;
	v56 =	vmul.f32 v24, v24;
	v43 =	vld.idx.msk [tilespmem:v43+s17+$0x0], $0xffff  }
0xf0: {  	v60 =	vmul.f32 v41, v41;
	v33 =	vadd.f32 v40, v33;
	v40 =	vld.idx.msk [tilespmem:v38+s16+$0x0], $0xffff;
	v30 =	vadd.f32 v51, v30  }
0xf1: {  	v50 =	vmul.f32 v28, v28;
	v38 =	vld.idx.msk [tilespmem:v38+s17+$0x0], $0xffff;
	v31 =	vadd.f32 v52, v31;
	v32 =	vadd.f32 v53, v32  }
0xf2: {  	v51 =	vld.idx.msk [tilespmem:v46+s16+$0x0], $0xffff;
	v57 =	vmul.f32 v26, v26;
	v33 =	vadd.f32 v54, v33;
	v30 =	vadd.f32 v44, v30  }
0xf3: {  	v44 =	vld.idx.msk [tilespmem:v42+s16+$0x0], $0xffff;
	v31 =	vadd.f32 v55, v31;
	v32 =	vadd.f32 v56, v32;
	v59 =	vmul.f32 v37, v37  }
0xf4: {  	v42 =	vld.idx.msk [tilespmem:v42+s17+$0x0], $0xffff;
	v49 =	vmul.f32 v35, v35;
	v33 =	vadd.f32 v57, v33;
	v30 =	vadd.f32 v58, v30  }
0xf5: {  	v46 =	vld.idx.msk [tilespmem:v46+s17+$0x0], $0xffff;
	v31 =	vadd.f32 v59, v31;
	v63 =	vmul.f32 v45, v45;
	v56 =	vmul.f32 v39, v39  }
0xf6: {  	v52 =	vld.idx.msk [tilespmem:v3+s16+$0x0], $0xffff;
	v32 =	vadd.f32 v49, v32;
	v58 =	vmul.f32 v48, v48;
	v61 =	vmul.f32 v40, v40  }
0xf7: {  	v49 =	vld.idx.msk [tilespmem:v47+s16+$0x0], $0xffff;
	v62 =	vmul.f32 v38, v38;
	v59 =	vmul.f32 v51, v51;
	v33 =	vadd.f32 v60, v33  }
0xf8: {  	v47 =	vld.idx.msk [tilespmem:v47+s17+$0x0], $0xffff;
	v30 =	vadd.f32 v50, v30;
	v31 =	vadd.f32 v61, v31;
	v57 =	vmul.f32 v44, v44  }
0xf9: {  	v3 =	vld.idx.msk [tilespmem:v3+s17+$0x0], $0xffff;
	v60 =	vmul.f32 v43, v43;
	v32 =	vadd.f32 v62, v32;
	v53 =	vmul.f32 v42, v42  }
0xfa: {  	v61 =	vmul.f32 v46, v46;
	v33 =	vadd.f32 v63, v33;
	v31 =	vadd.f32 v57, v31  }
0xfb: {  	v30 =	vadd.f32 v56, v30;
	v63 =	vmul.f32 v52, v52;
	v32 =	vadd.f32 v53, v32  }
0xfc: {  	v62 =	vmul.f32 v49, v49;
	v33 =	vadd.f32 v58, v33;
	v31 =	vadd.f32 v59, v31  }
0xfd: {  	v50 =	vmul.f32 v47, v47;
	v30 =	vadd.f32 v60, v30;
	v32 =	vadd.f32 v61, v32  }
0xfe: {  	v53 =	vmul.f32 v3, v3;
	v33 =	vadd.f32 v62, v33;
	v31 =	vadd.f32 v63, v31  }
0xff: {  	v54 =	vadd.f32 v50, v30  }
0x100: {  	v4 =	vmul.f32 v5, v4;
	v55 =	vadd.f32 v53, v32;
	v56 =	vadd.f32 v31, v33  }
0x101: {  	v6 =	vmul.f32 v8, v6;
	v7 =	vmul.f32 v9, v7  }
0x102: {  	v23 =	vadd.f32 v29, v23;
	v5 =	vadd.f32 v55, v54;
	v57 =	vmax.f32 v56, $9.999999960e-13  }
0x103: {  	v10 =	vmul.f32 v12, v10;
	v58 =	vshra.s32 v57, $0x1;
	v8 =	vmul.f32 $5.000000000e-01, v57  }
0x104: {  	v4 =	vadd.f32 v4, v25;
	v5 =	vmax.f32 v5, $9.999999960e-13;
	v9 =	vsub.s32 $0x5F3759DF, v58  }
0x105: {  	v60 =	vshra.s32 v5, $0x1;
	v5 =	vmul.f32 $5.000000000e-01, v5;
	v59 =	vmul.f32 v9, v8  }
0x106: {  	v6 =	vadd.f32 v6, v23;
	v25 =	vmul.f32 v15, v13;
	v62 =	vsub.s32 $0x5F3759DF, v60  }
0x107: {  	v23 =	vmul.f32 v62, v5;
	v63 =	vmul.f32 v9, v59  }
0x108: {  	v4 =	vadd.f32 v7, v4;
	v6 =	vadd.f32 v10, v6;
	v61 =	vmul.f32 v14, v11  }
0x109: {  	v12 =	vmul.f32 v62, v23;
	v10 =	vsub.f32 $1.500000000e+00, v63  }
0x10a: {  	v29 =	vmul.f32 v17, v16;
	v6 =	vadd.f32 v25, v6;
	v4 =	vadd.f32 v61, v4  }
0x10b: {  	v30 =	vmul.f32 v19, v18;
	v32 =	vsub.f32 $1.500000000e+00, v12;
	v9 =	vmul.f32 v9, v10  }
0x10c: {  	v4 =	vadd.f32 v29, v4;
	v31 =	vmul.f32 v21, v20;
	v33 =	vmul.f32 v24, v22  }
0x10d: {  	v6 =	vadd.f32 v30, v6;
	v10 =	vmul.f32 v62, v32;
	v36 =	vmul.f32 v9, v8  }
0x10e: {  	v34 =	vmul.f32 v27, v26;
	v37 =	vmul.f32 v35, v37;
	v4 =	vadd.f32 v31, v4  }
0x10f: {  	v6 =	vadd.f32 v33, v6;
	v50 =	vmul.f32 v10, v5;
	v11 =	vmul.f32 v36, v9  }
0x110: {  	v53 =	vmul.f32 v28, v41;
	v54 =	vmul.f32 v38, v40;
	v4 =	vadd.f32 v34, v4  }
0x111: {  	v6 =	vadd.f32 v37, v6;
	v12 =	vmul.f32 v50, v10;
	v11 =	vsub.f32 $1.500000000e+00, v11  }
0x112: {  	v55 =	vmul.f32 v39, v45;
	v56 =	vmul.f32 v42, v44;
	v4 =	vadd.f32 v53, v4  }
0x113: {  	v6 =	vadd.f32 v54, v6;
	v57 =	vsub.f32 $1.500000000e+00, v12;
	v9 =	vmul.f32 v11, v9  }
0x114: {  	v58 =	vmul.f32 v43, v48;
	v59 =	vmul.f32 v46, v51;
	v4 =	vadd.f32 v55, v4  }
0x115: {  	v6 =	vadd.f32 v56, v6;
	v10 =	vmul.f32 v57, v10;
	v8 =	vmul.f32 v9, v8  }
0x116: {  	v3 =	vmul.f32 v3, v52;
	v60 =	vmul.f32 v47, v49;
	v4 =	vadd.f32 v58, v4  }
0x117: {  	v6 =	vadd.f32 v59, v6;
	v5 =	vmul.f32 v10, v5;
	v8 =	vmul.f32 v8, v9  }
0x118: {  	v4 =	vadd.f32 v60, v4  }
0x119: {  	v3 =	vadd.f32 v3, v6;
	v5 =	vmul.f32 v5, v10;
	v61 =	vsub.f32 $1.500000000e+00, v8;
	_ =	sdelay $0x1  }
0x11a: {  	v3 =	vadd.f32 v3, v4;
	v5 =	vsub.f32 $1.500000000e+00, v5;
	v62 =	vmul.f32 v61, v9;
	_ =	sdelay $0x1  }
0x11b: {  	v63 =	vmul.f32 v5, v10;
	v3 =	vmul.f32 v62, v3;
	_ =	sdelay $0x1  }
0x11c: {  	v3 =	vmul.f32 v63, v3;
	_ =	sdelay $0x1  }
0x11d: {  	v3 =	vmul.f32 v3, v1;
	_ =	sdelay $0x1  }
0x11e: {  	v3 =	vadd.f32 v3, v2;
	_ =	sdelay $0x1  }
0x11f: {  	v3 =	vsub.f32 $0.0e+00, v3;
	_ =	sdelay $0x1  }
0x120: {  	v3 =	vmul.f32 $1.442695020e+00, v3;
	_ =	sdelay $0x1  }
0x121: {  	(erf) = vpow2.f32 v3;
	_ =	sdelay $0x8  }
0x122: {  	v3 =	vpop (erf)  }
0x123: {  	v3 =	vadd.f32 $1.000000000e+00, v3;
	_ =	sdelay $0x1  }
0x124: {  	(erf) = vrcp.f32 v3;
	_ =	sdelay $0x4  }
0x125: {  	p0 =	sne.s32 s20, $0xF0  }
.Ltmp1:
0x126: {  	_ = 	snop;
	(pc) =	sbr.rel @p0 .LBB2_4-.Ltmp1, $3  }
0x127: {  	_ =	sdelay $0x1  }
0x128: {  	v3 =	vpop (erf)  }
0x129: {  	s20 =	sadd.s32 $0x10, s20;
	[tilespmem:s21+$0x0] =	vst v3;
	s21 =	sadd.s32 $0x10, s21  }
0x12a: {  	_ =	swait.ge [sflag:s1], $0x1000  }
0x12b: {  	[sflag:s1] =	ssyncset.done $0x0  }
0x12c: {  	[sflag:s1] =	ssyncadd.s32 $0xFFFFF000  }
0x12d: {  	_ =	swait.ge [sflag:s2], $0x1000  }
0x12e: {  	[sflag:s2] =	ssyncset.done $0x0  }
0x12f: {  	s20 =	simm.s32 $0x100;
	s21 =	simm.s32 $0x8500;
	[sflag:s2] =	ssyncadd.s32 $0xFFFFF000  }
.LBB2_6:
0x130: {  	v3 =	vmov s20  }
0x131: {  	v3 =	vshll.u32 v3, $0x5  }
0x132: {  	v3 =	vor.u32 v0, v3;
	_ =	sdelay $0x1  }
0x133: {  	v4 =	vor.u32 $0x1, v3;
	_ =	sdelay $0x1  }
0x134: {  	v5 =	vor.u32 $0x2, v3  }
0x135: {  	v6 =	vld.idx.msk [tilespmem:v3+s16+$0x0], $0xffff  }
0x136: {  	v8 =	vor.u32 $0x3, v3;
	v7 =	vld.idx.msk [tilespmem:v3+s17+$0x0], $0xffff  }
0x137: {  	v9 =	vld.idx.msk [tilespmem:v4+s16+$0x0], $0xffff  }
0x138: {  	v10 =	vor.u32 $0x4, v3;
	v4 =	vld.idx.msk [tilespmem:v4+s17+$0x0], $0xffff  }
0x139: {  	v11 =	vld.idx.msk [tilespmem:v5+s16+$0x0], $0xffff  }
0x13a: {  	v12 =	vor.u32 $0x5, v3;
	v5 =	vld.idx.msk [tilespmem:v5+s17+$0x0], $0xffff  }
0x13b: {  	v13 =	vld.idx.msk [tilespmem:v8+s16+$0x0], $0xffff  }
0x13c: {  	v14 =	vor.u32 $0x6, v3;
	v8 =	vld.idx.msk [tilespmem:v8+s17+$0x0], $0xffff  }
0x13d: {  	v15 =	vld.idx.msk [tilespmem:v10+s16+$0x0], $0xffff  }
0x13e: {  	v16 =	vor.u32 $0x7, v3;
	v10 =	vld.idx.msk [tilespmem:v10+s17+$0x0], $0xffff  }
0x13f: {  	v17 =	vld.idx.msk [tilespmem:v12+s16+$0x0], $0xffff  }
0x140: {  	v18 =	vor.u32 $0x8, v3;
	v12 =	vld.idx.msk [tilespmem:v12+s17+$0x0], $0xffff  }
0x141: {  	v20 =	vld.idx.msk [tilespmem:v14+s16+$0x0], $0xffff;
	v19 =	vmul.f32 v7, v6  }
0x142: {  	v21 =	vor.u32 $0x9, v3;
	v14 =	vld.idx.msk [tilespmem:v14+s17+$0x0], $0xffff;
	v6 =	vmul.f32 v6, v6;
	v7 =	vmul.f32 v7, v7  }
0x143: {  	v23 =	vld.idx.msk [tilespmem:v16+s16+$0x0], $0xffff;
	v22 =	vmul.f32 v4, v9;
	v9 =	vmul.f32 v9, v9  }
0x144: {  	v25 =	vor.u32 $0xA, v3;
	v16 =	vld.idx.msk [tilespmem:v16+s17+$0x0], $0xffff;
	v24 =	vmul.f32 v5, v11;
	v4 =	vmul.f32 v4, v4  }
0x145: {  	v33 =	vor.u32 $0xB, v3;
	v26 =	vld.idx.msk [tilespmem:v18+s16+$0x0], $0xffff;
	v11 =	vmul.f32 v11, v11;
	v5 =	vmul.f32 v5, v5  }
0x146: {  	v36 =	vor.u32 $0xC, v3;
	v18 =	vld.idx.msk [tilespmem:v18+s17+$0x0], $0xffff;
	v34 =	vmul.f32 v8, v13;
	v13 =	vmul.f32 v13, v13  }
0x147: {  	v40 =	vor.u32 $0xD, v3;
	v27 =	vld.idx.msk [tilespmem:v21+s16+$0x0], $0xffff;
	v35 =	vmul.f32 v8, v8;
	v37 =	vmul.f32 v10, v15  }
0x148: {  	v53 =	vor.u32 $0x11, v3;
	v21 =	vld.idx.msk [tilespmem:v21+s17+$0x0], $0xffff;
	v39 =	vmul.f32 v15, v15;
	v10 =	vmul.f32 v10, v10  }
0x149: {  	v58 =	vor.u32 $0x12, v3;
	v38 =	vld.idx.msk [tilespmem:v25+s16+$0x0], $0xffff;
	v41 =	vmul.f32 v12, v17;
	v43 =	vmul.f32 v17, v17  }
0x14a: {  	v44 =	vor.u32 $0xE, v3;
	v28 =	vld.idx.msk [tilespmem:v25+s17+$0x0], $0xffff;
	v12 =	vmul.f32 v12, v12;
	v46 =	vmul.f32 v14, v20  }
0x14b: {  	v30 =	vor.u32 $0xF, v3;
	v29 =	vld.idx.msk [tilespmem:v33+s16+$0x0], $0xffff;
	v47 =	vmul.f32 v20, v20;
	v14 =	vmul.f32 v14, v14  }
0x14c: {  	v49 =	vor.u32 $0x10, v3;
	v48 =	vmul.f32 v16, v23;
	v8 =	vld.idx.msk [tilespmem:v40+s17+$0x0], $0xffff;
	v50 =	vmul.f32 v23, v23  }
0x14d: {  	v61 =	vor.u32 $0x13, v3;
	v52 =	vmul.f32 v16, v16;
	v55 =	vmul.f32 v18, v26;
	v15 =	vld.idx.msk [tilespmem:v53+s17+$0x0], $0xffff  }
0x14e: {  	v63 =	vor.u32 $0x14, v3;
	v56 =	vmul.f32 v26, v26;
	v18 =	vmul.f32 v18, v18;
	v16 =	vld.idx.msk [tilespmem:v58+s16+$0x0], $0xffff  }
0x14f: {  	v31 =	vmul.f32 v28, v38;
	v17 =	vld.idx.msk [tilespmem:v58+s17+$0x0], $0xffff;
	v19 =	vadd.f32 $0.0e+00, v19;
	v22 =	vadd.f32 $0.0e+00, v22  }
0x150: {  	v62 =	vmul.f32 v38, v38;
	v5 =	vadd.f32 v5, v7;
	v7 =	vadd.f32 v35, v4;
	v4 =	vld.idx.msk [tilespmem:v36+s16+$0x0], $0xffff  }
0x151: {  	v38 =	vor.u32 $0x15, v3;
	v6 =	vadd.f32 v11, v6;
	v19 =	vadd.f32 v24, v19;
	v24 =	vld.idx.msk [tilespmem:v33+s17+$0x0], $0xffff  }
0x152: {  	v59 =	vmul.f32 v21, v27;
	v9 =	vadd.f32 v13, v9;
	v10 =	vadd.f32 v10, v5;
	v5 =	vld.idx.msk [tilespmem:v36+s17+$0x0], $0xffff  }
0x153: {  	v60 =	vmul.f32 v27, v27;
	v11 =	vadd.f32 v34, v22;
	v42 =	vadd.f32 v39, v6;
	v6 =	vld.idx.msk [tilespmem:v40+s16+$0x0], $0xffff  }
0x154: {  	v21 =	vmul.f32 v21, v21;
	v45 =	vadd.f32 v43, v9;
	v12 =	vadd.f32 v12, v7;
	v7 =	vld.idx.msk [tilespmem:v44+s16+$0x0], $0xffff  }
0x155: {  	v35 =	vmul.f32 v28, v28;
	v9 =	vld.idx.msk [tilespmem:v44+s17+$0x0], $0xffff;
	v13 =	vadd.f32 v37, v19;
	v11 =	vadd.f32 v41, v11  }
0x156: {  	v37 =	vmul.f32 v29, v29;
	v22 =	vld.idx.msk [tilespmem:v38+s16+$0x0], $0xffff;
	v20 =	vadd.f32 v47, v42;
	v14 =	vadd.f32 v14, v10  }
0x157: {  	v43 =	vmul.f32 v8, v8;
	v54 =	vadd.f32 v50, v45;
	v10 =	vld.idx.msk [tilespmem:v30+s16+$0x0], $0xffff;
	v57 =	vadd.f32 v52, v12  }
0x158: {  	v12 =	vld.idx.msk [tilespmem:v30+s17+$0x0], $0xffff;
	v42 =	vor.u32 $0x16, v3;
	v50 =	vmul.f32 v15, v15;
	v13 =	vadd.f32 v46, v13  }
0x159: {  	v41 =	vmul.f32 v4, v4;
	v51 =	vadd.f32 v48, v11;
	v20 =	vadd.f32 v56, v20;
	v11 =	vld.idx.msk [tilespmem:v49+s16+$0x0], $0xffff  }
0x15a: {  	v46 =	vor.u32 $0x18, v3;
	v18 =	vadd.f32 v18, v14;
	v14 =	vld.idx.msk [tilespmem:v49+s17+$0x0], $0xffff;
	v32 =	vadd.f32 v60, v54  }
0x15b: {  	v21 =	vadd.f32 v21, v57;
	v29 =	vmul.f32 v24, v29;
	v19 =	vadd.f32 v55, v13;
	v13 =	vld.idx.msk [tilespmem:v53+s16+$0x0], $0xffff  }
0x15c: {  	v24 =	vmul.f32 v24, v24;
	v33 =	vmul.f32 v5, v5;
	v39 =	vadd.f32 v35, v18;
	v18 =	vld.idx.msk [tilespmem:v61+s16+$0x0], $0xffff  }
0x15d: {  	v34 =	vmul.f32 v6, v6;
	v44 =	vmul.f32 v7, v7;
	v36 =	vadd.f32 v62, v20;
	v20 =	vld.idx.msk [tilespmem:v63+s16+$0x0], $0xffff  }
0x15e: {  	v45 =	vmul.f32 v9, v9;
	v23 =	vadd.f32 v59, v51;
	v24 =	vadd.f32 v24, v21;
	v21 =	vld.idx.msk [tilespmem:v63+s17+$0x0], $0xffff  }
0x15f: {  	v40 =	vadd.f32 v37, v32;
	v35 =	vor.u32 $0x17, v3;
	v25 =	vadd.f32 v31, v19;
	v19 =	vld.idx.msk [tilespmem:v61+s17+$0x0], $0xffff  }
0x160: {  	v51 =	vmul.f32 v17, v17;
	v55 =	vmul.f32 v22, v22;
	v27 =	vld.idx.msk [tilespmem:v42+s17+$0x0], $0xffff;
	v26 =	vadd.f32 v41, v36  }
0x161: {  	v37 =	vmul.f32 v12, v12;
	v30 =	vadd.f32 v33, v39;
	v32 =	vadd.f32 v43, v24;
	v24 =	vld.idx.msk [tilespmem:v38+s17+$0x0], $0xffff  }
0x162: {  	v31 =	vadd.f32 v34, v40;
	v36 =	vmul.f32 v10, v10;
	v39 =	vor.u32 $0x1A, v3;
	v41 =	vld.idx.msk [tilespmem:v46+s16+$0x0], $0xffff  }
0x163: {  	v38 =	vor.u32 $0x19, v3;
	v40 =	vmul.f32 v16, v16;
	v28 =	vld.idx.msk [tilespmem:v46+s17+$0x0], $0xffff;
	v43 =	vor.u32 $0x1C, v3  }
0x164: {  	v46 =	vor.u32 $0x1D, v3;
	v47 =	vmul.f32 v11, v11;
	v33 =	vadd.f32 v44, v26;
	v26 =	vld.idx.msk [tilespmem:v42+s16+$0x0], $0xffff  }
0x165: {  	v48 =	vmul.f32 v14, v14;
	v30 =	vadd.f32 v45, v30;
	v32 =	vadd.f32 v37, v32;
	v37 =	vld.idx.msk [tilespmem:v35+s16+$0x0], $0xffff  }
0x166: {  	v31 =	vadd.f32 v36, v31;
	v49 =	vmul.f32 v13, v13;
	v42 =	vor.u32 $0x1B, v3;
	v35 =	vld.idx.msk [tilespmem:v35+s17+$0x0], $0xffff  }
0x167: {  	v52 =	vmul.f32 v18, v18;
	v54 =	vmul.f32 v20, v20;
	v33 =	vadd.f32 v47, v33;
	v45 =	vld.idx.msk [tilespmem:v39+s16+$0x0], $0xffff  }
0x168: {  	v44 =	vmul.f32 v21, v21;
	v30 =	vadd.f32 v48, v30;
	v31 =	vadd.f32 v49, v31;
	v39 =	vld.idx.msk [tilespmem:v39+s17+$0x0], $0xffff  }
0x169: {  	v32 =	vadd.f32 v50, v32;
	v53 =	vmul.f32 v19, v19;
	v47 =	vor.u32 $0x1E, v3;
	v48 =	vld.idx.msk [tilespmem:v43+s16+$0x0], $0xffff  }
0x16a: {  	v58 =	vmul.f32 v27, v27;
	v3 =	vor.u32 $0x1F, v3;
	v56 =	vmul.f32 v24, v24;
	v43 =	vld.idx.msk [tilespmem:v43+s17+$0x0], $0xffff  }
0x16b: {  	v60 =	vmul.f32 v41, v41;
	v33 =	vadd.f32 v40, v33;
	v40 =	vld.idx.msk [tilespmem:v38+s16+$0x0], $0xffff;
	v30 =	vadd.f32 v51, v30  }
0x16c: {  	v50 =	vmul.f32 v28, v28;
	v38 =	vld.idx.msk [tilespmem:v38+s17+$0x0], $0xffff;
	v31 =	vadd.f32 v52, v31;
	v32 =	vadd.f32 v53, v32  }
0x16d: {  	v51 =	vld.idx.msk [tilespmem:v46+s16+$0x0], $0xffff;
	v57 =	vmul.f32 v26, v26;
	v33 =	vadd.f32 v54, v33;
	v30 =	vadd.f32 v44, v30  }
0x16e: {  	v44 =	vld.idx.msk [tilespmem:v42+s16+$0x0], $0xffff;
	v31 =	vadd.f32 v55, v31;
	v32 =	vadd.f32 v56, v32;
	v59 =	vmul.f32 v37, v37  }
0x16f: {  	v42 =	vld.idx.msk [tilespmem:v42+s17+$0x0], $0xffff;
	v49 =	vmul.f32 v35, v35;
	v33 =	vadd.f32 v57, v33;
	v30 =	vadd.f32 v58, v30  }
0x170: {  	v46 =	vld.idx.msk [tilespmem:v46+s17+$0x0], $0xffff;
	v31 =	vadd.f32 v59, v31;
	v63 =	vmul.f32 v45, v45;
	v56 =	vmul.f32 v39, v39  }
0x171: {  	v52 =	vld.idx.msk [tilespmem:v3+s16+$0x0], $0xffff;
	v32 =	vadd.f32 v49, v32;
	v58 =	vmul.f32 v48, v48;
	v61 =	vmul.f32 v40, v40  }
0x172: {  	v49 =	vld.idx.msk [tilespmem:v47+s16+$0x0], $0xffff;
	v62 =	vmul.f32 v38, v38;
	v59 =	vmul.f32 v51, v51;
	v33 =	vadd.f32 v60, v33  }
0x173: {  	v47 =	vld.idx.msk [tilespmem:v47+s17+$0x0], $0xffff;
	v30 =	vadd.f32 v50, v30;
	v31 =	vadd.f32 v61, v31;
	v57 =	vmul.f32 v44, v44  }
0x174: {  	v3 =	vld.idx.msk [tilespmem:v3+s17+$0x0], $0xffff;
	v60 =	vmul.f32 v43, v43;
	v32 =	vadd.f32 v62, v32;
	v53 =	vmul.f32 v42, v42  }
0x175: {  	v61 =	vmul.f32 v46, v46;
	v33 =	vadd.f32 v63, v33;
	v31 =	vadd.f32 v57, v31  }
0x176: {  	v30 =	vadd.f32 v56, v30;
	v63 =	vmul.f32 v52, v52;
	v32 =	vadd.f32 v53, v32  }
0x177: {  	v62 =	vmul.f32 v49, v49;
	v33 =	vadd.f32 v58, v33;
	v31 =	vadd.f32 v59, v31  }
0x178: {  	v50 =	vmul.f32 v47, v47;
	v30 =	vadd.f32 v60, v30;
	v32 =	vadd.f32 v61, v32  }
0x179: {  	v53 =	vmul.f32 v3, v3;
	v33 =	vadd.f32 v62, v33;
	v31 =	vadd.f32 v63, v31  }
0x17a: {  	v54 =	vadd.f32 v50, v30  }
0x17b: {  	v4 =	vmul.f32 v5, v4;
	v55 =	vadd.f32 v53, v32;
	v56 =	vadd.f32 v31, v33  }
0x17c: {  	v6 =	vmul.f32 v8, v6;
	v7 =	vmul.f32 v9, v7  }
0x17d: {  	v23 =	vadd.f32 v29, v23;
	v5 =	vadd.f32 v55, v54;
	v57 =	vmax.f32 v56, $9.999999960e-13  }
0x17e: {  	v10 =	vmul.f32 v12, v10;
	v58 =	vshra.s32 v57, $0x1;
	v8 =	vmul.f32 $5.000000000e-01, v57  }
0x17f: {  	v4 =	vadd.f32 v4, v25;
	v5 =	vmax.f32 v5, $9.999999960e-13;
	v9 =	vsub.s32 $0x5F3759DF, v58  }
0x180: {  	v60 =	vshra.s32 v5, $0x1;
	v5 =	vmul.f32 $5.000000000e-01, v5;
	v59 =	vmul.f32 v9, v8  }
0x181: {  	v6 =	vadd.f32 v6, v23;
	v25 =	vmul.f32 v15, v13;
	v62 =	vsub.s32 $0x5F3759DF, v60  }
0x182: {  	v23 =	vmul.f32 v62, v5;
	v63 =	vmul.f32 v9, v59  }
0x183: {  	v4 =	vadd.f32 v7, v4;
	v6 =	vadd.f32 v10, v6;
	v61 =	vmul.f32 v14, v11  }
0x184: {  	v12 =	vmul.f32 v62, v23;
	v10 =	vsub.f32 $1.500000000e+00, v63  }
0x185: {  	v29 =	vmul.f32 v17, v16;
	v6 =	vadd.f32 v25, v6;
	v4 =	vadd.f32 v61, v4  }
0x186: {  	v30 =	vmul.f32 v19, v18;
	v32 =	vsub.f32 $1.500000000e+00, v12;
	v9 =	vmul.f32 v9, v10  }
0x187: {  	v4 =	vadd.f32 v29, v4;
	v31 =	vmul.f32 v21, v20;
	v33 =	vmul.f32 v24, v22  }
0x188: {  	v6 =	vadd.f32 v30, v6;
	v10 =	vmul.f32 v62, v32;
	v36 =	vmul.f32 v9, v8  }
0x189: {  	v34 =	vmul.f32 v27, v26;
	v37 =	vmul.f32 v35, v37;
	v4 =	vadd.f32 v31, v4  }
0x18a: {  	v6 =	vadd.f32 v33, v6;
	v50 =	vmul.f32 v10, v5;
	v11 =	vmul.f32 v36, v9  }
0x18b: {  	v53 =	vmul.f32 v28, v41;
	v54 =	vmul.f32 v38, v40;
	v4 =	vadd.f32 v34, v4  }
0x18c: {  	v6 =	vadd.f32 v37, v6;
	v12 =	vmul.f32 v50, v10;
	v11 =	vsub.f32 $1.500000000e+00, v11  }
0x18d: {  	v55 =	vmul.f32 v39, v45;
	v56 =	vmul.f32 v42, v44;
	v4 =	vadd.f32 v53, v4  }
0x18e: {  	v6 =	vadd.f32 v54, v6;
	v57 =	vsub.f32 $1.500000000e+00, v12;
	v9 =	vmul.f32 v11, v9  }
0x18f: {  	v58 =	vmul.f32 v43, v48;
	v59 =	vmul.f32 v46, v51;
	v4 =	vadd.f32 v55, v4  }
0x190: {  	v6 =	vadd.f32 v56, v6;
	v10 =	vmul.f32 v57, v10;
	v8 =	vmul.f32 v9, v8  }
0x191: {  	v3 =	vmul.f32 v3, v52;
	v60 =	vmul.f32 v47, v49;
	v4 =	vadd.f32 v58, v4  }
0x192: {  	v6 =	vadd.f32 v59, v6;
	v5 =	vmul.f32 v10, v5;
	v8 =	vmul.f32 v8, v9  }
0x193: {  	v4 =	vadd.f32 v60, v4  }
0x194: {  	v3 =	vadd.f32 v3, v6;
	v5 =	vmul.f32 v5, v10;
	v61 =	vsub.f32 $1.500000000e+00, v8;
	_ =	sdelay $0x1  }
0x195: {  	v3 =	vadd.f32 v3, v4;
	v5 =	vsub.f32 $1.500000000e+00, v5;
	v62 =	vmul.f32 v61, v9;
	_ =	sdelay $0x1  }
0x196: {  	v63 =	vmul.f32 v5, v10;
	v3 =	vmul.f32 v62, v3;
	_ =	sdelay $0x1  }
0x197: {  	v3 =	vmul.f32 v63, v3;
	_ =	sdelay $0x1  }
0x198: {  	v3 =	vmul.f32 v3, v1;
	_ =	sdelay $0x1  }
0x199: {  	v3 =	vadd.f32 v3, v2;
	_ =	sdelay $0x1  }
0x19a: {  	v3 =	vsub.f32 $0.0e+00, v3;
	_ =	sdelay $0x1  }
0x19b: {  	v3 =	vmul.f32 $1.442695020e+00, v3;
	_ =	sdelay $0x1  }
0x19c: {  	(erf) = vpow2.f32 v3;
	_ =	sdelay $0x8  }
0x19d: {  	v3 =	vpop (erf)  }
0x19e: {  	v3 =	vadd.f32 $1.000000000e+00, v3;
	_ =	sdelay $0x1  }
0x19f: {  	(erf) = vrcp.f32 v3;
	_ =	sdelay $0x4  }
0x1a0: {  	p0 =	sne.s32 s20, $0x170  }
.Ltmp2:
0x1a1: {  	_ = 	snop;
	(pc) =	sbr.rel @p0 .LBB2_6-.Ltmp2, $3  }
0x1a2: {  	_ =	sdelay $0x1  }
0x1a3: {  	v3 =	vpop (erf)  }
0x1a4: {  	s20 =	sadd.s32 $0x10, s20;
	[tilespmem:s21+$0x0] =	vst v3;
	s21 =	sadd.s32 $0x10, s21  }
0x1a5: {  	_ =	swait.ge [sflag:s13], $0x1000  }
0x1a6: {  	[sflag:s13] =	ssyncset.done $0x0  }
0x1a7: {  	[sflag:s13] =	ssyncadd.s32 $0xFFFFF000  }
0x1a8: {  	_ =	swait.ge [sflag:s14], $0x1000  }
0x1a9: {  	[sflag:s14] =	ssyncset.done $0x0  }
0x1aa: {  	s20 =	simm.s32 $0x180;
	s21 =	simm.s32 $0x8580;
	[sflag:s14] =	ssyncadd.s32 $0xFFFFF000  }
.LBB2_8:
0x1ab: {  	v3 =	vmov s20  }
0x1ac: {  	v3 =	vshll.u32 v3, $0x5  }
0x1ad: {  	v3 =	vor.u32 v0, v3;
	_ =	sdelay $0x1  }
0x1ae: {  	v4 =	vor.u32 $0x1, v3;
	_ =	sdelay $0x1  }
0x1af: {  	v5 =	vor.u32 $0x2, v3  }
0x1b0: {  	v6 =	vld.idx.msk [tilespmem:v3+s16+$0x0], $0xffff  }
0x1b1: {  	v8 =	vor.u32 $0x3, v3;
	v7 =	vld.idx.msk [tilespmem:v3+s17+$0x0], $0xffff  }
0x1b2: {  	v9 =	vld.idx.msk [tilespmem:v4+s16+$0x0], $0xffff  }
0x1b3: {  	v10 =	vor.u32 $0x4, v3;
	v4 =	vld.idx.msk [tilespmem:v4+s17+$0x0], $0xffff  }
0x1b4: {  	v11 =	vld.idx.msk [tilespmem:v5+s16+$0x0], $0xffff  }
0x1b5: {  	v12 =	vor.u32 $0x5, v3;
	v5 =	vld.idx.msk [tilespmem:v5+s17+$0x0], $0xffff  }
0x1b6: {  	v13 =	vld.idx.msk [tilespmem:v8+s16+$0x0], $0xffff  }
0x1b7: {  	v14 =	vor.u32 $0x6, v3;
	v8 =	vld.idx.msk [tilespmem:v8+s17+$0x0], $0xffff  }
0x1b8: {  	v15 =	vld.idx.msk [tilespmem:v10+s16+$0x0], $0xffff  }
0x1b9: {  	v16 =	vor.u32 $0x7, v3;
	v10 =	vld.idx.msk [tilespmem:v10+s17+$0x0], $0xffff  }
0x1ba: {  	v17 =	vld.idx.msk [tilespmem:v12+s16+$0x0], $0xffff  }
0x1bb: {  	v18 =	vor.u32 $0x8, v3;
	v12 =	vld.idx.msk [tilespmem:v12+s17+$0x0], $0xffff  }
0x1bc: {  	v20 =	vld.idx.msk [tilespmem:v14+s16+$0x0], $0xffff;
	v19 =	vmul.f32 v7, v6  }
0x1bd: {  	v21 =	vor.u32 $0x9, v3;
	v14 =	vld.idx.msk [tilespmem:v14+s17+$0x0], $0xffff;
	v6 =	vmul.f32 v6, v6;
	v7 =	vmul.f32 v7, v7  }
0x1be: {  	v23 =	vld.idx.msk [tilespmem:v16+s16+$0x0], $0xffff;
	v22 =	vmul.f32 v4, v9;
	v9 =	vmul.f32 v9, v9  }
0x1bf: {  	v25 =	vor.u32 $0xA, v3;
	v16 =	vld.idx.msk [tilespmem:v16+s17+$0x0], $0xffff;
	v24 =	vmul.f32 v5, v11;
	v4 =	vmul.f32 v4, v4  }
0x1c0: {  	v33 =	vor.u32 $0xB, v3;
	v26 =	vld.idx.msk [tilespmem:v18+s16+$0x0], $0xffff;
	v11 =	vmul.f32 v11, v11;
	v5 =	vmul.f32 v5, v5  }
0x1c1: {  	v36 =	vor.u32 $0xC, v3;
	v18 =	vld.idx.msk [tilespmem:v18+s17+$0x0], $0xffff;
	v34 =	vmul.f32 v8, v13;
	v13 =	vmul.f32 v13, v13  }
0x1c2: {  	v40 =	vor.u32 $0xD, v3;
	v27 =	vld.idx.msk [tilespmem:v21+s16+$0x0], $0xffff;
	v35 =	vmul.f32 v8, v8;
	v37 =	vmul.f32 v10, v15  }
0x1c3: {  	v53 =	vor.u32 $0x11, v3;
	v21 =	vld.idx.msk [tilespmem:v21+s17+$0x0], $0xffff;
	v39 =	vmul.f32 v15, v15;
	v10 =	vmul.f32 v10, v10  }
0x1c4: {  	v58 =	vor.u32 $0x12, v3;
	v38 =	vld.idx.msk [tilespmem:v25+s16+$0x0], $0xffff;
	v41 =	vmul.f32 v12, v17;
	v43 =	vmul.f32 v17, v17  }
0x1c5: {  	v44 =	vor.u32 $0xE, v3;
	v28 =	vld.idx.msk [tilespmem:v25+s17+$0x0], $0xffff;
	v12 =	vmul.f32 v12, v12;
	v46 =	vmul.f32 v14, v20  }
0x1c6: {  	v30 =	vor.u32 $0xF, v3;
	v29 =	vld.idx.msk [tilespmem:v33+s16+$0x0], $0xffff;
	v47 =	vmul.f32 v20, v20;
	v14 =	vmul.f32 v14, v14  }
0x1c7: {  	v49 =	vor.u32 $0x10, v3;
	v48 =	vmul.f32 v16, v23;
	v8 =	vld.idx.msk [tilespmem:v40+s17+$0x0], $0xffff;
	v50 =	vmul.f32 v23, v23  }
0x1c8: {  	v61 =	vor.u32 $0x13, v3;
	v52 =	vmul.f32 v16, v16;
	v55 =	vmul.f32 v18, v26;
	v15 =	vld.idx.msk [tilespmem:v53+s17+$0x0], $0xffff  }
0x1c9: {  	v63 =	vor.u32 $0x14, v3;
	v56 =	vmul.f32 v26, v26;
	v18 =	vmul.f32 v18, v18;
	v16 =	vld.idx.msk [tilespmem:v58+s16+$0x0], $0xffff  }
0x1ca: {  	v31 =	vmul.f32 v28, v38;
	v17 =	vld.idx.msk [tilespmem:v58+s17+$0x0], $0xffff;
	v19 =	vadd.f32 $0.0e+00, v19;
	v22 =	vadd.f32 $0.0e+00, v22  }
0x1cb: {  	v62 =	vmul.f32 v38, v38;
	v5 =	vadd.f32 v5, v7;
	v7 =	vadd.f32 v35, v4;
	v4 =	vld.idx.msk [tilespmem:v36+s16+$0x0], $0xffff  }
0x1cc: {  	v38 =	vor.u32 $0x15, v3;
	v6 =	vadd.f32 v11, v6;
	v19 =	vadd.f32 v24, v19;
	v24 =	vld.idx.msk [tilespmem:v33+s17+$0x0], $0xffff  }
0x1cd: {  	v59 =	vmul.f32 v21, v27;
	v9 =	vadd.f32 v13, v9;
	v10 =	vadd.f32 v10, v5;
	v5 =	vld.idx.msk [tilespmem:v36+s17+$0x0], $0xffff  }
0x1ce: {  	v60 =	vmul.f32 v27, v27;
	v11 =	vadd.f32 v34, v22;
	v42 =	vadd.f32 v39, v6;
	v6 =	vld.idx.msk [tilespmem:v40+s16+$0x0], $0xffff  }
0x1cf: {  	v21 =	vmul.f32 v21, v21;
	v45 =	vadd.f32 v43, v9;
	v12 =	vadd.f32 v12, v7;
	v7 =	vld.idx.msk [tilespmem:v44+s16+$0x0], $0xffff  }
0x1d0: {  	v35 =	vmul.f32 v28, v28;
	v9 =	vld.idx.msk [tilespmem:v44+s17+$0x0], $0xffff;
	v13 =	vadd.f32 v37, v19;
	v11 =	vadd.f32 v41, v11  }
0x1d1: {  	v37 =	vmul.f32 v29, v29;
	v22 =	vld.idx.msk [tilespmem:v38+s16+$0x0], $0xffff;
	v20 =	vadd.f32 v47, v42;
	v14 =	vadd.f32 v14, v10  }
0x1d2: {  	v43 =	vmul.f32 v8, v8;
	v54 =	vadd.f32 v50, v45;
	v10 =	vld.idx.msk [tilespmem:v30+s16+$0x0], $0xffff;
	v57 =	vadd.f32 v52, v12  }
0x1d3: {  	v12 =	vld.idx.msk [tilespmem:v30+s17+$0x0], $0xffff;
	v42 =	vor.u32 $0x16, v3;
	v50 =	vmul.f32 v15, v15;
	v13 =	vadd.f32 v46, v13  }
0x1d4: {  	v41 =	vmul.f32 v4, v4;
	v51 =	vadd.f32 v48, v11;
	v20 =	vadd.f32 v56, v20;
	v11 =	vld.idx.msk [tilespmem:v49+s16+$0x0], $0xffff  }
0x1d5: {  	v46 =	vor.u32 $0x18, v3;
	v18 =	vadd.f32 v18, v14;
	v14 =	vld.idx.msk [tilespmem:v49+s17+$0x0], $0xffff;
	v32 =	vadd.f32 v60, v54  }
0x1d6: {  	v21 =	vadd.f32 v21, v57;
	v29 =	vmul.f32 v24, v29;
	v19 =	vadd.f32 v55, v13;
	v13 =	vld.idx.msk [tilespmem:v53+s16+$0x0], $0xffff  }
0x1d7: {  	v24 =	vmul.f32 v24, v24;
	v33 =	vmul.f32 v5, v5;
	v39 =	vadd.f32 v35, v18;
	v18 =	vld.idx.msk [tilespmem:v61+s16+$0x0], $0xffff  }
0x1d8: {  	v34 =	vmul.f32 v6, v6;
	v44 =	vmul.f32 v7, v7;
	v36 =	vadd.f32 v62, v20;
	v20 =	vld.idx.msk [tilespmem:v63+s16+$0x0], $0xffff  }
0x1d9: {  	v45 =	vmul.f32 v9, v9;
	v23 =	vadd.f32 v59, v51;
	v24 =	vadd.f32 v24, v21;
	v21 =	vld.idx.msk [tilespmem:v63+s17+$0x0], $0xffff  }
0x1da: {  	v40 =	vadd.f32 v37, v32;
	v35 =	vor.u32 $0x17, v3;
	v25 =	vadd.f32 v31, v19;
	v19 =	vld.idx.msk [tilespmem:v61+s17+$0x0], $0xffff  }
0x1db: {  	v51 =	vmul.f32 v17, v17;
	v55 =	vmul.f32 v22, v22;
	v27 =	vld.idx.msk [tilespmem:v42+s17+$0x0], $0xffff;
	v26 =	vadd.f32 v41, v36  }
0x1dc: {  	v37 =	vmul.f32 v12, v12;
	v30 =	vadd.f32 v33, v39;
	v32 =	vadd.f32 v43, v24;
	v24 =	vld.idx.msk [tilespmem:v38+s17+$0x0], $0xffff  }
0x1dd: {  	v31 =	vadd.f32 v34, v40;
	v36 =	vmul.f32 v10, v10;
	v39 =	vor.u32 $0x1A, v3;
	v41 =	vld.idx.msk [tilespmem:v46+s16+$0x0], $0xffff  }
0x1de: {  	v38 =	vor.u32 $0x19, v3;
	v40 =	vmul.f32 v16, v16;
	v28 =	vld.idx.msk [tilespmem:v46+s17+$0x0], $0xffff;
	v43 =	vor.u32 $0x1C, v3  }
0x1df: {  	v46 =	vor.u32 $0x1D, v3;
	v47 =	vmul.f32 v11, v11;
	v33 =	vadd.f32 v44, v26;
	v26 =	vld.idx.msk [tilespmem:v42+s16+$0x0], $0xffff  }
0x1e0: {  	v48 =	vmul.f32 v14, v14;
	v30 =	vadd.f32 v45, v30;
	v32 =	vadd.f32 v37, v32;
	v37 =	vld.idx.msk [tilespmem:v35+s16+$0x0], $0xffff  }
0x1e1: {  	v31 =	vadd.f32 v36, v31;
	v49 =	vmul.f32 v13, v13;
	v42 =	vor.u32 $0x1B, v3;
	v35 =	vld.idx.msk [tilespmem:v35+s17+$0x0], $0xffff  }
0x1e2: {  	v52 =	vmul.f32 v18, v18;
	v54 =	vmul.f32 v20, v20;
	v33 =	vadd.f32 v47, v33;
	v45 =	vld.idx.msk [tilespmem:v39+s16+$0x0], $0xffff  }
0x1e3: {  	v44 =	vmul.f32 v21, v21;
	v30 =	vadd.f32 v48, v30;
	v31 =	vadd.f32 v49, v31;
	v39 =	vld.idx.msk [tilespmem:v39+s17+$0x0], $0xffff  }
0x1e4: {  	v32 =	vadd.f32 v50, v32;
	v53 =	vmul.f32 v19, v19;
	v47 =	vor.u32 $0x1E, v3;
	v48 =	vld.idx.msk [tilespmem:v43+s16+$0x0], $0xffff  }
0x1e5: {  	v58 =	vmul.f32 v27, v27;
	v3 =	vor.u32 $0x1F, v3;
	v56 =	vmul.f32 v24, v24;
	v43 =	vld.idx.msk [tilespmem:v43+s17+$0x0], $0xffff  }
0x1e6: {  	v60 =	vmul.f32 v41, v41;
	v33 =	vadd.f32 v40, v33;
	v40 =	vld.idx.msk [tilespmem:v38+s16+$0x0], $0xffff;
	v30 =	vadd.f32 v51, v30  }
0x1e7: {  	v50 =	vmul.f32 v28, v28;
	v38 =	vld.idx.msk [tilespmem:v38+s17+$0x0], $0xffff;
	v31 =	vadd.f32 v52, v31;
	v32 =	vadd.f32 v53, v32  }
0x1e8: {  	v51 =	vld.idx.msk [tilespmem:v46+s16+$0x0], $0xffff;
	v57 =	vmul.f32 v26, v26;
	v33 =	vadd.f32 v54, v33;
	v30 =	vadd.f32 v44, v30  }
0x1e9: {  	v44 =	vld.idx.msk [tilespmem:v42+s16+$0x0], $0xffff;
	v31 =	vadd.f32 v55, v31;
	v32 =	vadd.f32 v56, v32;
	v59 =	vmul.f32 v37, v37  }
0x1ea: {  	v42 =	vld.idx.msk [tilespmem:v42+s17+$0x0], $0xffff;
	v49 =	vmul.f32 v35, v35;
	v33 =	vadd.f32 v57, v33;
	v30 =	vadd.f32 v58, v30  }
0x1eb: {  	v46 =	vld.idx.msk [tilespmem:v46+s17+$0x0], $0xffff;
	v31 =	vadd.f32 v59, v31;
	v63 =	vmul.f32 v45, v45;
	v56 =	vmul.f32 v39, v39  }
0x1ec: {  	v52 =	vld.idx.msk [tilespmem:v3+s16+$0x0], $0xffff;
	v32 =	vadd.f32 v49, v32;
	v58 =	vmul.f32 v48, v48;
	v61 =	vmul.f32 v40, v40  }
0x1ed: {  	v49 =	vld.idx.msk [tilespmem:v47+s16+$0x0], $0xffff;
	v62 =	vmul.f32 v38, v38;
	v59 =	vmul.f32 v51, v51;
	v33 =	vadd.f32 v60, v33  }
0x1ee: {  	v47 =	vld.idx.msk [tilespmem:v47+s17+$0x0], $0xffff;
	v30 =	vadd.f32 v50, v30;
	v31 =	vadd.f32 v61, v31;
	v57 =	vmul.f32 v44, v44  }
0x1ef: {  	v3 =	vld.idx.msk [tilespmem:v3+s17+$0x0], $0xffff;
	v60 =	vmul.f32 v43, v43;
	v32 =	vadd.f32 v62, v32;
	v53 =	vmul.f32 v42, v42  }
0x1f0: {  	v61 =	vmul.f32 v46, v46;
	v33 =	vadd.f32 v63, v33;
	v31 =	vadd.f32 v57, v31  }
0x1f1: {  	v30 =	vadd.f32 v56, v30;
	v63 =	vmul.f32 v52, v52;
	v32 =	vadd.f32 v53, v32  }
0x1f2: {  	v62 =	vmul.f32 v49, v49;
	v33 =	vadd.f32 v58, v33;
	v31 =	vadd.f32 v59, v31  }
0x1f3: {  	v50 =	vmul.f32 v47, v47;
	v30 =	vadd.f32 v60, v30;
	v32 =	vadd.f32 v61, v32  }
0x1f4: {  	v53 =	vmul.f32 v3, v3;
	v33 =	vadd.f32 v62, v33;
	v31 =	vadd.f32 v63, v31  }
0x1f5: {  	v54 =	vadd.f32 v50, v30  }
0x1f6: {  	v4 =	vmul.f32 v5, v4;
	v55 =	vadd.f32 v53, v32;
	v56 =	vadd.f32 v31, v33  }
0x1f7: {  	v6 =	vmul.f32 v8, v6;
	v7 =	vmul.f32 v9, v7  }
0x1f8: {  	v23 =	vadd.f32 v29, v23;
	v5 =	vadd.f32 v55, v54;
	v57 =	vmax.f32 v56, $9.999999960e-13  }
0x1f9: {  	v10 =	vmul.f32 v12, v10;
	v58 =	vshra.s32 v57, $0x1;
	v8 =	vmul.f32 $5.000000000e-01, v57  }
0x1fa: {  	v4 =	vadd.f32 v4, v25;
	v5 =	vmax.f32 v5, $9.999999960e-13;
	v9 =	vsub.s32 $0x5F3759DF, v58  }
0x1fb: {  	v60 =	vshra.s32 v5, $0x1;
	v5 =	vmul.f32 $5.000000000e-01, v5;
	v59 =	vmul.f32 v9, v8  }
0x1fc: {  	v6 =	vadd.f32 v6, v23;
	v25 =	vmul.f32 v15, v13;
	v62 =	vsub.s32 $0x5F3759DF, v60  }
0x1fd: {  	v23 =	vmul.f32 v62, v5;
	v63 =	vmul.f32 v9, v59  }
0x1fe: {  	v4 =	vadd.f32 v7, v4;
	v6 =	vadd.f32 v10, v6;
	v61 =	vmul.f32 v14, v11  }
0x1ff: {  	v12 =	vmul.f32 v62, v23;
	v10 =	vsub.f32 $1.500000000e+00, v63  }
0x200: {  	v29 =	vmul.f32 v17, v16;
	v6 =	vadd.f32 v25, v6;
	v4 =	vadd.f32 v61, v4  }
0x201: {  	v30 =	vmul.f32 v19, v18;
	v32 =	vsub.f32 $1.500000000e+00, v12;
	v9 =	vmul.f32 v9, v10  }
0x202: {  	v4 =	vadd.f32 v29, v4;
	v31 =	vmul.f32 v21, v20;
	v33 =	vmul.f32 v24, v22  }
0x203: {  	v6 =	vadd.f32 v30, v6;
	v10 =	vmul.f32 v62, v32;
	v36 =	vmul.f32 v9, v8  }
0x204: {  	v34 =	vmul.f32 v27, v26;
	v37 =	vmul.f32 v35, v37;
	v4 =	vadd.f32 v31, v4  }
0x205: {  	v6 =	vadd.f32 v33, v6;
	v50 =	vmul.f32 v10, v5;
	v11 =	vmul.f32 v36, v9  }
0x206: {  	v53 =	vmul.f32 v28, v41;
	v54 =	vmul.f32 v38, v40;
	v4 =	vadd.f32 v34, v4  }
0x207: {  	v6 =	vadd.f32 v37, v6;
	v12 =	vmul.f32 v50, v10;
	v11 =	vsub.f32 $1.500000000e+00, v11  }
0x208: {  	v55 =	vmul.f32 v39, v45;
	v56 =	vmul.f32 v42, v44;
	v4 =	vadd.f32 v53, v4  }
0x209: {  	v6 =	vadd.f32 v54, v6;
	v57 =	vsub.f32 $1.500000000e+00, v12;
	v9 =	vmul.f32 v11, v9  }
0x20a: {  	v58 =	vmul.f32 v43, v48;
	v59 =	vmul.f32 v46, v51;
	v4 =	vadd.f32 v55, v4  }
0x20b: {  	v6 =	vadd.f32 v56, v6;
	v10 =	vmul.f32 v57, v10;
	v8 =	vmul.f32 v9, v8  }
0x20c: {  	v3 =	vmul.f32 v3, v52;
	v60 =	vmul.f32 v47, v49;
	v4 =	vadd.f32 v58, v4  }
0x20d: {  	v6 =	vadd.f32 v59, v6;
	v5 =	vmul.f32 v10, v5;
	v8 =	vmul.f32 v8, v9  }
0x20e: {  	v4 =	vadd.f32 v60, v4  }
0x20f: {  	v3 =	vadd.f32 v3, v6;
	v5 =	vmul.f32 v5, v10;
	v61 =	vsub.f32 $1.500000000e+00, v8;
	_ =	sdelay $0x1  }
0x210: {  	v3 =	vadd.f32 v3, v4;
	v5 =	vsub.f32 $1.500000000e+00, v5;
	v62 =	vmul.f32 v61, v9;
	_ =	sdelay $0x1  }
0x211: {  	v63 =	vmul.f32 v5, v10;
	v3 =	vmul.f32 v62, v3;
	_ =	sdelay $0x1  }
0x212: {  	v3 =	vmul.f32 v63, v3;
	_ =	sdelay $0x1  }
0x213: {  	v3 =	vmul.f32 v3, v1;
	_ =	sdelay $0x1  }
0x214: {  	v3 =	vadd.f32 v3, v2;
	_ =	sdelay $0x1  }
0x215: {  	v3 =	vsub.f32 $0.0e+00, v3;
	_ =	sdelay $0x1  }
0x216: {  	v3 =	vmul.f32 $1.442695020e+00, v3;
	_ =	sdelay $0x1  }
0x217: {  	(erf) = vpow2.f32 v3;
	_ =	sdelay $0x8  }
0x218: {  	v3 =	vpop (erf)  }
0x219: {  	v3 =	vadd.f32 $1.000000000e+00, v3;
	_ =	sdelay $0x1  }
0x21a: {  	(erf) = vrcp.f32 v3;
	_ =	sdelay $0x4  }
0x21b: {  	p0 =	sne.s32 s20, $0x1F0  }
.Ltmp3:
0x21c: {  	_ = 	snop;
	(pc) =	sbr.rel @p0 .LBB2_8-.Ltmp3, $3  }
0x21d: {  	_ =	sdelay $0x1  }
0x21e: {  	v3 =	vpop (erf)  }
0x21f: {  	s20 =	sadd.s32 $0x10, s20;
	[tilespmem:s21+$0x0] =	vst v3;
	s21 =	sadd.s32 $0x10, s21  }
0x220: {  	s19 =	sadd.s32 $0x1, s19  }
0x221: {  	p0 =	sne.s32 s19, s10  }
.Ltmp4:
0x222: {  	_ = 	snop;
	(pc) =	sbr.rel @p0 .LBB2_1-.Ltmp4, $4  }
0x223: {  	[hbm4b:s9+s3] =	stream.linear.scatter [tilespmem:s18], [sflag:$0x9], $0x200, $0x38;
	[tilespmem:$0x8620] =	vst v63  }
0x224: {  	_ =	swait.ge [sflag:s11], $0x200  }
0x225: {  	[sflag:s11] =	ssyncset.done $0x0  }
0x226: {  	[sflag:s11] =	ssyncadd.s32 $0xFFFFFE00  }
0x227: {  	_ =	sfence.sel $0x180000  }
0x228: {  	[bflag:$0x0] =	sbarrier.arrive $0xFFFF  }
0x229: {  	_ =	strace $0x90000047  }
0x22a: {  	s0 =	stileid.u32;
	[bflag:$0x2] =	sbarrier.arrive $0xFFFF  }
0x22b: {  	p0 =	sne.s32 s0, $0x0;
	s0 =	rddreg [dreg:$0x6]  }
0x22c: {  	s0 =	sadd.s32 @!p0 $0x100000, s0  }
0x22d: {  	[sflag:s0] =	ssyncadd.tile.s32 @!p0 $0x1;
	_ =	shalt  }
.Lfunc_end2:
_tile_overlayer_lowered:
.L_overlay_start_2:
0x22e: {  	(tag) =	ssettag $0x2  }
0x22f: {  	s0 =	rddreg [dreg:$0x0];
	s2 =	stileid.u32  }
0x230: {  	s1 =	rddreg [dreg:$0x1];
	p0 =	sne.s32 s2, $0x0  }
0x231: {  	s3 =	rddreg [dreg:$0x2];
	[bflag:$0x3] =	sbarrier.arrive $0xFFFF;
	s2 =	simm.s32 @!p0 $0x1C09  }
0x232: {  	[timem:s3], [sflag:s2] =	dma.local @!p0 [hbm:s0], s1  }
0x233: {  	s0 =	simm.s32 @!p0 $0x9  }
0x234: {  	_ =	swait.ge @!p0 [sflag:s0], s1  }
0x235: {  	s1 =	ssub.s32 @!p0 $0x0, s1;
	[sflag:s0] =	ssyncset.done @!p0 $0x0  }
0x236: {  	[sflag:s0] =	ssyncadd.s32 @!p0 s1  }
0x237: {  	[bflag:$0x3] =	sbarrier.arrive $0xFFFF  }
0x238: {  	_ =	shalt  }

</sc_bundles>
